<compile_context>
chip_gen: v7x
topology: tpu7x:2x2x1
jax: 0.10.2.dev20260603
libtpu: 0.0.44.dev20260713+nightly
codegen_flags: <defaults>
</compile_context>

<pallas_src>
import jax
import jax.numpy as jnp
from jax import lax
from jax.experimental import pallas as pl
from jax.experimental.pallas import tpu as pltpu, tpu_sc as plsc

B, C, H, W = 64, 2, 256, 256
NROWS = B * C * H
K = 128
NC = 2
NSC = 16
NWT = NC * NSC
BPW = B // NWT
EPW = BPW * K * C
CHUNK = 64
NCH = EPW // CHUNK
NBUF = 6


def _body(out_hbm, ind_hbm, mask_hbm, targ_hbm, part_hbm, res_hbm,
          ind_v, mask_v, targ_v, ridx_v, rows_v, part_v, all_v, res_v,
          *sems):
    cid = lax.axis_index("c")
    sid = lax.axis_index("s")
    wid = sid * NC + cid
    out2 = out_hbm.reshape(NROWS, W)

    pltpu.sync_copy(ind_hbm.at[pl.ds(wid * BPW, BPW)], ind_v)
    pltpu.sync_copy(mask_hbm.at[pl.ds(wid * BPW, BPW)], mask_v)
    pltpu.sync_copy(targ_hbm.at[pl.ds(wid * EPW, EPW)], targ_v)

    iota16 = lax.iota(jnp.int32, 16)

    for j in range(NCH):
        c = j >> 2
        bl = (j >> 1) & 1
        kb = (j & 1) * CHUNK
        rowbase = ((BPW * wid + bl) * C + c) * H
        for g in range(4):
            ind16 = ind_v[bl, pl.ds(kb + g * 16, 16)]
            ridx_v[j, pl.ds(g * 16, 16)] = (
                lax.shift_right_logical(ind16, 8) + rowbase)

    def fire(j):
        return pltpu.async_copy(out2.at[ridx_v.at[j]], rows_v.at[j % NBUF],
                                sems[j % NBUF])

    descs = [fire(j) for j in range(NBUF)]
    acc = jnp.zeros((16,), jnp.float32)
    for j in range(NCH):
        descs[j % NBUF].wait()
        c = j >> 2
        bl = (j >> 1) & 1
        kb = (j & 1) * CHUNK
        buf = rows_v.at[j % NBUF]
        for g in range(4):
            ind16 = ind_v[bl, pl.ds(kb + g * 16, 16)]
            col = ind16 & 255
            pred = plsc.load_gather(buf, [iota16 + g * 16, col])
            m = mask_v[bl, pl.ds(kb + g * 16, 16)].astype(jnp.float32)
            t = targ_v[pl.ds(bl * K * C + c * K + kb + g * 16, 16)]
            acc = acc + jnp.abs(pred * m - t * m)
        if j + NBUF < NCH:
            descs[j % NBUF] = fire(j + NBUF)

    part_v[...] = acc
    pltpu.sync_copy(part_v, part_hbm.at[cid, sid])
    plsc.subcore_barrier()

    @pl.when(sid == 0)
    def _():
        pltpu.sync_copy(part_hbm.at[cid], all_v)
        tot = all_v[0]
        for r in range(1, NSC):
            tot = tot + all_v[r]
        s = tot[0]
        for l in range(1, 16):
            s = s + tot[l]
        res_v[...] = jnp.broadcast_to(s * (1.0 / (B * K * C)), (16,))
        pltpu.sync_copy(res_v, res_hbm.at[cid])


_l1 = pl.kernel(
    _body,
    out_type=(
        jax.ShapeDtypeStruct((NC, NSC, 16), jnp.float32),
        jax.ShapeDtypeStruct((NC, 16), jnp.float32),
    ),
    mesh=plsc.VectorSubcoreMesh(core_axis_name="c", subcore_axis_name="s",
                                num_cores=NC),
    compiler_params=pltpu.CompilerParams(use_tc_tiling_on_sc=True,
                                         needs_layout_passes=False),
    scratch_types=[
        pltpu.VMEM((BPW, K), jnp.int32),
        pltpu.VMEM((BPW, K), jnp.int32),
        pltpu.VMEM((EPW,), jnp.float32),
        pltpu.VMEM((NCH, CHUNK), jnp.int32),
        pltpu.VMEM((NBUF, CHUNK, W), jnp.float32),
        pltpu.VMEM((16,), jnp.float32),
        pltpu.VMEM((NSC, 16), jnp.float32),
        pltpu.VMEM((16,), jnp.float32),
    ] + [pltpu.SemaphoreType.DMA] * NBUF,
)


def kernel(output, mask, ind, target):
    targ_flat = jnp.transpose(target, (0, 2, 1)).reshape(-1)
    _, res = _l1(output, ind.astype(jnp.int32), mask, targ_flat)
    return res[0, 0] + res[1, 0]

# --- scband reference (transcript-rebuilt; emitter-appended) ---
"""Pipeline reference for scband-l1-loss-17772574670924 (READ-ONLY COPY).

The authoritative reference and input builder live on the scoring server;
editing this copy changes nothing except your own understanding.
"""

import jax, jax.numpy as jnp
import numpy as np

B, C, H, W = 64, 2, 256, 256
K = 128

def setup_inputs(seed: int = 0) -> dict:
    key = jax.random.key(seed)
    k1, k2, k3, k4 = jax.random.split(key, 4)
    output = jax.random.normal(k1, (B, C, H, W), dtype=jnp.float32)
    mask = jax.random.randint(k2, (B, K), 0, 2, dtype=jnp.int32)
    ind = jax.random.randint(k3, (B, K), 0, H * W, dtype=jnp.int64)
    target = jax.random.normal(k4, (B, K, C), dtype=jnp.float32)
    return {"output": output, "mask": mask, "ind": ind, "target": target}

def _transpose_and_gather_feat(feat, ind):
    # feat: [B, C, H, W] -> [B, H*W, C]
    b, c, h, w = feat.shape
    feat = jnp.transpose(feat, (0, 2, 3, 1)).reshape(b, h * w, c)
    idx = jnp.broadcast_to(ind[:, :, None], (b, ind.shape[1], c))
    return jnp.take_along_axis(feat, idx, axis=1)

def reference(output, mask, ind, target):
    pred = _transpose_and_gather_feat(output, ind)  # [B, K, C]
    mask_f = jnp.broadcast_to(mask[:, :, None], pred.shape).astype(jnp.float32)
    # F.l1_loss with mean reduction over all elements
    loss = jnp.mean(jnp.abs(pred * mask_f - target * mask_f))
    return loss

if __name__ == "__main__":
    import jax
    _d = setup_inputs()
    print(jax.jit(kernel)(*tuple(_d.values())))

</pallas_src>

<mosaic_0001>
#map = affine_map<(d0, d1) -> (0, 0, 0, 0)>
#map1 = affine_map<(d0, d1) -> (0, 0)>
#map2 = affine_map<(d0, d1) -> (0)>
#map3 = affine_map<(d0, d1) -> (0, 0, 0)>
module attributes {stable_mosaic.version = 14 : i64} {
  func.func @_body(%arg0: i32, %arg1: i32, %arg2: memref<64x2x256x256xf32, #tpu.memory_space<hbm>>, %arg3: memref<64x128xi32, #tpu.memory_space<hbm>>, %arg4: memref<64x128xi32, #tpu.memory_space<hbm>>, %arg5: memref<16384xf32, #tpu.memory_space<hbm>>, %arg6: memref<2x16x16xf32, #tpu.memory_space<hbm>>, %arg7: memref<2x16xf32, #tpu.memory_space<hbm>>, %arg8: memref<2x128xi32, #tpu.memory_space<vmem>>, %arg9: memref<2x128xi32, #tpu.memory_space<vmem>>, %arg10: memref<512xf32, #tpu.memory_space<vmem>>, %arg11: memref<8x64xi32, #tpu.memory_space<vmem>>, %arg12: memref<6x64x256xf32, #tpu.memory_space<vmem>>, %arg13: memref<16xf32, #tpu.memory_space<vmem>>, %arg14: memref<16x16xf32, #tpu.memory_space<vmem>>, %arg15: memref<16xf32, #tpu.memory_space<vmem>>, %arg16: memref<!tpu.dma_semaphore, #tpu.memory_space<semaphore_mem>>, %arg17: memref<!tpu.dma_semaphore, #tpu.memory_space<semaphore_mem>>, %arg18: memref<!tpu.dma_semaphore, #tpu.memory_space<semaphore_mem>>, %arg19: memref<!tpu.dma_semaphore, #tpu.memory_space<semaphore_mem>>, %arg20: memref<!tpu.dma_semaphore, #tpu.memory_space<semaphore_mem>>, %arg21: memref<!tpu.dma_semaphore, #tpu.memory_space<semaphore_mem>>) attributes {dimension_semantics = [#tpu.dimension_semantics<core_parallel>, #tpu.dimension_semantics<subcore_parallel>], iteration_bounds = array<i64: 2, 16>, scalar_prefetch = 0 : i64, scratch_operands = 14 : i64, tpu.core_type = #tpu.core_type<sc_vector_subcore>, window_params = [{transform_indices = #map}, {transform_indices = #map1}, {transform_indices = #map1}, {transform_indices = #map2}, {transform_indices = #map3}, {transform_indices = #map1}]} {
    %mul3A = arith.constant 2 : i32
    %mul3A_0 = arith.muli %arg1, %mul3A : i32
    %add3A = arith.addi %mul3A_0, %arg0 : i32
    %mul3A_1 = arith.constant 2 : i32
    %mul3A_2 = arith.muli %add3A, %mul3A_1 : i32
    "tpu.region"() ({
      %run_scoped3A = tpu.sem_alloc : memref<!tpu.dma_semaphore, #tpu.memory_space<semaphore_mem>>
      %dma_start3A_1603 = arith.constant 0 : i32
      %dma_start3A_1604 = tpu.memref_slice %arg3[%mul3A_2, %dma_start3A_1603] : memref<64x128xi32, #tpu.memory_space<hbm>> -> memref<2x128xi32, #tpu.memory_space<hbm>>
      %dma_start3A_1605 = arith.constant 0 : i32
      %dma_start3A_1606 = tpu.memref_slice %arg3[%mul3A_2, %dma_start3A_1605] : memref<64x128xi32, #tpu.memory_space<hbm>> -> memref<2x128xi32, #tpu.memory_space<hbm>>
      tpu.enqueue_dma source(%dma_start3A_1606 : memref<2x128xi32, #tpu.memory_space<hbm>>) target(%arg8 : memref<2x128xi32, #tpu.memory_space<vmem>>) target_semaphore(%run_scoped3A : memref<!tpu.dma_semaphore, #tpu.memory_space<semaphore_mem>>)
      %dma_wait3A_1607 = arith.constant 0 : i32
      %dma_wait3A_1608 = tpu.memref_slice %arg3[%mul3A_2, %dma_wait3A_1607] : memref<64x128xi32, #tpu.memory_space<hbm>> -> memref<2x128xi32, #tpu.memory_space<hbm>>
      %dma_wait3A_1609 = arith.constant 0 : i32
      %dma_wait3A_1610 = tpu.memref_slice %arg3[%mul3A_2, %dma_wait3A_1609] : memref<64x128xi32, #tpu.memory_space<hbm>> -> memref<2x128xi32, #tpu.memory_space<hbm>>
      tpu.wait_dma2 semaphore(%run_scoped3A : memref<!tpu.dma_semaphore, #tpu.memory_space<semaphore_mem>>) src(%dma_wait3A_1610 : memref<2x128xi32, #tpu.memory_space<hbm>>) dst(%arg8 : memref<2x128xi32, #tpu.memory_space<vmem>>)
      tpu.yield
    }) : () -> ()
    %mul3A_3 = arith.constant 2 : i32
    %mul3A_4 = arith.muli %add3A, %mul3A_3 : i32
    "tpu.region"() ({
      %run_scoped3A = tpu.sem_alloc : memref<!tpu.dma_semaphore, #tpu.memory_space<semaphore_mem>>
      %dma_start3A_1603 = arith.constant 0 : i32
      %dma_start3A_1604 = tpu.memref_slice %arg4[%mul3A_4, %dma_start3A_1603] : memref<64x128xi32, #tpu.memory_space<hbm>> -> memref<2x128xi32, #tpu.memory_space<hbm>>
      %dma_start3A_1605 = arith.constant 0 : i32
      %dma_start3A_1606 = tpu.memref_slice %arg4[%mul3A_4, %dma_start3A_1605] : memref<64x128xi32, #tpu.memory_space<hbm>> -> memref<2x128xi32, #tpu.memory_space<hbm>>
      tpu.enqueue_dma source(%dma_start3A_1606 : memref<2x128xi32, #tpu.memory_space<hbm>>) target(%arg9 : memref<2x128xi32, #tpu.memory_space<vmem>>) target_semaphore(%run_scoped3A : memref<!tpu.dma_semaphore, #tpu.memory_space<semaphore_mem>>)
      %dma_wait3A_1607 = arith.constant 0 : i32
      %dma_wait3A_1608 = tpu.memref_slice %arg4[%mul3A_4, %dma_wait3A_1607] : memref<64x128xi32, #tpu.memory_space<hbm>> -> memref<2x128xi32, #tpu.memory_space<hbm>>
      %dma_wait3A_1609 = arith.constant 0 : i32
      %dma_wait3A_1610 = tpu.memref_slice %arg4[%mul3A_4, %dma_wait3A_1609] : memref<64x128xi32, #tpu.memory_space<hbm>> -> memref<2x128xi32, #tpu.memory_space<hbm>>
      tpu.wait_dma2 semaphore(%run_scoped3A : memref<!tpu.dma_semaphore, #tpu.memory_space<semaphore_mem>>) src(%dma_wait3A_1610 : memref<2x128xi32, #tpu.memory_space<hbm>>) dst(%arg9 : memref<2x128xi32, #tpu.memory_space<vmem>>)
      tpu.yield
    }) : () -> ()
    %mul3A_5 = arith.constant 512 : i32
    %mul3A_6 = arith.muli %add3A, %mul3A_5 : i32
    "tpu.region"() ({
      %run_scoped3A = tpu.sem_alloc : memref<!tpu.dma_semaphore, #tpu.memory_space<semaphore_mem>>
      %dma_start3A_1603 = tpu.memref_slice %arg5[%mul3A_6] : memref<16384xf32, #tpu.memory_space<hbm>> -> memref<512xf32, #tpu.memory_space<hbm>>
      %dma_start3A_1604 = tpu.memref_slice %arg5[%mul3A_6] : memref<16384xf32, #tpu.memory_space<hbm>> -> memref<512xf32, #tpu.memory_space<hbm>>
      tpu.enqueue_dma source(%dma_start3A_1604 : memref<512xf32, #tpu.memory_space<hbm>>) target(%arg10 : memref<512xf32, #tpu.memory_space<vmem>>) target_semaphore(%run_scoped3A : memref<!tpu.dma_semaphore, #tpu.memory_space<semaphore_mem>>)
      %dma_wait3A_1605 = tpu.memref_slice %arg5[%mul3A_6] : memref<16384xf32, #tpu.memory_space<hbm>> -> memref<512xf32, #tpu.memory_space<hbm>>
      %dma_wait3A_1606 = tpu.memref_slice %arg5[%mul3A_6] : memref<16384xf32, #tpu.memory_space<hbm>> -> memref<512xf32, #tpu.memory_space<hbm>>
      tpu.wait_dma2 semaphore(%run_scoped3A : memref<!tpu.dma_semaphore, #tpu.memory_space<semaphore_mem>>) src(%dma_wait3A_1606 : memref<512xf32, #tpu.memory_space<hbm>>) dst(%arg10 : memref<512xf32, #tpu.memory_space<vmem>>)
      tpu.yield
    }) : () -> ()
    %iota3A = tpu.iota {dimensions = array<i32: 0>} : vector<16xi32>
    %mul3A_7 = arith.constant 2 : i32
    %mul3A_8 = arith.muli %mul3A_7, %add3A : i32
    %add3A_9 = arith.constant 0 : i32
    %add3A_10 = arith.addi %mul3A_8, %add3A_9 : i32
    %mul3A_11 = arith.constant 2 : i32
    %mul3A_12 = arith.muli %add3A_10, %mul3A_11 : i32
    %add3A_13 = arith.constant 0 : i32
    %add3A_14 = arith.addi %mul3A_12, %add3A_13 : i32
    %mul3A_15 = arith.constant 256 : i32
    %mul3A_16 = arith.muli %add3A_14, %mul3A_15 : i32
    %get3A = arith.constant 0 : i32
    %get3A_17 = arith.index_cast %get3A : i32 to index
    %get3A_18 = arith.constant 0 : index
    %get3A_19 = tpu.vector_load %arg8[%get3A_17, %get3A_18] {strides = array<i32>} : memref<2x128xi32, #tpu.memory_space<vmem>>, vector<16xi32>,
    %shift_right_logical3A = arith.constant 8 : i32
    %shift_right_logical3A_20 = vector.broadcast %shift_right_logical3A : i32 to vector<16xi32>
    %shift_right_logical3A_21 = arith.shrui %get3A_19, %shift_right_logical3A_20 : vector<16xi32>
    %add3A_22 = vector.broadcast %mul3A_16 : i32 to vector<16xi32>
    %add3A_23 = arith.addi %shift_right_logical3A_21, %add3A_22 : vector<16xi32>
    %swap3A = arith.constant 0 : i32
    %swap3A_24 = arith.index_cast %swap3A : i32 to index
    %swap3A_25 = arith.constant 0 : index
    %swap3A_26 = tpu.vector_load %arg11[%swap3A_24, %swap3A_25] {strides = array<i32>} : memref<8x64xi32, #tpu.memory_space<vmem>>, vector<16xi32>,
    tpu.vector_store %arg11[%swap3A_24, %swap3A_25], %add3A_23 {strides = array<i32>} : memref<8x64xi32, #tpu.memory_space<vmem>>, vector<16xi32>,
    %get3A_27 = arith.constant 0 : i32
    %get3A_28 = arith.index_cast %get3A_27 : i32 to index
    %get3A_29 = arith.constant 16 : index
    %get3A_30 = tpu.vector_load %arg8[%get3A_28, %get3A_29] {strides = array<i32>} : memref<2x128xi32, #tpu.memory_space<vmem>>, vector<16xi32>,
    %shift_right_logical3A_31 = arith.constant 8 : i32
    %shift_right_logical3A_32 = vector.broadcast %shift_right_logical3A_31 : i32 to vector<16xi32>
    %shift_right_logical3A_33 = arith.shrui %get3A_30, %shift_right_logical3A_32 : vector<16xi32>
    %add3A_34 = vector.broadcast %mul3A_16 : i32 to vector<16xi32>
    %add3A_35 = arith.addi %shift_right_logical3A_33, %add3A_34 : vector<16xi32>
    %swap3A_36 = arith.constant 0 : i32
    %swap3A_37 = arith.index_cast %swap3A_36 : i32 to index
    %swap3A_38 = arith.constant 16 : index
    %swap3A_39 = tpu.vector_load %arg11[%swap3A_37, %swap3A_38] {strides = array<i32>} : memref<8x64xi32, #tpu.memory_space<vmem>>, vector<16xi32>,
    tpu.vector_store %arg11[%swap3A_37, %swap3A_38], %add3A_35 {strides = array<i32>} : memref<8x64xi32, #tpu.memory_space<vmem>>, vector<16xi32>,
    %get3A_40 = arith.constant 0 : i32
    %get3A_41 = arith.index_cast %get3A_40 : i32 to index
    %get3A_42 = arith.constant 32 : index
    %get3A_43 = tpu.vector_load %arg8[%get3A_41, %get3A_42] {strides = array<i32>} : memref<2x128xi32, #tpu.memory_space<vmem>>, vector<16xi32>,
    %shift_right_logical3A_44 = arith.constant 8 : i32
    %shift_right_logical3A_45 = vector.broadcast %shift_right_logical3A_44 : i32 to vector<16xi32>
    %shift_right_logical3A_46 = arith.shrui %get3A_43, %shift_right_logical3A_45 : vector<16xi32>
    %add3A_47 = vector.broadcast %mul3A_16 : i32 to vector<16xi32>
    %add3A_48 = arith.addi %shift_right_logical3A_46, %add3A_47 : vector<16xi32>
    %swap3A_49 = arith.constant 0 : i32
    %swap3A_50 = arith.index_cast %swap3A_49 : i32 to index
    %swap3A_51 = arith.constant 32 : index
    %swap3A_52 = tpu.vector_load %arg11[%swap3A_50, %swap3A_51] {strides = array<i32>} : memref<8x64xi32, #tpu.memory_space<vmem>>, vector<16xi32>,
    tpu.vector_store %arg11[%swap3A_50, %swap3A_51], %add3A_48 {strides = array<i32>} : memref<8x64xi32, #tpu.memory_space<vmem>>, vector<16xi32>,
    %get3A_53 = arith.constant 0 : i32
    %get3A_54 = arith.index_cast %get3A_53 : i32 to index
    %get3A_55 = arith.constant 48 : index
    %get3A_56 = tpu.vector_load %arg8[%get3A_54, %get3A_55] {strides = array<i32>} : memref<2x128xi32, #tpu.memory_space<vmem>>, vector<16xi32>,
    %shift_right_logical3A_57 = arith.constant 8 : i32
    %shift_right_logical3A_58 = vector.broadcast %shift_right_logical3A_57 : i32 to vector<16xi32>
    %shift_right_logical3A_59 = arith.shrui %get3A_56, %shift_right_logical3A_58 : vector<16xi32>
    %add3A_60 = vector.broadcast %mul3A_16 : i32 to vector<16xi32>
    %add3A_61 = arith.addi %shift_right_logical3A_59, %add3A_60 : vector<16xi32>
    %swap3A_62 = arith.constant 0 : i32
    %swap3A_63 = arith.index_cast %swap3A_62 : i32 to index
    %swap3A_64 = arith.constant 48 : index
    %swap3A_65 = tpu.vector_load %arg11[%swap3A_63, %swap3A_64] {strides = array<i32>} : memref<8x64xi32, #tpu.memory_space<vmem>>, vector<16xi32>,
    tpu.vector_store %arg11[%swap3A_63, %swap3A_64], %add3A_61 {strides = array<i32>} : memref<8x64xi32, #tpu.memory_space<vmem>>, vector<16xi32>,
    %mul3A_66 = arith.constant 2 : i32
    %mul3A_67 = arith.muli %mul3A_66, %add3A : i32
    %add3A_68 = arith.constant 0 : i32
    %add3A_69 = arith.addi %mul3A_67, %add3A_68 : i32
    %mul3A_70 = arith.constant 2 : i32
    %mul3A_71 = arith.muli %add3A_69, %mul3A_70 : i32
    %add3A_72 = arith.constant 0 : i32
    %add3A_73 = arith.addi %mul3A_71, %add3A_72 : i32
    %mul3A_74 = arith.constant 256 : i32
    %mul3A_75 = arith.muli %add3A_73, %mul3A_74 : i32
    %get3A_76 = arith.constant 0 : i32
    %get3A_77 = arith.index_cast %get3A_76 : i32 to index
    %get3A_78 = arith.constant 64 : index
    %get3A_79 = tpu.vector_load %arg8[%get3A_77, %get3A_78] {strides = array<i32>} : memref<2x128xi32, #tpu.memory_space<vmem>>, vector<16xi32>,
    %shift_right_logical3A_80 = arith.constant 8 : i32
    %shift_right_logical3A_81 = vector.broadcast %shift_right_logical3A_80 : i32 to vector<16xi32>
    %shift_right_logical3A_82 = arith.shrui %get3A_79, %shift_right_logical3A_81 : vector<16xi32>
    %add3A_83 = vector.broadcast %mul3A_75 : i32 to vector<16xi32>
    %add3A_84 = arith.addi %shift_right_logical3A_82, %add3A_83 : vector<16xi32>
    %swap3A_85 = arith.constant 1 : i32
    %swap3A_86 = arith.index_cast %swap3A_85 : i32 to index
    %swap3A_87 = arith.constant 0 : index
    %swap3A_88 = tpu.vector_load %arg11[%swap3A_86, %swap3A_87] {strides = array<i32>} : memref<8x64xi32, #tpu.memory_space<vmem>>, vector<16xi32>,
    tpu.vector_store %arg11[%swap3A_86, %swap3A_87], %add3A_84 {strides = array<i32>} : memref<8x64xi32, #tpu.memory_space<vmem>>, vector<16xi32>,
    %get3A_89 = arith.constant 0 : i32
    %get3A_90 = arith.index_cast %get3A_89 : i32 to index
    %get3A_91 = arith.constant 80 : index
    %get3A_92 = tpu.vector_load %arg8[%get3A_90, %get3A_91] {strides = array<i32>} : memref<2x128xi32, #tpu.memory_space<vmem>>, vector<16xi32>,
    %shift_right_logical3A_93 = arith.constant 8 : i32
    %shift_right_logical3A_94 = vector.broadcast %shift_right_logical3A_93 : i32 to vector<16xi32>
    %shift_right_logical3A_95 = arith.shrui %get3A_92, %shift_right_logical3A_94 : vector<16xi32>
    %add3A_96 = vector.broadcast %mul3A_75 : i32 to vector<16xi32>
    %add3A_97 = arith.addi %shift_right_logical3A_95, %add3A_96 : vector<16xi32>
    %swap3A_98 = arith.constant 1 : i32
    %swap3A_99 = arith.index_cast %swap3A_98 : i32 to index
    %swap3A_100 = arith.constant 16 : index
    %swap3A_101 = tpu.vector_load %arg11[%swap3A_99, %swap3A_100] {strides = array<i32>} : memref<8x64xi32, #tpu.memory_space<vmem>>, vector<16xi32>,
    tpu.vector_store %arg11[%swap3A_99, %swap3A_100], %add3A_97 {strides = array<i32>} : memref<8x64xi32, #tpu.memory_space<vmem>>, vector<16xi32>,
    %get3A_102 = arith.constant 0 : i32
    %get3A_103 = arith.index_cast %get3A_102 : i32 to index
    %get3A_104 = arith.constant 96 : index
    %get3A_105 = tpu.vector_load %arg8[%get3A_103, %get3A_104] {strides = array<i32>} : memref<2x128xi32, #tpu.memory_space<vmem>>, vector<16xi32>,
    %shift_right_logical3A_106 = arith.constant 8 : i32
    %shift_right_logical3A_107 = vector.broadcast %shift_right_logical3A_106 : i32 to vector<16xi32>
    %shift_right_logical3A_108 = arith.shrui %get3A_105, %shift_right_logical3A_107 : vector<16xi32>
    %add3A_109 = vector.broadcast %mul3A_75 : i32 to vector<16xi32>
    %add3A_110 = arith.addi %shift_right_logical3A_108, %add3A_109 : vector<16xi32>
    %swap3A_111 = arith.constant 1 : i32
    %swap3A_112 = arith.index_cast %swap3A_111 : i32 to index
    %swap3A_113 = arith.constant 32 : index
    %swap3A_114 = tpu.vector_load %arg11[%swap3A_112, %swap3A_113] {strides = array<i32>} : memref<8x64xi32, #tpu.memory_space<vmem>>, vector<16xi32>,
    tpu.vector_store %arg11[%swap3A_112, %swap3A_113], %add3A_110 {strides = array<i32>} : memref<8x64xi32, #tpu.memory_space<vmem>>, vector<16xi32>,
    %get3A_115 = arith.constant 0 : i32
    %get3A_116 = arith.index_cast %get3A_115 : i32 to index
    %get3A_117 = arith.constant 112 : index
    %get3A_118 = tpu.vector_load %arg8[%get3A_116, %get3A_117] {strides = array<i32>} : memref<2x128xi32, #tpu.memory_space<vmem>>, vector<16xi32>,
    %shift_right_logical3A_119 = arith.constant 8 : i32
    %shift_right_logical3A_120 = vector.broadcast %shift_right_logical3A_119 : i32 to vector<16xi32>
    %shift_right_logical3A_121 = arith.shrui %get3A_118, %shift_right_logical3A_120 : vector<16xi32>
    %add3A_122 = vector.broadcast %mul3A_75 : i32 to vector<16xi32>
    %add3A_123 = arith.addi %shift_right_logical3A_121, %add3A_122 : vector<16xi32>
    %swap3A_124 = arith.constant 1 : i32
    %swap3A_125 = arith.index_cast %swap3A_124 : i32 to index
    %swap3A_126 = arith.constant 48 : index
    %swap3A_127 = tpu.vector_load %arg11[%swap3A_125, %swap3A_126] {strides = array<i32>} : memref<8x64xi32, #tpu.memory_space<vmem>>, vector<16xi32>,
    tpu.vector_store %arg11[%swap3A_125, %swap3A_126], %add3A_123 {strides = array<i32>} : memref<8x64xi32, #tpu.memory_space<vmem>>, vector<16xi32>,
    %mul3A_128 = arith.constant 2 : i32
    %mul3A_129 = arith.muli %mul3A_128, %add3A : i32
    %add3A_130 = arith.constant 1 : i32
    %add3A_131 = arith.addi %mul3A_129, %add3A_130 : i32
    %mul3A_132 = arith.constant 2 : i32
    %mul3A_133 = arith.muli %add3A_131, %mul3A_132 : i32
    %add3A_134 = arith.constant 0 : i32
    %add3A_135 = arith.addi %mul3A_133, %add3A_134 : i32
    %mul3A_136 = arith.constant 256 : i32
    %mul3A_137 = arith.muli %add3A_135, %mul3A_136 : i32
    %get3A_138 = arith.constant 1 : i32
    %get3A_139 = arith.index_cast %get3A_138 : i32 to index
    %get3A_140 = arith.constant 0 : index
    %get3A_141 = tpu.vector_load %arg8[%get3A_139, %get3A_140] {strides = array<i32>} : memref<2x128xi32, #tpu.memory_space<vmem>>, vector<16xi32>,
    %shift_right_logical3A_142 = arith.constant 8 : i32
    %shift_right_logical3A_143 = vector.broadcast %shift_right_logical3A_142 : i32 to vector<16xi32>
    %shift_right_logical3A_144 = arith.shrui %get3A_141, %shift_right_logical3A_143 : vector<16xi32>
    %add3A_145 = vector.broadcast %mul3A_137 : i32 to vector<16xi32>
    %add3A_146 = arith.addi %shift_right_logical3A_144, %add3A_145 : vector<16xi32>
    %swap3A_147 = arith.constant 2 : i32
    %swap3A_148 = arith.index_cast %swap3A_147 : i32 to index
    %swap3A_149 = arith.constant 0 : index
    %swap3A_150 = tpu.vector_load %arg11[%swap3A_148, %swap3A_149] {strides = array<i32>} : memref<8x64xi32, #tpu.memory_space<vmem>>, vector<16xi32>,
    tpu.vector_store %arg11[%swap3A_148, %swap3A_149], %add3A_146 {strides = array<i32>} : memref<8x64xi32, #tpu.memory_space<vmem>>, vector<16xi32>,
    %get3A_151 = arith.constant 1 : i32
    %get3A_152 = arith.index_cast %get3A_151 : i32 to index
    %get3A_153 = arith.constant 16 : index
    %get3A_154 = tpu.vector_load %arg8[%get3A_152, %get3A_153] {strides = array<i32>} : memref<2x128xi32, #tpu.memory_space<vmem>>, vector<16xi32>,
    %shift_right_logical3A_155 = arith.constant 8 : i32
    %shift_right_logical3A_156 = vector.broadcast %shift_right_logical3A_155 : i32 to vector<16xi32>
    %shift_right_logical3A_157 = arith.shrui %get3A_154, %shift_right_logical3A_156 : vector<16xi32>
    %add3A_158 = vector.broadcast %mul3A_137 : i32 to vector<16xi32>
    %add3A_159 = arith.addi %shift_right_logical3A_157, %add3A_158 : vector<16xi32>
    %swap3A_160 = arith.constant 2 : i32
    %swap3A_161 = arith.index_cast %swap3A_160 : i32 to index
    %swap3A_162 = arith.constant 16 : index
    %swap3A_163 = tpu.vector_load %arg11[%swap3A_161, %swap3A_162] {strides = array<i32>} : memref<8x64xi32, #tpu.memory_space<vmem>>, vector<16xi32>,
    tpu.vector_store %arg11[%swap3A_161, %swap3A_162], %add3A_159 {strides = array<i32>} : memref<8x64xi32, #tpu.memory_space<vmem>>, vector<16xi32>,
    %get3A_164 = arith.constant 1 : i32
    %get3A_165 = arith.index_cast %get3A_164 : i32 to index
    %get3A_166 = arith.constant 32 : index
    %get3A_167 = tpu.vector_load %arg8[%get3A_165, %get3A_166] {strides = array<i32>} : memref<2x128xi32, #tpu.memory_space<vmem>>, vector<16xi32>,
    %shift_right_logical3A_168 = arith.constant 8 : i32
    %shift_right_logical3A_169 = vector.broadcast %shift_right_logical3A_168 : i32 to vector<16xi32>
    %shift_right_logical3A_170 = arith.shrui %get3A_167, %shift_right_logical3A_169 : vector<16xi32>
    %add3A_171 = vector.broadcast %mul3A_137 : i32 to vector<16xi32>
    %add3A_172 = arith.addi %shift_right_logical3A_170, %add3A_171 : vector<16xi32>
    %swap3A_173 = arith.constant 2 : i32
    %swap3A_174 = arith.index_cast %swap3A_173 : i32 to index
    %swap3A_175 = arith.constant 32 : index
    %swap3A_176 = tpu.vector_load %arg11[%swap3A_174, %swap3A_175] {strides = array<i32>} : memref<8x64xi32, #tpu.memory_space<vmem>>, vector<16xi32>,
    tpu.vector_store %arg11[%swap3A_174, %swap3A_175], %add3A_172 {strides = array<i32>} : memref<8x64xi32, #tpu.memory_space<vmem>>, vector<16xi32>,
    %get3A_177 = arith.constant 1 : i32
    %get3A_178 = arith.index_cast %get3A_177 : i32 to index
    %get3A_179 = arith.constant 48 : index
    %get3A_180 = tpu.vector_load %arg8[%get3A_178, %get3A_179] {strides = array<i32>} : memref<2x128xi32, #tpu.memory_space<vmem>>, vector<16xi32>,
    %shift_right_logical3A_181 = arith.constant 8 : i32
    %shift_right_logical3A_182 = vector.broadcast %shift_right_logical3A_181 : i32 to vector<16xi32>
    %shift_right_logical3A_183 = arith.shrui %get3A_180, %shift_right_logical3A_182 : vector<16xi32>
    %add3A_184 = vector.broadcast %mul3A_137 : i32 to vector<16xi32>
    %add3A_185 = arith.addi %shift_right_logical3A_183, %add3A_184 : vector<16xi32>
    %swap3A_186 = arith.constant 2 : i32
    %swap3A_187 = arith.index_cast %swap3A_186 : i32 to index
    %swap3A_188 = arith.constant 48 : index
    %swap3A_189 = tpu.vector_load %arg11[%swap3A_187, %swap3A_188] {strides = array<i32>} : memref<8x64xi32, #tpu.memory_space<vmem>>, vector<16xi32>,
    tpu.vector_store %arg11[%swap3A_187, %swap3A_188], %add3A_185 {strides = array<i32>} : memref<8x64xi32, #tpu.memory_space<vmem>>, vector<16xi32>,
    %mul3A_190 = arith.constant 2 : i32
    %mul3A_191 = arith.muli %mul3A_190, %add3A : i32
    %add3A_192 = arith.constant 1 : i32
    %add3A_193 = arith.addi %mul3A_191, %add3A_192 : i32
    %mul3A_194 = arith.constant 2 : i32
    %mul3A_195 = arith.muli %add3A_193, %mul3A_194 : i32
    %add3A_196 = arith.constant 0 : i32
    %add3A_197 = arith.addi %mul3A_195, %add3A_196 : i32
    %mul3A_198 = arith.constant 256 : i32
    %mul3A_199 = arith.muli %add3A_197, %mul3A_198 : i32
    %get3A_200 = arith.constant 1 : i32
    %get3A_201 = arith.index_cast %get3A_200 : i32 to index
    %get3A_202 = arith.constant 64 : index
    %get3A_203 = tpu.vector_load %arg8[%get3A_201, %get3A_202] {strides = array<i32>} : memref<2x128xi32, #tpu.memory_space<vmem>>, vector<16xi32>,
    %shift_right_logical3A_204 = arith.constant 8 : i32
    %shift_right_logical3A_205 = vector.broadcast %shift_right_logical3A_204 : i32 to vector<16xi32>
    %shift_right_logical3A_206 = arith.shrui %get3A_203, %shift_right_logical3A_205 : vector<16xi32>
    %add3A_207 = vector.broadcast %mul3A_199 : i32 to vector<16xi32>
    %add3A_208 = arith.addi %shift_right_logical3A_206, %add3A_207 : vector<16xi32>
    %swap3A_209 = arith.constant 3 : i32
    %swap3A_210 = arith.index_cast %swap3A_209 : i32 to index
    %swap3A_211 = arith.constant 0 : index
    %swap3A_212 = tpu.vector_load %arg11[%swap3A_210, %swap3A_211] {strides = array<i32>} : memref<8x64xi32, #tpu.memory_space<vmem>>, vector<16xi32>,
    tpu.vector_store %arg11[%swap3A_210, %swap3A_211], %add3A_208 {strides = array<i32>} : memref<8x64xi32, #tpu.memory_space<vmem>>, vector<16xi32>,
    %get3A_213 = arith.constant 1 : i32
    %get3A_214 = arith.index_cast %get3A_213 : i32 to index
    %get3A_215 = arith.constant 80 : index
    %get3A_216 = tpu.vector_load %arg8[%get3A_214, %get3A_215] {strides = array<i32>} : memref<2x128xi32, #tpu.memory_space<vmem>>, vector<16xi32>,
    %shift_right_logical3A_217 = arith.constant 8 : i32
    %shift_right_logical3A_218 = vector.broadcast %shift_right_logical3A_217 : i32 to vector<16xi32>
    %shift_right_logical3A_219 = arith.shrui %get3A_216, %shift_right_logical3A_218 : vector<16xi32>
    %add3A_220 = vector.broadcast %mul3A_199 : i32 to vector<16xi32>
    %add3A_221 = arith.addi %shift_right_logical3A_219, %add3A_220 : vector<16xi32>
    %swap3A_222 = arith.constant 3 : i32
    %swap3A_223 = arith.index_cast %swap3A_222 : i32 to index
    %swap3A_224 = arith.constant 16 : index
    %swap3A_225 = tpu.vector_load %arg11[%swap3A_223, %swap3A_224] {strides = array<i32>} : memref<8x64xi32, #tpu.memory_space<vmem>>, vector<16xi32>,
    tpu.vector_store %arg11[%swap3A_223, %swap3A_224], %add3A_221 {strides = array<i32>} : memref<8x64xi32, #tpu.memory_space<vmem>>, vector<16xi32>,
    %get3A_226 = arith.constant 1 : i32
    %get3A_227 = arith.index_cast %get3A_226 : i32 to index
    %get3A_228 = arith.constant 96 : index
    %get3A_229 = tpu.vector_load %arg8[%get3A_227, %get3A_228] {strides = array<i32>} : memref<2x128xi32, #tpu.memory_space<vmem>>, vector<16xi32>,
    %shift_right_logical3A_230 = arith.constant 8 : i32
    %shift_right_logical3A_231 = vector.broadcast %shift_right_logical3A_230 : i32 to vector<16xi32>
    %shift_right_logical3A_232 = arith.shrui %get3A_229, %shift_right_logical3A_231 : vector<16xi32>
    %add3A_233 = vector.broadcast %mul3A_199 : i32 to vector<16xi32>
    %add3A_234 = arith.addi %shift_right_logical3A_232, %add3A_233 : vector<16xi32>
    %swap3A_235 = arith.constant 3 : i32
    %swap3A_236 = arith.index_cast %swap3A_235 : i32 to index
    %swap3A_237 = arith.constant 32 : index
    %swap3A_238 = tpu.vector_load %arg11[%swap3A_236, %swap3A_237] {strides = array<i32>} : memref<8x64xi32, #tpu.memory_space<vmem>>, vector<16xi32>,
    tpu.vector_store %arg11[%swap3A_236, %swap3A_237], %add3A_234 {strides = array<i32>} : memref<8x64xi32, #tpu.memory_space<vmem>>, vector<16xi32>,
    %get3A_239 = arith.constant 1 : i32
    %get3A_240 = arith.index_cast %get3A_239 : i32 to index
    %get3A_241 = arith.constant 112 : index
    %get3A_242 = tpu.vector_load %arg8[%get3A_240, %get3A_241] {strides = array<i32>} : memref<2x128xi32, #tpu.memory_space<vmem>>, vector<16xi32>,
    %shift_right_logical3A_243 = arith.constant 8 : i32
    %shift_right_logical3A_244 = vector.broadcast %shift_right_logical3A_243 : i32 to vector<16xi32>
    %shift_right_logical3A_245 = arith.shrui %get3A_242, %shift_right_logical3A_244 : vector<16xi32>
    %add3A_246 = vector.broadcast %mul3A_199 : i32 to vector<16xi32>
    %add3A_247 = arith.addi %shift_right_logical3A_245, %add3A_246 : vector<16xi32>
    %swap3A_248 = arith.constant 3 : i32
    %swap3A_249 = arith.index_cast %swap3A_248 : i32 to index
    %swap3A_250 = arith.constant 48 : index
    %swap3A_251 = tpu.vector_load %arg11[%swap3A_249, %swap3A_250] {strides = array<i32>} : memref<8x64xi32, #tpu.memory_space<vmem>>, vector<16xi32>,
    tpu.vector_store %arg11[%swap3A_249, %swap3A_250], %add3A_247 {strides = array<i32>} : memref<8x64xi32, #tpu.memory_space<vmem>>, vector<16xi32>,
    %mul3A_252 = arith.constant 2 : i32
    %mul3A_253 = arith.muli %mul3A_252, %add3A : i32
    %add3A_254 = arith.constant 0 : i32
    %add3A_255 = arith.addi %mul3A_253, %add3A_254 : i32
    %mul3A_256 = arith.constant 2 : i32
    %mul3A_257 = arith.muli %add3A_255, %mul3A_256 : i32
    %add3A_258 = arith.constant 1 : i32
    %add3A_259 = arith.addi %mul3A_257, %add3A_258 : i32
    %mul3A_260 = arith.constant 256 : i32
    %mul3A_261 = arith.muli %add3A_259, %mul3A_260 : i32
    %get3A_262 = arith.constant 0 : i32
    %get3A_263 = arith.index_cast %get3A_262 : i32 to index
    %get3A_264 = arith.constant 0 : index
    %get3A_265 = tpu.vector_load %arg8[%get3A_263, %get3A_264] {strides = array<i32>} : memref<2x128xi32, #tpu.memory_space<vmem>>, vector<16xi32>,
    %shift_right_logical3A_266 = arith.constant 8 : i32
    %shift_right_logical3A_267 = vector.broadcast %shift_right_logical3A_266 : i32 to vector<16xi32>
    %shift_right_logical3A_268 = arith.shrui %get3A_265, %shift_right_logical3A_267 : vector<16xi32>
    %add3A_269 = vector.broadcast %mul3A_261 : i32 to vector<16xi32>
    %add3A_270 = arith.addi %shift_right_logical3A_268, %add3A_269 : vector<16xi32>
    %swap3A_271 = arith.constant 4 : i32
    %swap3A_272 = arith.index_cast %swap3A_271 : i32 to index
    %swap3A_273 = arith.constant 0 : index
    %swap3A_274 = tpu.vector_load %arg11[%swap3A_272, %swap3A_273] {strides = array<i32>} : memref<8x64xi32, #tpu.memory_space<vmem>>, vector<16xi32>,
    tpu.vector_store %arg11[%swap3A_272, %swap3A_273], %add3A_270 {strides = array<i32>} : memref<8x64xi32, #tpu.memory_space<vmem>>, vector<16xi32>,
    %get3A_275 = arith.constant 0 : i32
    %get3A_276 = arith.index_cast %get3A_275 : i32 to index
    %get3A_277 = arith.constant 16 : index
    %get3A_278 = tpu.vector_load %arg8[%get3A_276, %get3A_277] {strides = array<i32>} : memref<2x128xi32, #tpu.memory_space<vmem>>, vector<16xi32>,
    %shift_right_logical3A_279 = arith.constant 8 : i32
    %shift_right_logical3A_280 = vector.broadcast %shift_right_logical3A_279 : i32 to vector<16xi32>
    %shift_right_logical3A_281 = arith.shrui %get3A_278, %shift_right_logical3A_280 : vector<16xi32>
    %add3A_282 = vector.broadcast %mul3A_261 : i32 to vector<16xi32>
    %add3A_283 = arith.addi %shift_right_logical3A_281, %add3A_282 : vector<16xi32>
    %swap3A_284 = arith.constant 4 : i32
    %swap3A_285 = arith.index_cast %swap3A_284 : i32 to index
    %swap3A_286 = arith.constant 16 : index
    %swap3A_287 = tpu.vector_load %arg11[%swap3A_285, %swap3A_286] {strides = array<i32>} : memref<8x64xi32, #tpu.memory_space<vmem>>, vector<16xi32>,
    tpu.vector_store %arg11[%swap3A_285, %swap3A_286], %add3A_283 {strides = array<i32>} : memref<8x64xi32, #tpu.memory_space<vmem>>, vector<16xi32>,
    %get3A_288 = arith.constant 0 : i32
    %get3A_289 = arith.index_cast %get3A_288 : i32 to index
    %get3A_290 = arith.constant 32 : index
    %get3A_291 = tpu.vector_load %arg8[%get3A_289, %get3A_290] {strides = array<i32>} : memref<2x128xi32, #tpu.memory_space<vmem>>, vector<16xi32>,
    %shift_right_logical3A_292 = arith.constant 8 : i32
    %shift_right_logical3A_293 = vector.broadcast %shift_right_logical3A_292 : i32 to vector<16xi32>
    %shift_right_logical3A_294 = arith.shrui %get3A_291, %shift_right_logical3A_293 : vector<16xi32>
    %add3A_295 = vector.broadcast %mul3A_261 : i32 to vector<16xi32>
    %add3A_296 = arith.addi %shift_right_logical3A_294, %add3A_295 : vector<16xi32>
    %swap3A_297 = arith.constant 4 : i32
    %swap3A_298 = arith.index_cast %swap3A_297 : i32 to index
    %swap3A_299 = arith.constant 32 : index
    %swap3A_300 = tpu.vector_load %arg11[%swap3A_298, %swap3A_299] {strides = array<i32>} : memref<8x64xi32, #tpu.memory_space<vmem>>, vector<16xi32>,
    tpu.vector_store %arg11[%swap3A_298, %swap3A_299], %add3A_296 {strides = array<i32>} : memref<8x64xi32, #tpu.memory_space<vmem>>, vector<16xi32>,
    %get3A_301 = arith.constant 0 : i32
    %get3A_302 = arith.index_cast %get3A_301 : i32 to index
    %get3A_303 = arith.constant 48 : index
    %get3A_304 = tpu.vector_load %arg8[%get3A_302, %get3A_303] {strides = array<i32>} : memref<2x128xi32, #tpu.memory_space<vmem>>, vector<16xi32>,
    %shift_right_logical3A_305 = arith.constant 8 : i32
    %shift_right_logical3A_306 = vector.broadcast %shift_right_logical3A_305 : i32 to vector<16xi32>
    %shift_right_logical3A_307 = arith.shrui %get3A_304, %shift_right_logical3A_306 : vector<16xi32>
    %add3A_308 = vector.broadcast %mul3A_261 : i32 to vector<16xi32>
    %add3A_309 = arith.addi %shift_right_logical3A_307, %add3A_308 : vector<16xi32>
    %swap3A_310 = arith.constant 4 : i32
    %swap3A_311 = arith.index_cast %swap3A_310 : i32 to index
    %swap3A_312 = arith.constant 48 : index
    %swap3A_313 = tpu.vector_load %arg11[%swap3A_311, %swap3A_312] {strides = array<i32>} : memref<8x64xi32, #tpu.memory_space<vmem>>, vector<16xi32>,
    tpu.vector_store %arg11[%swap3A_311, %swap3A_312], %add3A_309 {strides = array<i32>} : memref<8x64xi32, #tpu.memory_space<vmem>>, vector<16xi32>,
    %mul3A_314 = arith.constant 2 : i32
    %mul3A_315 = arith.muli %mul3A_314, %add3A : i32
    %add3A_316 = arith.constant 0 : i32
    %add3A_317 = arith.addi %mul3A_315, %add3A_316 : i32
    %mul3A_318 = arith.constant 2 : i32
    %mul3A_319 = arith.muli %add3A_317, %mul3A_318 : i32
    %add3A_320 = arith.constant 1 : i32
    %add3A_321 = arith.addi %mul3A_319, %add3A_320 : i32
    %mul3A_322 = arith.constant 256 : i32
    %mul3A_323 = arith.muli %add3A_321, %mul3A_322 : i32
    %get3A_324 = arith.constant 0 : i32
    %get3A_325 = arith.index_cast %get3A_324 : i32 to index
    %get3A_326 = arith.constant 64 : index
    %get3A_327 = tpu.vector_load %arg8[%get3A_325, %get3A_326] {strides = array<i32>} : memref<2x128xi32, #tpu.memory_space<vmem>>, vector<16xi32>,
    %shift_right_logical3A_328 = arith.constant 8 : i32
    %shift_right_logical3A_329 = vector.broadcast %shift_right_logical3A_328 : i32 to vector<16xi32>
    %shift_right_logical3A_330 = arith.shrui %get3A_327, %shift_right_logical3A_329 : vector<16xi32>
    %add3A_331 = vector.broadcast %mul3A_323 : i32 to vector<16xi32>
    %add3A_332 = arith.addi %shift_right_logical3A_330, %add3A_331 : vector<16xi32>
    %swap3A_333 = arith.constant 5 : i32
    %swap3A_334 = arith.index_cast %swap3A_333 : i32 to index
    %swap3A_335 = arith.constant 0 : index
    %swap3A_336 = tpu.vector_load %arg11[%swap3A_334, %swap3A_335] {strides = array<i32>} : memref<8x64xi32, #tpu.memory_space<vmem>>, vector<16xi32>,
    tpu.vector_store %arg11[%swap3A_334, %swap3A_335], %add3A_332 {strides = array<i32>} : memref<8x64xi32, #tpu.memory_space<vmem>>, vector<16xi32>,
    %get3A_337 = arith.constant 0 : i32
    %get3A_338 = arith.index_cast %get3A_337 : i32 to index
    %get3A_339 = arith.constant 80 : index
    %get3A_340 = tpu.vector_load %arg8[%get3A_338, %get3A_339] {strides = array<i32>} : memref<2x128xi32, #tpu.memory_space<vmem>>, vector<16xi32>,
    %shift_right_logical3A_341 = arith.constant 8 : i32
    %shift_right_logical3A_342 = vector.broadcast %shift_right_logical3A_341 : i32 to vector<16xi32>
    %shift_right_logical3A_343 = arith.shrui %get3A_340, %shift_right_logical3A_342 : vector<16xi32>
    %add3A_344 = vector.broadcast %mul3A_323 : i32 to vector<16xi32>
    %add3A_345 = arith.addi %shift_right_logical3A_343, %add3A_344 : vector<16xi32>
    %swap3A_346 = arith.constant 5 : i32
    %swap3A_347 = arith.index_cast %swap3A_346 : i32 to index
    %swap3A_348 = arith.constant 16 : index
    %swap3A_349 = tpu.vector_load %arg11[%swap3A_347, %swap3A_348] {strides = array<i32>} : memref<8x64xi32, #tpu.memory_space<vmem>>, vector<16xi32>,
    tpu.vector_store %arg11[%swap3A_347, %swap3A_348], %add3A_345 {strides = array<i32>} : memref<8x64xi32, #tpu.memory_space<vmem>>, vector<16xi32>,
    %get3A_350 = arith.constant 0 : i32
    %get3A_351 = arith.index_cast %get3A_350 : i32 to index
    %get3A_352 = arith.constant 96 : index
    %get3A_353 = tpu.vector_load %arg8[%get3A_351, %get3A_352] {strides = array<i32>} : memref<2x128xi32, #tpu.memory_space<vmem>>, vector<16xi32>,
    %shift_right_logical3A_354 = arith.constant 8 : i32
    %shift_right_logical3A_355 = vector.broadcast %shift_right_logical3A_354 : i32 to vector<16xi32>
    %shift_right_logical3A_356 = arith.shrui %get3A_353, %shift_right_logical3A_355 : vector<16xi32>
    %add3A_357 = vector.broadcast %mul3A_323 : i32 to vector<16xi32>
    %add3A_358 = arith.addi %shift_right_logical3A_356, %add3A_357 : vector<16xi32>
    %swap3A_359 = arith.constant 5 : i32
    %swap3A_360 = arith.index_cast %swap3A_359 : i32 to index
    %swap3A_361 = arith.constant 32 : index
    %swap3A_362 = tpu.vector_load %arg11[%swap3A_360, %swap3A_361] {strides = array<i32>} : memref<8x64xi32, #tpu.memory_space<vmem>>, vector<16xi32>,
    tpu.vector_store %arg11[%swap3A_360, %swap3A_361], %add3A_358 {strides = array<i32>} : memref<8x64xi32, #tpu.memory_space<vmem>>, vector<16xi32>,
    %get3A_363 = arith.constant 0 : i32
    %get3A_364 = arith.index_cast %get3A_363 : i32 to index
    %get3A_365 = arith.constant 112 : index
    %get3A_366 = tpu.vector_load %arg8[%get3A_364, %get3A_365] {strides = array<i32>} : memref<2x128xi32, #tpu.memory_space<vmem>>, vector<16xi32>,
    %shift_right_logical3A_367 = arith.constant 8 : i32
    %shift_right_logical3A_368 = vector.broadcast %shift_right_logical3A_367 : i32 to vector<16xi32>
    %shift_right_logical3A_369 = arith.shrui %get3A_366, %shift_right_logical3A_368 : vector<16xi32>
    %add3A_370 = vector.broadcast %mul3A_323 : i32 to vector<16xi32>
    %add3A_371 = arith.addi %shift_right_logical3A_369, %add3A_370 : vector<16xi32>
    %swap3A_372 = arith.constant 5 : i32
    %swap3A_373 = arith.index_cast %swap3A_372 : i32 to index
    %swap3A_374 = arith.constant 48 : index
    %swap3A_375 = tpu.vector_load %arg11[%swap3A_373, %swap3A_374] {strides = array<i32>} : memref<8x64xi32, #tpu.memory_space<vmem>>, vector<16xi32>,
    tpu.vector_store %arg11[%swap3A_373, %swap3A_374], %add3A_371 {strides = array<i32>} : memref<8x64xi32, #tpu.memory_space<vmem>>, vector<16xi32>,
    %mul3A_376 = arith.constant 2 : i32
    %mul3A_377 = arith.muli %mul3A_376, %add3A : i32
    %add3A_378 = arith.constant 1 : i32
    %add3A_379 = arith.addi %mul3A_377, %add3A_378 : i32
    %mul3A_380 = arith.constant 2 : i32
    %mul3A_381 = arith.muli %add3A_379, %mul3A_380 : i32
    %add3A_382 = arith.constant 1 : i32
    %add3A_383 = arith.addi %mul3A_381, %add3A_382 : i32
    %mul3A_384 = arith.constant 256 : i32
    %mul3A_385 = arith.muli %add3A_383, %mul3A_384 : i32
    %get3A_386 = arith.constant 1 : i32
    %get3A_387 = arith.index_cast %get3A_386 : i32 to index
    %get3A_388 = arith.constant 0 : index
    %get3A_389 = tpu.vector_load %arg8[%get3A_387, %get3A_388] {strides = array<i32>} : memref<2x128xi32, #tpu.memory_space<vmem>>, vector<16xi32>,
    %shift_right_logical3A_390 = arith.constant 8 : i32
    %shift_right_logical3A_391 = vector.broadcast %shift_right_logical3A_390 : i32 to vector<16xi32>
    %shift_right_logical3A_392 = arith.shrui %get3A_389, %shift_right_logical3A_391 : vector<16xi32>
    %add3A_393 = vector.broadcast %mul3A_385 : i32 to vector<16xi32>
    %add3A_394 = arith.addi %shift_right_logical3A_392, %add3A_393 : vector<16xi32>
    %swap3A_395 = arith.constant 6 : i32
    %swap3A_396 = arith.index_cast %swap3A_395 : i32 to index
    %swap3A_397 = arith.constant 0 : index
    %swap3A_398 = tpu.vector_load %arg11[%swap3A_396, %swap3A_397] {strides = array<i32>} : memref<8x64xi32, #tpu.memory_space<vmem>>, vector<16xi32>,
    tpu.vector_store %arg11[%swap3A_396, %swap3A_397], %add3A_394 {strides = array<i32>} : memref<8x64xi32, #tpu.memory_space<vmem>>, vector<16xi32>,
    %get3A_399 = arith.constant 1 : i32
    %get3A_400 = arith.index_cast %get3A_399 : i32 to index
    %get3A_401 = arith.constant 16 : index
    %get3A_402 = tpu.vector_load %arg8[%get3A_400, %get3A_401] {strides = array<i32>} : memref<2x128xi32, #tpu.memory_space<vmem>>, vector<16xi32>,
    %shift_right_logical3A_403 = arith.constant 8 : i32
    %shift_right_logical3A_404 = vector.broadcast %shift_right_logical3A_403 : i32 to vector<16xi32>
    %shift_right_logical3A_405 = arith.shrui %get3A_402, %shift_right_logical3A_404 : vector<16xi32>
    %add3A_406 = vector.broadcast %mul3A_385 : i32 to vector<16xi32>
    %add3A_407 = arith.addi %shift_right_logical3A_405, %add3A_406 : vector<16xi32>
    %swap3A_408 = arith.constant 6 : i32
    %swap3A_409 = arith.index_cast %swap3A_408 : i32 to index
    %swap3A_410 = arith.constant 16 : index
    %swap3A_411 = tpu.vector_load %arg11[%swap3A_409, %swap3A_410] {strides = array<i32>} : memref<8x64xi32, #tpu.memory_space<vmem>>, vector<16xi32>,
    tpu.vector_store %arg11[%swap3A_409, %swap3A_410], %add3A_407 {strides = array<i32>} : memref<8x64xi32, #tpu.memory_space<vmem>>, vector<16xi32>,
    %get3A_412 = arith.constant 1 : i32
    %get3A_413 = arith.index_cast %get3A_412 : i32 to index
    %get3A_414 = arith.constant 32 : index
    %get3A_415 = tpu.vector_load %arg8[%get3A_413, %get3A_414] {strides = array<i32>} : memref<2x128xi32, #tpu.memory_space<vmem>>, vector<16xi32>,
    %shift_right_logical3A_416 = arith.constant 8 : i32
    %shift_right_logical3A_417 = vector.broadcast %shift_right_logical3A_416 : i32 to vector<16xi32>
    %shift_right_logical3A_418 = arith.shrui %get3A_415, %shift_right_logical3A_417 : vector<16xi32>
    %add3A_419 = vector.broadcast %mul3A_385 : i32 to vector<16xi32>
    %add3A_420 = arith.addi %shift_right_logical3A_418, %add3A_419 : vector<16xi32>
    %swap3A_421 = arith.constant 6 : i32
    %swap3A_422 = arith.index_cast %swap3A_421 : i32 to index
    %swap3A_423 = arith.constant 32 : index
    %swap3A_424 = tpu.vector_load %arg11[%swap3A_422, %swap3A_423] {strides = array<i32>} : memref<8x64xi32, #tpu.memory_space<vmem>>, vector<16xi32>,
    tpu.vector_store %arg11[%swap3A_422, %swap3A_423], %add3A_420 {strides = array<i32>} : memref<8x64xi32, #tpu.memory_space<vmem>>, vector<16xi32>,
    %get3A_425 = arith.constant 1 : i32
    %get3A_426 = arith.index_cast %get3A_425 : i32 to index
    %get3A_427 = arith.constant 48 : index
    %get3A_428 = tpu.vector_load %arg8[%get3A_426, %get3A_427] {strides = array<i32>} : memref<2x128xi32, #tpu.memory_space<vmem>>, vector<16xi32>,
    %shift_right_logical3A_429 = arith.constant 8 : i32
    %shift_right_logical3A_430 = vector.broadcast %shift_right_logical3A_429 : i32 to vector<16xi32>
    %shift_right_logical3A_431 = arith.shrui %get3A_428, %shift_right_logical3A_430 : vector<16xi32>
    %add3A_432 = vector.broadcast %mul3A_385 : i32 to vector<16xi32>
    %add3A_433 = arith.addi %shift_right_logical3A_431, %add3A_432 : vector<16xi32>
    %swap3A_434 = arith.constant 6 : i32
    %swap3A_435 = arith.index_cast %swap3A_434 : i32 to index
    %swap3A_436 = arith.constant 48 : index
    %swap3A_437 = tpu.vector_load %arg11[%swap3A_435, %swap3A_436] {strides = array<i32>} : memref<8x64xi32, #tpu.memory_space<vmem>>, vector<16xi32>,
    tpu.vector_store %arg11[%swap3A_435, %swap3A_436], %add3A_433 {strides = array<i32>} : memref<8x64xi32, #tpu.memory_space<vmem>>, vector<16xi32>,
    %mul3A_438 = arith.constant 2 : i32
    %mul3A_439 = arith.muli %mul3A_438, %add3A : i32
    %add3A_440 = arith.constant 1 : i32
    %add3A_441 = arith.addi %mul3A_439, %add3A_440 : i32
    %mul3A_442 = arith.constant 2 : i32
    %mul3A_443 = arith.muli %add3A_441, %mul3A_442 : i32
    %add3A_444 = arith.constant 1 : i32
    %add3A_445 = arith.addi %mul3A_443, %add3A_444 : i32
    %mul3A_446 = arith.constant 256 : i32
    %mul3A_447 = arith.muli %add3A_445, %mul3A_446 : i32
    %get3A_448 = arith.constant 1 : i32
    %get3A_449 = arith.index_cast %get3A_448 : i32 to index
    %get3A_450 = arith.constant 64 : index
    %get3A_451 = tpu.vector_load %arg8[%get3A_449, %get3A_450] {strides = array<i32>} : memref<2x128xi32, #tpu.memory_space<vmem>>, vector<16xi32>,
    %shift_right_logical3A_452 = arith.constant 8 : i32
    %shift_right_logical3A_453 = vector.broadcast %shift_right_logical3A_452 : i32 to vector<16xi32>
    %shift_right_logical3A_454 = arith.shrui %get3A_451, %shift_right_logical3A_453 : vector<16xi32>
    %add3A_455 = vector.broadcast %mul3A_447 : i32 to vector<16xi32>
    %add3A_456 = arith.addi %shift_right_logical3A_454, %add3A_455 : vector<16xi32>
    %swap3A_457 = arith.constant 7 : i32
    %swap3A_458 = arith.index_cast %swap3A_457 : i32 to index
    %swap3A_459 = arith.constant 0 : index
    %swap3A_460 = tpu.vector_load %arg11[%swap3A_458, %swap3A_459] {strides = array<i32>} : memref<8x64xi32, #tpu.memory_space<vmem>>, vector<16xi32>,
    tpu.vector_store %arg11[%swap3A_458, %swap3A_459], %add3A_456 {strides = array<i32>} : memref<8x64xi32, #tpu.memory_space<vmem>>, vector<16xi32>,
    %get3A_461 = arith.constant 1 : i32
    %get3A_462 = arith.index_cast %get3A_461 : i32 to index
    %get3A_463 = arith.constant 80 : index
    %get3A_464 = tpu.vector_load %arg8[%get3A_462, %get3A_463] {strides = array<i32>} : memref<2x128xi32, #tpu.memory_space<vmem>>, vector<16xi32>,
    %shift_right_logical3A_465 = arith.constant 8 : i32
    %shift_right_logical3A_466 = vector.broadcast %shift_right_logical3A_465 : i32 to vector<16xi32>
    %shift_right_logical3A_467 = arith.shrui %get3A_464, %shift_right_logical3A_466 : vector<16xi32>
    %add3A_468 = vector.broadcast %mul3A_447 : i32 to vector<16xi32>
    %add3A_469 = arith.addi %shift_right_logical3A_467, %add3A_468 : vector<16xi32>
    %swap3A_470 = arith.constant 7 : i32
    %swap3A_471 = arith.index_cast %swap3A_470 : i32 to index
    %swap3A_472 = arith.constant 16 : index
    %swap3A_473 = tpu.vector_load %arg11[%swap3A_471, %swap3A_472] {strides = array<i32>} : memref<8x64xi32, #tpu.memory_space<vmem>>, vector<16xi32>,
    tpu.vector_store %arg11[%swap3A_471, %swap3A_472], %add3A_469 {strides = array<i32>} : memref<8x64xi32, #tpu.memory_space<vmem>>, vector<16xi32>,
    %get3A_474 = arith.constant 1 : i32
    %get3A_475 = arith.index_cast %get3A_474 : i32 to index
    %get3A_476 = arith.constant 96 : index
    %get3A_477 = tpu.vector_load %arg8[%get3A_475, %get3A_476] {strides = array<i32>} : memref<2x128xi32, #tpu.memory_space<vmem>>, vector<16xi32>,
    %shift_right_logical3A_478 = arith.constant 8 : i32
    %shift_right_logical3A_479 = vector.broadcast %shift_right_logical3A_478 : i32 to vector<16xi32>
    %shift_right_logical3A_480 = arith.shrui %get3A_477, %shift_right_logical3A_479 : vector<16xi32>
    %add3A_481 = vector.broadcast %mul3A_447 : i32 to vector<16xi32>
    %add3A_482 = arith.addi %shift_right_logical3A_480, %add3A_481 : vector<16xi32>
    %swap3A_483 = arith.constant 7 : i32
    %swap3A_484 = arith.index_cast %swap3A_483 : i32 to index
    %swap3A_485 = arith.constant 32 : index
    %swap3A_486 = tpu.vector_load %arg11[%swap3A_484, %swap3A_485] {strides = array<i32>} : memref<8x64xi32, #tpu.memory_space<vmem>>, vector<16xi32>,
    tpu.vector_store %arg11[%swap3A_484, %swap3A_485], %add3A_482 {strides = array<i32>} : memref<8x64xi32, #tpu.memory_space<vmem>>, vector<16xi32>,
    %get3A_487 = arith.constant 1 : i32
    %get3A_488 = arith.index_cast %get3A_487 : i32 to index
    %get3A_489 = arith.constant 112 : index
    %get3A_490 = tpu.vector_load %arg8[%get3A_488, %get3A_489] {strides = array<i32>} : memref<2x128xi32, #tpu.memory_space<vmem>>, vector<16xi32>,
    %shift_right_logical3A_491 = arith.constant 8 : i32
    %shift_right_logical3A_492 = vector.broadcast %shift_right_logical3A_491 : i32 to vector<16xi32>
    %shift_right_logical3A_493 = arith.shrui %get3A_490, %shift_right_logical3A_492 : vector<16xi32>
    %add3A_494 = vector.broadcast %mul3A_447 : i32 to vector<16xi32>
    %add3A_495 = arith.addi %shift_right_logical3A_493, %add3A_494 : vector<16xi32>
    %swap3A_496 = arith.constant 7 : i32
    %swap3A_497 = arith.index_cast %swap3A_496 : i32 to index
    %swap3A_498 = arith.constant 48 : index
    %swap3A_499 = tpu.vector_load %arg11[%swap3A_497, %swap3A_498] {strides = array<i32>} : memref<8x64xi32, #tpu.memory_space<vmem>>, vector<16xi32>,
    tpu.vector_store %arg11[%swap3A_497, %swap3A_498], %add3A_495 {strides = array<i32>} : memref<8x64xi32, #tpu.memory_space<vmem>>, vector<16xi32>,
    %dma_start3A = arith.constant 0 : i32
    %dma_start3A_500 = arith.constant 0 : i32
    %dma_start3A_501 = arith.constant 0 : i32
    %dma_start3A_502 = arith.constant 0 : i32
    %dma_start3A_503 = tpu.memref_slice %arg12[%dma_start3A_500, %dma_start3A_501, %dma_start3A_502] : memref<6x64x256xf32, #tpu.memory_space<vmem>> -> memref<1x64x256xf32, #tpu.memory_space<vmem>>
    %dma_start3A_504 = tpu.memref_squeeze %dma_start3A_503 : memref<1x64x256xf32, #tpu.memory_space<vmem>> -> memref<64x256xf32, #tpu.memory_space<vmem>>
    %dma_start3A_505 = arith.constant 0 : i32
    %dma_start3A_506 = tpu.memref_slice %arg11[%dma_start3A, %dma_start3A_505] : memref<8x64xi32, #tpu.memory_space<vmem>> -> memref<1x64xi32, #tpu.memory_space<vmem>>
    %dma_start3A_507 = tpu.memref_squeeze %dma_start3A_506 : memref<1x64xi32, #tpu.memory_space<vmem>> -> memref<64xi32, #tpu.memory_space<vmem>>
    %dma_start3A_508 = tpu.memref_reshape %arg2 : memref<64x2x256x256xf32, #tpu.memory_space<hbm>> -> memref<32768x256xf32, #tpu.memory_space<hbm>>
    %dma_start3A_509 = arith.constant 0 : i32
    %dma_start3A_510 = arith.constant 0 : i32
    %dma_start3A_511 = tpu.memref_slice %dma_start3A_508[%dma_start3A_509, %dma_start3A_510] : memref<32768x256xf32, #tpu.memory_space<hbm>> -> memref<32768x256xf32, #tpu.memory_space<hbm>>
    tpu.enqueue_indirect_dma source(%dma_start3A_511 : memref<32768x256xf32, #tpu.memory_space<hbm>>) target(%dma_start3A_504 : memref<64x256xf32, #tpu.memory_space<vmem>>) offsets(%dma_start3A_507 : memref<64xi32, #tpu.memory_space<vmem>>) semaphore(%arg16 : memref<!tpu.dma_semaphore, #tpu.memory_space<semaphore_mem>>)
    %dma_start3A_512 = arith.constant 1 : i32
    %dma_start3A_513 = arith.constant 1 : i32
    %dma_start3A_514 = arith.constant 0 : i32
    %dma_start3A_515 = arith.constant 0 : i32
    %dma_start3A_516 = tpu.memref_slice %arg12[%dma_start3A_513, %dma_start3A_514, %dma_start3A_515] : memref<6x64x256xf32, #tpu.memory_space<vmem>> -> memref<1x64x256xf32, #tpu.memory_space<vmem>>
    %dma_start3A_517 = tpu.memref_squeeze %dma_start3A_516 : memref<1x64x256xf32, #tpu.memory_space<vmem>> -> memref<64x256xf32, #tpu.memory_space<vmem>>
    %dma_start3A_518 = arith.constant 0 : i32
    %dma_start3A_519 = tpu.memref_slice %arg11[%dma_start3A_512, %dma_start3A_518] : memref<8x64xi32, #tpu.memory_space<vmem>> -> memref<1x64xi32, #tpu.memory_space<vmem>>
    %dma_start3A_520 = tpu.memref_squeeze %dma_start3A_519 : memref<1x64xi32, #tpu.memory_space<vmem>> -> memref<64xi32, #tpu.memory_space<vmem>>
    %dma_start3A_521 = tpu.memref_reshape %arg2 : memref<64x2x256x256xf32, #tpu.memory_space<hbm>> -> memref<32768x256xf32, #tpu.memory_space<hbm>>
    %dma_start3A_522 = arith.constant 0 : i32
    %dma_start3A_523 = arith.constant 0 : i32
    %dma_start3A_524 = tpu.memref_slice %dma_start3A_521[%dma_start3A_522, %dma_start3A_523] : memref<32768x256xf32, #tpu.memory_space<hbm>> -> memref<32768x256xf32, #tpu.memory_space<hbm>>
    tpu.enqueue_indirect_dma source(%dma_start3A_524 : memref<32768x256xf32, #tpu.memory_space<hbm>>) target(%dma_start3A_517 : memref<64x256xf32, #tpu.memory_space<vmem>>) offsets(%dma_start3A_520 : memref<64xi32, #tpu.memory_space<vmem>>) semaphore(%arg17 : memref<!tpu.dma_semaphore, #tpu.memory_space<semaphore_mem>>)
    %dma_start3A_525 = arith.constant 2 : i32
    %dma_start3A_526 = arith.constant 2 : i32
    %dma_start3A_527 = arith.constant 0 : i32
    %dma_start3A_528 = arith.constant 0 : i32
    %dma_start3A_529 = tpu.memref_slice %arg12[%dma_start3A_526, %dma_start3A_527, %dma_start3A_528] : memref<6x64x256xf32, #tpu.memory_space<vmem>> -> memref<1x64x256xf32, #tpu.memory_space<vmem>>
    %dma_start3A_530 = tpu.memref_squeeze %dma_start3A_529 : memref<1x64x256xf32, #tpu.memory_space<vmem>> -> memref<64x256xf32, #tpu.memory_space<vmem>>
    %dma_start3A_531 = arith.constant 0 : i32
    %dma_start3A_532 = tpu.memref_slice %arg11[%dma_start3A_525, %dma_start3A_531] : memref<8x64xi32, #tpu.memory_space<vmem>> -> memref<1x64xi32, #tpu.memory_space<vmem>>
    %dma_start3A_533 = tpu.memref_squeeze %dma_start3A_532 : memref<1x64xi32, #tpu.memory_space<vmem>> -> memref<64xi32, #tpu.memory_space<vmem>>
    %dma_start3A_534 = tpu.memref_reshape %arg2 : memref<64x2x256x256xf32, #tpu.memory_space<hbm>> -> memref<32768x256xf32, #tpu.memory_space<hbm>>
    %dma_start3A_535 = arith.constant 0 : i32
    %dma_start3A_536 = arith.constant 0 : i32
    %dma_start3A_537 = tpu.memref_slice %dma_start3A_534[%dma_start3A_535, %dma_start3A_536] : memref<32768x256xf32, #tpu.memory_space<hbm>> -> memref<32768x256xf32, #tpu.memory_space<hbm>>
    tpu.enqueue_indirect_dma source(%dma_start3A_537 : memref<32768x256xf32, #tpu.memory_space<hbm>>) target(%dma_start3A_530 : memref<64x256xf32, #tpu.memory_space<vmem>>) offsets(%dma_start3A_533 : memref<64xi32, #tpu.memory_space<vmem>>) semaphore(%arg18 : memref<!tpu.dma_semaphore, #tpu.memory_space<semaphore_mem>>)
    %dma_start3A_538 = arith.constant 3 : i32
    %dma_start3A_539 = arith.constant 3 : i32
    %dma_start3A_540 = arith.constant 0 : i32
    %dma_start3A_541 = arith.constant 0 : i32
    %dma_start3A_542 = tpu.memref_slice %arg12[%dma_start3A_539, %dma_start3A_540, %dma_start3A_541] : memref<6x64x256xf32, #tpu.memory_space<vmem>> -> memref<1x64x256xf32, #tpu.memory_space<vmem>>
    %dma_start3A_543 = tpu.memref_squeeze %dma_start3A_542 : memref<1x64x256xf32, #tpu.memory_space<vmem>> -> memref<64x256xf32, #tpu.memory_space<vmem>>
    %dma_start3A_544 = arith.constant 0 : i32
    %dma_start3A_545 = tpu.memref_slice %arg11[%dma_start3A_538, %dma_start3A_544] : memref<8x64xi32, #tpu.memory_space<vmem>> -> memref<1x64xi32, #tpu.memory_space<vmem>>
    %dma_start3A_546 = tpu.memref_squeeze %dma_start3A_545 : memref<1x64xi32, #tpu.memory_space<vmem>> -> memref<64xi32, #tpu.memory_space<vmem>>
    %dma_start3A_547 = tpu.memref_reshape %arg2 : memref<64x2x256x256xf32, #tpu.memory_space<hbm>> -> memref<32768x256xf32, #tpu.memory_space<hbm>>
    %dma_start3A_548 = arith.constant 0 : i32
    %dma_start3A_549 = arith.constant 0 : i32
    %dma_start3A_550 = tpu.memref_slice %dma_start3A_547[%dma_start3A_548, %dma_start3A_549] : memref<32768x256xf32, #tpu.memory_space<hbm>> -> memref<32768x256xf32, #tpu.memory_space<hbm>>
    tpu.enqueue_indirect_dma source(%dma_start3A_550 : memref<32768x256xf32, #tpu.memory_space<hbm>>) target(%dma_start3A_543 : memref<64x256xf32, #tpu.memory_space<vmem>>) offsets(%dma_start3A_546 : memref<64xi32, #tpu.memory_space<vmem>>) semaphore(%arg19 : memref<!tpu.dma_semaphore, #tpu.memory_space<semaphore_mem>>)
    %dma_start3A_551 = arith.constant 4 : i32
    %dma_start3A_552 = arith.constant 4 : i32
    %dma_start3A_553 = arith.constant 0 : i32
    %dma_start3A_554 = arith.constant 0 : i32
    %dma_start3A_555 = tpu.memref_slice %arg12[%dma_start3A_552, %dma_start3A_553, %dma_start3A_554] : memref<6x64x256xf32, #tpu.memory_space<vmem>> -> memref<1x64x256xf32, #tpu.memory_space<vmem>>
    %dma_start3A_556 = tpu.memref_squeeze %dma_start3A_555 : memref<1x64x256xf32, #tpu.memory_space<vmem>> -> memref<64x256xf32, #tpu.memory_space<vmem>>
    %dma_start3A_557 = arith.constant 0 : i32
    %dma_start3A_558 = tpu.memref_slice %arg11[%dma_start3A_551, %dma_start3A_557] : memref<8x64xi32, #tpu.memory_space<vmem>> -> memref<1x64xi32, #tpu.memory_space<vmem>>
    %dma_start3A_559 = tpu.memref_squeeze %dma_start3A_558 : memref<1x64xi32, #tpu.memory_space<vmem>> -> memref<64xi32, #tpu.memory_space<vmem>>
    %dma_start3A_560 = tpu.memref_reshape %arg2 : memref<64x2x256x256xf32, #tpu.memory_space<hbm>> -> memref<32768x256xf32, #tpu.memory_space<hbm>>
    %dma_start3A_561 = arith.constant 0 : i32
    %dma_start3A_562 = arith.constant 0 : i32
    %dma_start3A_563 = tpu.memref_slice %dma_start3A_560[%dma_start3A_561, %dma_start3A_562] : memref<32768x256xf32, #tpu.memory_space<hbm>> -> memref<32768x256xf32, #tpu.memory_space<hbm>>
    tpu.enqueue_indirect_dma source(%dma_start3A_563 : memref<32768x256xf32, #tpu.memory_space<hbm>>) target(%dma_start3A_556 : memref<64x256xf32, #tpu.memory_space<vmem>>) offsets(%dma_start3A_559 : memref<64xi32, #tpu.memory_space<vmem>>) semaphore(%arg20 : memref<!tpu.dma_semaphore, #tpu.memory_space<semaphore_mem>>)
    %dma_start3A_564 = arith.constant 5 : i32
    %dma_start3A_565 = arith.constant 5 : i32
    %dma_start3A_566 = arith.constant 0 : i32
    %dma_start3A_567 = arith.constant 0 : i32
    %dma_start3A_568 = tpu.memref_slice %arg12[%dma_start3A_565, %dma_start3A_566, %dma_start3A_567] : memref<6x64x256xf32, #tpu.memory_space<vmem>> -> memref<1x64x256xf32, #tpu.memory_space<vmem>>
    %dma_start3A_569 = tpu.memref_squeeze %dma_start3A_568 : memref<1x64x256xf32, #tpu.memory_space<vmem>> -> memref<64x256xf32, #tpu.memory_space<vmem>>
    %dma_start3A_570 = arith.constant 0 : i32
    %dma_start3A_571 = tpu.memref_slice %arg11[%dma_start3A_564, %dma_start3A_570] : memref<8x64xi32, #tpu.memory_space<vmem>> -> memref<1x64xi32, #tpu.memory_space<vmem>>
    %dma_start3A_572 = tpu.memref_squeeze %dma_start3A_571 : memref<1x64xi32, #tpu.memory_space<vmem>> -> memref<64xi32, #tpu.memory_space<vmem>>
    %dma_start3A_573 = tpu.memref_reshape %arg2 : memref<64x2x256x256xf32, #tpu.memory_space<hbm>> -> memref<32768x256xf32, #tpu.memory_space<hbm>>
    %dma_start3A_574 = arith.constant 0 : i32
    %dma_start3A_575 = arith.constant 0 : i32
    %dma_start3A_576 = tpu.memref_slice %dma_start3A_573[%dma_start3A_574, %dma_start3A_575] : memref<32768x256xf32, #tpu.memory_space<hbm>> -> memref<32768x256xf32, #tpu.memory_space<hbm>>
    tpu.enqueue_indirect_dma source(%dma_start3A_576 : memref<32768x256xf32, #tpu.memory_space<hbm>>) target(%dma_start3A_569 : memref<64x256xf32, #tpu.memory_space<vmem>>) offsets(%dma_start3A_572 : memref<64xi32, #tpu.memory_space<vmem>>) semaphore(%arg21 : memref<!tpu.dma_semaphore, #tpu.memory_space<semaphore_mem>>)
    %broadcast_in_dim3A = arith.constant 0.000000e+00 : f32
    %broadcast_in_dim3A_577 = vector.broadcast %broadcast_in_dim3A : f32 to vector<16xf32>
    %dma_wait3A = arith.constant 0 : i32
    %dma_wait3A_578 = arith.constant 0 : i32
    %dma_wait3A_579 = arith.constant 0 : i32
    %dma_wait3A_580 = arith.constant 0 : i32
    %dma_wait3A_581 = tpu.memref_slice %arg12[%dma_wait3A_578, %dma_wait3A_579, %dma_wait3A_580] : memref<6x64x256xf32, #tpu.memory_space<vmem>> -> memref<1x64x256xf32, #tpu.memory_space<vmem>>
    %dma_wait3A_582 = tpu.memref_squeeze %dma_wait3A_581 : memref<1x64x256xf32, #tpu.memory_space<vmem>> -> memref<64x256xf32, #tpu.memory_space<vmem>>
    %dma_wait3A_583 = arith.constant 0 : i32
    %dma_wait3A_584 = tpu.memref_slice %arg11[%dma_wait3A, %dma_wait3A_583] : memref<8x64xi32, #tpu.memory_space<vmem>> -> memref<1x64xi32, #tpu.memory_space<vmem>>
    %dma_wait3A_585 = tpu.memref_squeeze %dma_wait3A_584 : memref<1x64xi32, #tpu.memory_space<vmem>> -> memref<64xi32, #tpu.memory_space<vmem>>
    %dma_wait3A_586 = tpu.memref_reshape %arg2 : memref<64x2x256x256xf32, #tpu.memory_space<hbm>> -> memref<32768x256xf32, #tpu.memory_space<hbm>>
    %dma_wait3A_587 = arith.constant 0 : i32
    %dma_wait3A_588 = arith.constant 0 : i32
    %dma_wait3A_589 = tpu.memref_slice %dma_wait3A_586[%dma_wait3A_587, %dma_wait3A_588] : memref<32768x256xf32, #tpu.memory_space<hbm>> -> memref<32768x256xf32, #tpu.memory_space<hbm>>
    tpu.wait_indirect_dma semaphore(%arg16 : memref<!tpu.dma_semaphore, #tpu.memory_space<semaphore_mem>>) src(%dma_wait3A_589 : memref<32768x256xf32, #tpu.memory_space<hbm>>) dst(%dma_wait3A_582 : memref<64x256xf32, #tpu.memory_space<vmem>>)
    %get3A_590 = arith.constant 0 : i32
    %get3A_591 = arith.index_cast %get3A_590 : i32 to index
    %get3A_592 = arith.constant 0 : index
    %get3A_593 = tpu.vector_load %arg8[%get3A_591, %get3A_592] {strides = array<i32>} : memref<2x128xi32, #tpu.memory_space<vmem>>, vector<16xi32>,
    %and3A = arith.constant 255 : i32
    %and3A_594 = vector.broadcast %and3A : i32 to vector<16xi32>
    %and3A_595 = arith.andi %get3A_593, %and3A_594 : vector<16xi32>
    %add3A_596 = arith.constant 0 : i32
    %add3A_597 = vector.broadcast %add3A_596 : i32 to vector<16xi32>
    %add3A_598 = arith.addi %iota3A, %add3A_597 : vector<16xi32>
    %gather3A = arith.constant 0 : i32
    %gather3A_599 = arith.constant 0 : i32
    %gather3A_600 = arith.constant 0 : i32
    %gather3A_601 = tpu.memref_slice %arg12[%gather3A, %gather3A_599, %gather3A_600] : memref<6x64x256xf32, #tpu.memory_space<vmem>> -> memref<1x64x256xf32, #tpu.memory_space<vmem>>
    %gather3A_602 = tpu.memref_squeeze %gather3A_601 : memref<1x64x256xf32, #tpu.memory_space<vmem>> -> memref<64x256xf32, #tpu.memory_space<vmem>>
    %gather3A_603 = tpu.vector_load_idx %gather3A_602[%add3A_598, %and3A_595] : memref<64x256xf32, #tpu.memory_space<vmem>>[vector<16xi32>, vector<16xi32>], vector<16xf32>,
    %get3A_604 = arith.constant 0 : i32
    %get3A_605 = arith.index_cast %get3A_604 : i32 to index
    %get3A_606 = arith.constant 0 : index
    %get3A_607 = tpu.vector_load %arg9[%get3A_605, %get3A_606] {strides = array<i32>} : memref<2x128xi32, #tpu.memory_space<vmem>>, vector<16xi32>,
    %convert_element_type3A = arith.sitofp %get3A_607 : vector<16xi32> to vector<16xf32>
    %get3A_608 = arith.constant 0 : index
    %get3A_609 = tpu.vector_load %arg10[%get3A_608] {strides = array<i32>} : memref<512xf32, #tpu.memory_space<vmem>>, vector<16xf32>,
    %mul3A_610 = arith.mulf %gather3A_603, %convert_element_type3A : vector<16xf32>
    %mul3A_611 = arith.mulf %get3A_609, %convert_element_type3A : vector<16xf32>
    %sub3A = arith.subf %mul3A_610, %mul3A_611 : vector<16xf32>
    %abs3A = math.absf %sub3A : vector<16xf32>
    %add3A_612 = arith.addf %broadcast_in_dim3A_577, %abs3A : vector<16xf32>
    %get3A_613 = arith.constant 0 : i32
    %get3A_614 = arith.index_cast %get3A_613 : i32 to index
    %get3A_615 = arith.constant 16 : index
    %get3A_616 = tpu.vector_load %arg8[%get3A_614, %get3A_615] {strides = array<i32>} : memref<2x128xi32, #tpu.memory_space<vmem>>, vector<16xi32>,
    %and3A_617 = arith.constant 255 : i32
    %and3A_618 = vector.broadcast %and3A_617 : i32 to vector<16xi32>
    %and3A_619 = arith.andi %get3A_616, %and3A_618 : vector<16xi32>
    %add3A_620 = arith.constant 16 : i32
    %add3A_621 = vector.broadcast %add3A_620 : i32 to vector<16xi32>
    %add3A_622 = arith.addi %iota3A, %add3A_621 : vector<16xi32>
    %gather3A_623 = arith.constant 0 : i32
    %gather3A_624 = arith.constant 0 : i32
    %gather3A_625 = arith.constant 0 : i32
    %gather3A_626 = tpu.memref_slice %arg12[%gather3A_623, %gather3A_624, %gather3A_625] : memref<6x64x256xf32, #tpu.memory_space<vmem>> -> memref<1x64x256xf32, #tpu.memory_space<vmem>>
    %gather3A_627 = tpu.memref_squeeze %gather3A_626 : memref<1x64x256xf32, #tpu.memory_space<vmem>> -> memref<64x256xf32, #tpu.memory_space<vmem>>
    %gather3A_628 = tpu.vector_load_idx %gather3A_627[%add3A_622, %and3A_619] : memref<64x256xf32, #tpu.memory_space<vmem>>[vector<16xi32>, vector<16xi32>], vector<16xf32>,
    %get3A_629 = arith.constant 0 : i32
    %get3A_630 = arith.index_cast %get3A_629 : i32 to index
    %get3A_631 = arith.constant 16 : index
    %get3A_632 = tpu.vector_load %arg9[%get3A_630, %get3A_631] {strides = array<i32>} : memref<2x128xi32, #tpu.memory_space<vmem>>, vector<16xi32>,
    %convert_element_type3A_633 = arith.sitofp %get3A_632 : vector<16xi32> to vector<16xf32>
    %get3A_634 = arith.constant 16 : index
    %get3A_635 = tpu.vector_load %arg10[%get3A_634] {strides = array<i32>} : memref<512xf32, #tpu.memory_space<vmem>>, vector<16xf32>,
    %mul3A_636 = arith.mulf %gather3A_628, %convert_element_type3A_633 : vector<16xf32>
    %mul3A_637 = arith.mulf %get3A_635, %convert_element_type3A_633 : vector<16xf32>
    %sub3A_638 = arith.subf %mul3A_636, %mul3A_637 : vector<16xf32>
    %abs3A_639 = math.absf %sub3A_638 : vector<16xf32>
    %add3A_640 = arith.addf %add3A_612, %abs3A_639 : vector<16xf32>
    %get3A_641 = arith.constant 0 : i32
    %get3A_642 = arith.index_cast %get3A_641 : i32 to index
    %get3A_643 = arith.constant 32 : index
    %get3A_644 = tpu.vector_load %arg8[%get3A_642, %get3A_643] {strides = array<i32>} : memref<2x128xi32, #tpu.memory_space<vmem>>, vector<16xi32>,
    %and3A_645 = arith.constant 255 : i32
    %and3A_646 = vector.broadcast %and3A_645 : i32 to vector<16xi32>
    %and3A_647 = arith.andi %get3A_644, %and3A_646 : vector<16xi32>
    %add3A_648 = arith.constant 32 : i32
    %add3A_649 = vector.broadcast %add3A_648 : i32 to vector<16xi32>
    %add3A_650 = arith.addi %iota3A, %add3A_649 : vector<16xi32>
    %gather3A_651 = arith.constant 0 : i32
    %gather3A_652 = arith.constant 0 : i32
    %gather3A_653 = arith.constant 0 : i32
    %gather3A_654 = tpu.memref_slice %arg12[%gather3A_651, %gather3A_652, %gather3A_653] : memref<6x64x256xf32, #tpu.memory_space<vmem>> -> memref<1x64x256xf32, #tpu.memory_space<vmem>>
    %gather3A_655 = tpu.memref_squeeze %gather3A_654 : memref<1x64x256xf32, #tpu.memory_space<vmem>> -> memref<64x256xf32, #tpu.memory_space<vmem>>
    %gather3A_656 = tpu.vector_load_idx %gather3A_655[%add3A_650, %and3A_647] : memref<64x256xf32, #tpu.memory_space<vmem>>[vector<16xi32>, vector<16xi32>], vector<16xf32>,
    %get3A_657 = arith.constant 0 : i32
    %get3A_658 = arith.index_cast %get3A_657 : i32 to index
    %get3A_659 = arith.constant 32 : index
    %get3A_660 = tpu.vector_load %arg9[%get3A_658, %get3A_659] {strides = array<i32>} : memref<2x128xi32, #tpu.memory_space<vmem>>, vector<16xi32>,
    %convert_element_type3A_661 = arith.sitofp %get3A_660 : vector<16xi32> to vector<16xf32>
    %get3A_662 = arith.constant 32 : index
    %get3A_663 = tpu.vector_load %arg10[%get3A_662] {strides = array<i32>} : memref<512xf32, #tpu.memory_space<vmem>>, vector<16xf32>,
    %mul3A_664 = arith.mulf %gather3A_656, %convert_element_type3A_661 : vector<16xf32>
    %mul3A_665 = arith.mulf %get3A_663, %convert_element_type3A_661 : vector<16xf32>
    %sub3A_666 = arith.subf %mul3A_664, %mul3A_665 : vector<16xf32>
    %abs3A_667 = math.absf %sub3A_666 : vector<16xf32>
    %add3A_668 = arith.addf %add3A_640, %abs3A_667 : vector<16xf32>
    %get3A_669 = arith.constant 0 : i32
    %get3A_670 = arith.index_cast %get3A_669 : i32 to index
    %get3A_671 = arith.constant 48 : index
    %get3A_672 = tpu.vector_load %arg8[%get3A_670, %get3A_671] {strides = array<i32>} : memref<2x128xi32, #tpu.memory_space<vmem>>, vector<16xi32>,
    %and3A_673 = arith.constant 255 : i32
    %and3A_674 = vector.broadcast %and3A_673 : i32 to vector<16xi32>
    %and3A_675 = arith.andi %get3A_672, %and3A_674 : vector<16xi32>
    %add3A_676 = arith.constant 48 : i32
    %add3A_677 = vector.broadcast %add3A_676 : i32 to vector<16xi32>
    %add3A_678 = arith.addi %iota3A, %add3A_677 : vector<16xi32>
    %gather3A_679 = arith.constant 0 : i32
    %gather3A_680 = arith.constant 0 : i32
    %gather3A_681 = arith.constant 0 : i32
    %gather3A_682 = tpu.memref_slice %arg12[%gather3A_679, %gather3A_680, %gather3A_681] : memref<6x64x256xf32, #tpu.memory_space<vmem>> -> memref<1x64x256xf32, #tpu.memory_space<vmem>>
    %gather3A_683 = tpu.memref_squeeze %gather3A_682 : memref<1x64x256xf32, #tpu.memory_space<vmem>> -> memref<64x256xf32, #tpu.memory_space<vmem>>
    %gather3A_684 = tpu.vector_load_idx %gather3A_683[%add3A_678, %and3A_675] : memref<64x256xf32, #tpu.memory_space<vmem>>[vector<16xi32>, vector<16xi32>], vector<16xf32>,
    %get3A_685 = arith.constant 0 : i32
    %get3A_686 = arith.index_cast %get3A_685 : i32 to index
    %get3A_687 = arith.constant 48 : index
    %get3A_688 = tpu.vector_load %arg9[%get3A_686, %get3A_687] {strides = array<i32>} : memref<2x128xi32, #tpu.memory_space<vmem>>, vector<16xi32>,
    %convert_element_type3A_689 = arith.sitofp %get3A_688 : vector<16xi32> to vector<16xf32>
    %get3A_690 = arith.constant 48 : index
    %get3A_691 = tpu.vector_load %arg10[%get3A_690] {strides = array<i32>} : memref<512xf32, #tpu.memory_space<vmem>>, vector<16xf32>,
    %mul3A_692 = arith.mulf %gather3A_684, %convert_element_type3A_689 : vector<16xf32>
    %mul3A_693 = arith.mulf %get3A_691, %convert_element_type3A_689 : vector<16xf32>
    %sub3A_694 = arith.subf %mul3A_692, %mul3A_693 : vector<16xf32>
    %abs3A_695 = math.absf %sub3A_694 : vector<16xf32>
    %add3A_696 = arith.addf %add3A_668, %abs3A_695 : vector<16xf32>
    %dma_start3A_697 = arith.constant 6 : i32
    %dma_start3A_698 = arith.constant 0 : i32
    %dma_start3A_699 = arith.constant 0 : i32
    %dma_start3A_700 = arith.constant 0 : i32
    %dma_start3A_701 = tpu.memref_slice %arg12[%dma_start3A_698, %dma_start3A_699, %dma_start3A_700] : memref<6x64x256xf32, #tpu.memory_space<vmem>> -> memref<1x64x256xf32, #tpu.memory_space<vmem>>
    %dma_start3A_702 = tpu.memref_squeeze %dma_start3A_701 : memref<1x64x256xf32, #tpu.memory_space<vmem>> -> memref<64x256xf32, #tpu.memory_space<vmem>>
    %dma_start3A_703 = arith.constant 0 : i32
    %dma_start3A_704 = tpu.memref_slice %arg11[%dma_start3A_697, %dma_start3A_703] : memref<8x64xi32, #tpu.memory_space<vmem>> -> memref<1x64xi32, #tpu.memory_space<vmem>>
    %dma_start3A_705 = tpu.memref_squeeze %dma_start3A_704 : memref<1x64xi32, #tpu.memory_space<vmem>> -> memref<64xi32, #tpu.memory_space<vmem>>
    %dma_start3A_706 = tpu.memref_reshape %arg2 : memref<64x2x256x256xf32, #tpu.memory_space<hbm>> -> memref<32768x256xf32, #tpu.memory_space<hbm>>
    %dma_start3A_707 = arith.constant 0 : i32
    %dma_start3A_708 = arith.constant 0 : i32
    %dma_start3A_709 = tpu.memref_slice %dma_start3A_706[%dma_start3A_707, %dma_start3A_708] : memref<32768x256xf32, #tpu.memory_space<hbm>> -> memref<32768x256xf32, #tpu.memory_space<hbm>>
    tpu.enqueue_indirect_dma source(%dma_start3A_709 : memref<32768x256xf32, #tpu.memory_space<hbm>>) target(%dma_start3A_702 : memref<64x256xf32, #tpu.memory_space<vmem>>) offsets(%dma_start3A_705 : memref<64xi32, #tpu.memory_space<vmem>>) semaphore(%arg16 : memref<!tpu.dma_semaphore, #tpu.memory_space<semaphore_mem>>)
    %dma_wait3A_710 = arith.constant 1 : i32
    %dma_wait3A_711 = arith.constant 1 : i32
    %dma_wait3A_712 = arith.constant 0 : i32
    %dma_wait3A_713 = arith.constant 0 : i32
    %dma_wait3A_714 = tpu.memref_slice %arg12[%dma_wait3A_711, %dma_wait3A_712, %dma_wait3A_713] : memref<6x64x256xf32, #tpu.memory_space<vmem>> -> memref<1x64x256xf32, #tpu.memory_space<vmem>>
    %dma_wait3A_715 = tpu.memref_squeeze %dma_wait3A_714 : memref<1x64x256xf32, #tpu.memory_space<vmem>> -> memref<64x256xf32, #tpu.memory_space<vmem>>
    %dma_wait3A_716 = arith.constant 0 : i32
    %dma_wait3A_717 = tpu.memref_slice %arg11[%dma_wait3A_710, %dma_wait3A_716] : memref<8x64xi32, #tpu.memory_space<vmem>> -> memref<1x64xi32, #tpu.memory_space<vmem>>
    %dma_wait3A_718 = tpu.memref_squeeze %dma_wait3A_717 : memref<1x64xi32, #tpu.memory_space<vmem>> -> memref<64xi32, #tpu.memory_space<vmem>>
    %dma_wait3A_719 = tpu.memref_reshape %arg2 : memref<64x2x256x256xf32, #tpu.memory_space<hbm>> -> memref<32768x256xf32, #tpu.memory_space<hbm>>
    %dma_wait3A_720 = arith.constant 0 : i32
    %dma_wait3A_721 = arith.constant 0 : i32
    %dma_wait3A_722 = tpu.memref_slice %dma_wait3A_719[%dma_wait3A_720, %dma_wait3A_721] : memref<32768x256xf32, #tpu.memory_space<hbm>> -> memref<32768x256xf32, #tpu.memory_space<hbm>>
    tpu.wait_indirect_dma semaphore(%arg17 : memref<!tpu.dma_semaphore, #tpu.memory_space<semaphore_mem>>) src(%dma_wait3A_722 : memref<32768x256xf32, #tpu.memory_space<hbm>>) dst(%dma_wait3A_715 : memref<64x256xf32, #tpu.memory_space<vmem>>)
    %get3A_723 = arith.constant 0 : i32
    %get3A_724 = arith.index_cast %get3A_723 : i32 to index
    %get3A_725 = arith.constant 64 : index
    %get3A_726 = tpu.vector_load %arg8[%get3A_724, %get3A_725] {strides = array<i32>} : memref<2x128xi32, #tpu.memory_space<vmem>>, vector<16xi32>,
    %and3A_727 = arith.constant 255 : i32
    %and3A_728 = vector.broadcast %and3A_727 : i32 to vector<16xi32>
    %and3A_729 = arith.andi %get3A_726, %and3A_728 : vector<16xi32>
    %add3A_730 = arith.constant 0 : i32
    %add3A_731 = vector.broadcast %add3A_730 : i32 to vector<16xi32>
    %add3A_732 = arith.addi %iota3A, %add3A_731 : vector<16xi32>
    %gather3A_733 = arith.constant 1 : i32
    %gather3A_734 = arith.constant 0 : i32
    %gather3A_735 = arith.constant 0 : i32
    %gather3A_736 = tpu.memref_slice %arg12[%gather3A_733, %gather3A_734, %gather3A_735] : memref<6x64x256xf32, #tpu.memory_space<vmem>> -> memref<1x64x256xf32, #tpu.memory_space<vmem>>
    %gather3A_737 = tpu.memref_squeeze %gather3A_736 : memref<1x64x256xf32, #tpu.memory_space<vmem>> -> memref<64x256xf32, #tpu.memory_space<vmem>>
    %gather3A_738 = tpu.vector_load_idx %gather3A_737[%add3A_732, %and3A_729] : memref<64x256xf32, #tpu.memory_space<vmem>>[vector<16xi32>, vector<16xi32>], vector<16xf32>,
    %get3A_739 = arith.constant 0 : i32
    %get3A_740 = arith.index_cast %get3A_739 : i32 to index
    %get3A_741 = arith.constant 64 : index
    %get3A_742 = tpu.vector_load %arg9[%get3A_740, %get3A_741] {strides = array<i32>} : memref<2x128xi32, #tpu.memory_space<vmem>>, vector<16xi32>,
    %convert_element_type3A_743 = arith.sitofp %get3A_742 : vector<16xi32> to vector<16xf32>
    %get3A_744 = arith.constant 64 : index
    %get3A_745 = tpu.vector_load %arg10[%get3A_744] {strides = array<i32>} : memref<512xf32, #tpu.memory_space<vmem>>, vector<16xf32>,
    %mul3A_746 = arith.mulf %gather3A_738, %convert_element_type3A_743 : vector<16xf32>
    %mul3A_747 = arith.mulf %get3A_745, %convert_element_type3A_743 : vector<16xf32>
    %sub3A_748 = arith.subf %mul3A_746, %mul3A_747 : vector<16xf32>
    %abs3A_749 = math.absf %sub3A_748 : vector<16xf32>
    %add3A_750 = arith.addf %add3A_696, %abs3A_749 : vector<16xf32>
    %get3A_751 = arith.constant 0 : i32
    %get3A_752 = arith.index_cast %get3A_751 : i32 to index
    %get3A_753 = arith.constant 80 : index
    %get3A_754 = tpu.vector_load %arg8[%get3A_752, %get3A_753] {strides = array<i32>} : memref<2x128xi32, #tpu.memory_space<vmem>>, vector<16xi32>,
    %and3A_755 = arith.constant 255 : i32
    %and3A_756 = vector.broadcast %and3A_755 : i32 to vector<16xi32>
    %and3A_757 = arith.andi %get3A_754, %and3A_756 : vector<16xi32>
    %add3A_758 = arith.constant 16 : i32
    %add3A_759 = vector.broadcast %add3A_758 : i32 to vector<16xi32>
    %add3A_760 = arith.addi %iota3A, %add3A_759 : vector<16xi32>
    %gather3A_761 = arith.constant 1 : i32
    %gather3A_762 = arith.constant 0 : i32
    %gather3A_763 = arith.constant 0 : i32
    %gather3A_764 = tpu.memref_slice %arg12[%gather3A_761, %gather3A_762, %gather3A_763] : memref<6x64x256xf32, #tpu.memory_space<vmem>> -> memref<1x64x256xf32, #tpu.memory_space<vmem>>
    %gather3A_765 = tpu.memref_squeeze %gather3A_764 : memref<1x64x256xf32, #tpu.memory_space<vmem>> -> memref<64x256xf32, #tpu.memory_space<vmem>>
    %gather3A_766 = tpu.vector_load_idx %gather3A_765[%add3A_760, %and3A_757] : memref<64x256xf32, #tpu.memory_space<vmem>>[vector<16xi32>, vector<16xi32>], vector<16xf32>,
    %get3A_767 = arith.constant 0 : i32
    %get3A_768 = arith.index_cast %get3A_767 : i32 to index
    %get3A_769 = arith.constant 80 : index
    %get3A_770 = tpu.vector_load %arg9[%get3A_768, %get3A_769] {strides = array<i32>} : memref<2x128xi32, #tpu.memory_space<vmem>>, vector<16xi32>,
    %convert_element_type3A_771 = arith.sitofp %get3A_770 : vector<16xi32> to vector<16xf32>
    %get3A_772 = arith.constant 80 : index
    %get3A_773 = tpu.vector_load %arg10[%get3A_772] {strides = array<i32>} : memref<512xf32, #tpu.memory_space<vmem>>, vector<16xf32>,
    %mul3A_774 = arith.mulf %gather3A_766, %convert_element_type3A_771 : vector<16xf32>
    %mul3A_775 = arith.mulf %get3A_773, %convert_element_type3A_771 : vector<16xf32>
    %sub3A_776 = arith.subf %mul3A_774, %mul3A_775 : vector<16xf32>
    %abs3A_777 = math.absf %sub3A_776 : vector<16xf32>
    %add3A_778 = arith.addf %add3A_750, %abs3A_777 : vector<16xf32>
    %get3A_779 = arith.constant 0 : i32
    %get3A_780 = arith.index_cast %get3A_779 : i32 to index
    %get3A_781 = arith.constant 96 : index
    %get3A_782 = tpu.vector_load %arg8[%get3A_780, %get3A_781] {strides = array<i32>} : memref<2x128xi32, #tpu.memory_space<vmem>>, vector<16xi32>,
    %and3A_783 = arith.constant 255 : i32
    %and3A_784 = vector.broadcast %and3A_783 : i32 to vector<16xi32>
    %and3A_785 = arith.andi %get3A_782, %and3A_784 : vector<16xi32>
    %add3A_786 = arith.constant 32 : i32
    %add3A_787 = vector.broadcast %add3A_786 : i32 to vector<16xi32>
    %add3A_788 = arith.addi %iota3A, %add3A_787 : vector<16xi32>
    %gather3A_789 = arith.constant 1 : i32
    %gather3A_790 = arith.constant 0 : i32
    %gather3A_791 = arith.constant 0 : i32
    %gather3A_792 = tpu.memref_slice %arg12[%gather3A_789, %gather3A_790, %gather3A_791] : memref<6x64x256xf32, #tpu.memory_space<vmem>> -> memref<1x64x256xf32, #tpu.memory_space<vmem>>
    %gather3A_793 = tpu.memref_squeeze %gather3A_792 : memref<1x64x256xf32, #tpu.memory_space<vmem>> -> memref<64x256xf32, #tpu.memory_space<vmem>>
    %gather3A_794 = tpu.vector_load_idx %gather3A_793[%add3A_788, %and3A_785] : memref<64x256xf32, #tpu.memory_space<vmem>>[vector<16xi32>, vector<16xi32>], vector<16xf32>,
    %get3A_795 = arith.constant 0 : i32
    %get3A_796 = arith.index_cast %get3A_795 : i32 to index
    %get3A_797 = arith.constant 96 : index
    %get3A_798 = tpu.vector_load %arg9[%get3A_796, %get3A_797] {strides = array<i32>} : memref<2x128xi32, #tpu.memory_space<vmem>>, vector<16xi32>,
    %convert_element_type3A_799 = arith.sitofp %get3A_798 : vector<16xi32> to vector<16xf32>
    %get3A_800 = arith.constant 96 : index
    %get3A_801 = tpu.vector_load %arg10[%get3A_800] {strides = array<i32>} : memref<512xf32, #tpu.memory_space<vmem>>, vector<16xf32>,
    %mul3A_802 = arith.mulf %gather3A_794, %convert_element_type3A_799 : vector<16xf32>
    %mul3A_803 = arith.mulf %get3A_801, %convert_element_type3A_799 : vector<16xf32>
    %sub3A_804 = arith.subf %mul3A_802, %mul3A_803 : vector<16xf32>
    %abs3A_805 = math.absf %sub3A_804 : vector<16xf32>
    %add3A_806 = arith.addf %add3A_778, %abs3A_805 : vector<16xf32>
    %get3A_807 = arith.constant 0 : i32
    %get3A_808 = arith.index_cast %get3A_807 : i32 to index
    %get3A_809 = arith.constant 112 : index
    %get3A_810 = tpu.vector_load %arg8[%get3A_808, %get3A_809] {strides = array<i32>} : memref<2x128xi32, #tpu.memory_space<vmem>>, vector<16xi32>,
    %and3A_811 = arith.constant 255 : i32
    %and3A_812 = vector.broadcast %and3A_811 : i32 to vector<16xi32>
    %and3A_813 = arith.andi %get3A_810, %and3A_812 : vector<16xi32>
    %add3A_814 = arith.constant 48 : i32
    %add3A_815 = vector.broadcast %add3A_814 : i32 to vector<16xi32>
    %add3A_816 = arith.addi %iota3A, %add3A_815 : vector<16xi32>
    %gather3A_817 = arith.constant 1 : i32
    %gather3A_818 = arith.constant 0 : i32
    %gather3A_819 = arith.constant 0 : i32
    %gather3A_820 = tpu.memref_slice %arg12[%gather3A_817, %gather3A_818, %gather3A_819] : memref<6x64x256xf32, #tpu.memory_space<vmem>> -> memref<1x64x256xf32, #tpu.memory_space<vmem>>
    %gather3A_821 = tpu.memref_squeeze %gather3A_820 : memref<1x64x256xf32, #tpu.memory_space<vmem>> -> memref<64x256xf32, #tpu.memory_space<vmem>>
    %gather3A_822 = tpu.vector_load_idx %gather3A_821[%add3A_816, %and3A_813] : memref<64x256xf32, #tpu.memory_space<vmem>>[vector<16xi32>, vector<16xi32>], vector<16xf32>,
    %get3A_823 = arith.constant 0 : i32
    %get3A_824 = arith.index_cast %get3A_823 : i32 to index
    %get3A_825 = arith.constant 112 : index
    %get3A_826 = tpu.vector_load %arg9[%get3A_824, %get3A_825] {strides = array<i32>} : memref<2x128xi32, #tpu.memory_space<vmem>>, vector<16xi32>,
    %convert_element_type3A_827 = arith.sitofp %get3A_826 : vector<16xi32> to vector<16xf32>
    %get3A_828 = arith.constant 112 : index
    %get3A_829 = tpu.vector_load %arg10[%get3A_828] {strides = array<i32>} : memref<512xf32, #tpu.memory_space<vmem>>, vector<16xf32>,
    %mul3A_830 = arith.mulf %gather3A_822, %convert_element_type3A_827 : vector<16xf32>
    %mul3A_831 = arith.mulf %get3A_829, %convert_element_type3A_827 : vector<16xf32>
    %sub3A_832 = arith.subf %mul3A_830, %mul3A_831 : vector<16xf32>
    %abs3A_833 = math.absf %sub3A_832 : vector<16xf32>
    %add3A_834 = arith.addf %add3A_806, %abs3A_833 : vector<16xf32>
    %dma_start3A_835 = arith.constant 7 : i32
    %dma_start3A_836 = arith.constant 1 : i32
    %dma_start3A_837 = arith.constant 0 : i32
    %dma_start3A_838 = arith.constant 0 : i32
    %dma_start3A_839 = tpu.memref_slice %arg12[%dma_start3A_836, %dma_start3A_837, %dma_start3A_838] : memref<6x64x256xf32, #tpu.memory_space<vmem>> -> memref<1x64x256xf32, #tpu.memory_space<vmem>>
    %dma_start3A_840 = tpu.memref_squeeze %dma_start3A_839 : memref<1x64x256xf32, #tpu.memory_space<vmem>> -> memref<64x256xf32, #tpu.memory_space<vmem>>
    %dma_start3A_841 = arith.constant 0 : i32
    %dma_start3A_842 = tpu.memref_slice %arg11[%dma_start3A_835, %dma_start3A_841] : memref<8x64xi32, #tpu.memory_space<vmem>> -> memref<1x64xi32, #tpu.memory_space<vmem>>
    %dma_start3A_843 = tpu.memref_squeeze %dma_start3A_842 : memref<1x64xi32, #tpu.memory_space<vmem>> -> memref<64xi32, #tpu.memory_space<vmem>>
    %dma_start3A_844 = tpu.memref_reshape %arg2 : memref<64x2x256x256xf32, #tpu.memory_space<hbm>> -> memref<32768x256xf32, #tpu.memory_space<hbm>>
    %dma_start3A_845 = arith.constant 0 : i32
    %dma_start3A_846 = arith.constant 0 : i32
    %dma_start3A_847 = tpu.memref_slice %dma_start3A_844[%dma_start3A_845, %dma_start3A_846] : memref<32768x256xf32, #tpu.memory_space<hbm>> -> memref<32768x256xf32, #tpu.memory_space<hbm>>
    tpu.enqueue_indirect_dma source(%dma_start3A_847 : memref<32768x256xf32, #tpu.memory_space<hbm>>) target(%dma_start3A_840 : memref<64x256xf32, #tpu.memory_space<vmem>>) offsets(%dma_start3A_843 : memref<64xi32, #tpu.memory_space<vmem>>) semaphore(%arg17 : memref<!tpu.dma_semaphore, #tpu.memory_space<semaphore_mem>>)
    %dma_wait3A_848 = arith.constant 2 : i32
    %dma_wait3A_849 = arith.constant 2 : i32
    %dma_wait3A_850 = arith.constant 0 : i32
    %dma_wait3A_851 = arith.constant 0 : i32
    %dma_wait3A_852 = tpu.memref_slice %arg12[%dma_wait3A_849, %dma_wait3A_850, %dma_wait3A_851] : memref<6x64x256xf32, #tpu.memory_space<vmem>> -> memref<1x64x256xf32, #tpu.memory_space<vmem>>
    %dma_wait3A_853 = tpu.memref_squeeze %dma_wait3A_852 : memref<1x64x256xf32, #tpu.memory_space<vmem>> -> memref<64x256xf32, #tpu.memory_space<vmem>>
    %dma_wait3A_854 = arith.constant 0 : i32
    %dma_wait3A_855 = tpu.memref_slice %arg11[%dma_wait3A_848, %dma_wait3A_854] : memref<8x64xi32, #tpu.memory_space<vmem>> -> memref<1x64xi32, #tpu.memory_space<vmem>>
    %dma_wait3A_856 = tpu.memref_squeeze %dma_wait3A_855 : memref<1x64xi32, #tpu.memory_space<vmem>> -> memref<64xi32, #tpu.memory_space<vmem>>
    %dma_wait3A_857 = tpu.memref_reshape %arg2 : memref<64x2x256x256xf32, #tpu.memory_space<hbm>> -> memref<32768x256xf32, #tpu.memory_space<hbm>>
    %dma_wait3A_858 = arith.constant 0 : i32
    %dma_wait3A_859 = arith.constant 0 : i32
    %dma_wait3A_860 = tpu.memref_slice %dma_wait3A_857[%dma_wait3A_858, %dma_wait3A_859] : memref<32768x256xf32, #tpu.memory_space<hbm>> -> memref<32768x256xf32, #tpu.memory_space<hbm>>
    tpu.wait_indirect_dma semaphore(%arg18 : memref<!tpu.dma_semaphore, #tpu.memory_space<semaphore_mem>>) src(%dma_wait3A_860 : memref<32768x256xf32, #tpu.memory_space<hbm>>) dst(%dma_wait3A_853 : memref<64x256xf32, #tpu.memory_space<vmem>>)
    %get3A_861 = arith.constant 1 : i32
    %get3A_862 = arith.index_cast %get3A_861 : i32 to index
    %get3A_863 = arith.constant 0 : index
    %get3A_864 = tpu.vector_load %arg8[%get3A_862, %get3A_863] {strides = array<i32>} : memref<2x128xi32, #tpu.memory_space<vmem>>, vector<16xi32>,
    %and3A_865 = arith.constant 255 : i32
    %and3A_866 = vector.broadcast %and3A_865 : i32 to vector<16xi32>
    %and3A_867 = arith.andi %get3A_864, %and3A_866 : vector<16xi32>
    %add3A_868 = arith.constant 0 : i32
    %add3A_869 = vector.broadcast %add3A_868 : i32 to vector<16xi32>
    %add3A_870 = arith.addi %iota3A, %add3A_869 : vector<16xi32>
    %gather3A_871 = arith.constant 2 : i32
    %gather3A_872 = arith.constant 0 : i32
    %gather3A_873 = arith.constant 0 : i32
    %gather3A_874 = tpu.memref_slice %arg12[%gather3A_871, %gather3A_872, %gather3A_873] : memref<6x64x256xf32, #tpu.memory_space<vmem>> -> memref<1x64x256xf32, #tpu.memory_space<vmem>>
    %gather3A_875 = tpu.memref_squeeze %gather3A_874 : memref<1x64x256xf32, #tpu.memory_space<vmem>> -> memref<64x256xf32, #tpu.memory_space<vmem>>
    %gather3A_876 = tpu.vector_load_idx %gather3A_875[%add3A_870, %and3A_867] : memref<64x256xf32, #tpu.memory_space<vmem>>[vector<16xi32>, vector<16xi32>], vector<16xf32>,
    %get3A_877 = arith.constant 1 : i32
    %get3A_878 = arith.index_cast %get3A_877 : i32 to index
    %get3A_879 = arith.constant 0 : index
    %get3A_880 = tpu.vector_load %arg9[%get3A_878, %get3A_879] {strides = array<i32>} : memref<2x128xi32, #tpu.memory_space<vmem>>, vector<16xi32>,
    %convert_element_type3A_881 = arith.sitofp %get3A_880 : vector<16xi32> to vector<16xf32>
    %get3A_882 = arith.constant 256 : index
    %get3A_883 = tpu.vector_load %arg10[%get3A_882] {strides = array<i32>} : memref<512xf32, #tpu.memory_space<vmem>>, vector<16xf32>,
    %mul3A_884 = arith.mulf %gather3A_876, %convert_element_type3A_881 : vector<16xf32>
    %mul3A_885 = arith.mulf %get3A_883, %convert_element_type3A_881 : vector<16xf32>
    %sub3A_886 = arith.subf %mul3A_884, %mul3A_885 : vector<16xf32>
    %abs3A_887 = math.absf %sub3A_886 : vector<16xf32>
    %add3A_888 = arith.addf %add3A_834, %abs3A_887 : vector<16xf32>
    %get3A_889 = arith.constant 1 : i32
    %get3A_890 = arith.index_cast %get3A_889 : i32 to index
    %get3A_891 = arith.constant 16 : index
    %get3A_892 = tpu.vector_load %arg8[%get3A_890, %get3A_891] {strides = array<i32>} : memref<2x128xi32, #tpu.memory_space<vmem>>, vector<16xi32>,
    %and3A_893 = arith.constant 255 : i32
    %and3A_894 = vector.broadcast %and3A_893 : i32 to vector<16xi32>
    %and3A_895 = arith.andi %get3A_892, %and3A_894 : vector<16xi32>
    %add3A_896 = arith.constant 16 : i32
    %add3A_897 = vector.broadcast %add3A_896 : i32 to vector<16xi32>
    %add3A_898 = arith.addi %iota3A, %add3A_897 : vector<16xi32>
    %gather3A_899 = arith.constant 2 : i32
    %gather3A_900 = arith.constant 0 : i32
    %gather3A_901 = arith.constant 0 : i32
    %gather3A_902 = tpu.memref_slice %arg12[%gather3A_899, %gather3A_900, %gather3A_901] : memref<6x64x256xf32, #tpu.memory_space<vmem>> -> memref<1x64x256xf32, #tpu.memory_space<vmem>>
    %gather3A_903 = tpu.memref_squeeze %gather3A_902 : memref<1x64x256xf32, #tpu.memory_space<vmem>> -> memref<64x256xf32, #tpu.memory_space<vmem>>
    %gather3A_904 = tpu.vector_load_idx %gather3A_903[%add3A_898, %and3A_895] : memref<64x256xf32, #tpu.memory_space<vmem>>[vector<16xi32>, vector<16xi32>], vector<16xf32>,
    %get3A_905 = arith.constant 1 : i32
    %get3A_906 = arith.index_cast %get3A_905 : i32 to index
    %get3A_907 = arith.constant 16 : index
    %get3A_908 = tpu.vector_load %arg9[%get3A_906, %get3A_907] {strides = array<i32>} : memref<2x128xi32, #tpu.memory_space<vmem>>, vector<16xi32>,
    %convert_element_type3A_909 = arith.sitofp %get3A_908 : vector<16xi32> to vector<16xf32>
    %get3A_910 = arith.constant 272 : index
    %get3A_911 = tpu.vector_load %arg10[%get3A_910] {strides = array<i32>} : memref<512xf32, #tpu.memory_space<vmem>>, vector<16xf32>,
    %mul3A_912 = arith.mulf %gather3A_904, %convert_element_type3A_909 : vector<16xf32>
    %mul3A_913 = arith.mulf %get3A_911, %convert_element_type3A_909 : vector<16xf32>
    %sub3A_914 = arith.subf %mul3A_912, %mul3A_913 : vector<16xf32>
    %abs3A_915 = math.absf %sub3A_914 : vector<16xf32>
    %add3A_916 = arith.addf %add3A_888, %abs3A_915 : vector<16xf32>
    %get3A_917 = arith.constant 1 : i32
    %get3A_918 = arith.index_cast %get3A_917 : i32 to index
    %get3A_919 = arith.constant 32 : index
    %get3A_920 = tpu.vector_load %arg8[%get3A_918, %get3A_919] {strides = array<i32>} : memref<2x128xi32, #tpu.memory_space<vmem>>, vector<16xi32>,
    %and3A_921 = arith.constant 255 : i32
    %and3A_922 = vector.broadcast %and3A_921 : i32 to vector<16xi32>
    %and3A_923 = arith.andi %get3A_920, %and3A_922 : vector<16xi32>
    %add3A_924 = arith.constant 32 : i32
    %add3A_925 = vector.broadcast %add3A_924 : i32 to vector<16xi32>
    %add3A_926 = arith.addi %iota3A, %add3A_925 : vector<16xi32>
    %gather3A_927 = arith.constant 2 : i32
    %gather3A_928 = arith.constant 0 : i32
    %gather3A_929 = arith.constant 0 : i32
    %gather3A_930 = tpu.memref_slice %arg12[%gather3A_927, %gather3A_928, %gather3A_929] : memref<6x64x256xf32, #tpu.memory_space<vmem>> -> memref<1x64x256xf32, #tpu.memory_space<vmem>>
    %gather3A_931 = tpu.memref_squeeze %gather3A_930 : memref<1x64x256xf32, #tpu.memory_space<vmem>> -> memref<64x256xf32, #tpu.memory_space<vmem>>
    %gather3A_932 = tpu.vector_load_idx %gather3A_931[%add3A_926, %and3A_923] : memref<64x256xf32, #tpu.memory_space<vmem>>[vector<16xi32>, vector<16xi32>], vector<16xf32>,
    %get3A_933 = arith.constant 1 : i32
    %get3A_934 = arith.index_cast %get3A_933 : i32 to index
    %get3A_935 = arith.constant 32 : index
    %get3A_936 = tpu.vector_load %arg9[%get3A_934, %get3A_935] {strides = array<i32>} : memref<2x128xi32, #tpu.memory_space<vmem>>, vector<16xi32>,
    %convert_element_type3A_937 = arith.sitofp %get3A_936 : vector<16xi32> to vector<16xf32>
    %get3A_938 = arith.constant 288 : index
    %get3A_939 = tpu.vector_load %arg10[%get3A_938] {strides = array<i32>} : memref<512xf32, #tpu.memory_space<vmem>>, vector<16xf32>,
    %mul3A_940 = arith.mulf %gather3A_932, %convert_element_type3A_937 : vector<16xf32>
    %mul3A_941 = arith.mulf %get3A_939, %convert_element_type3A_937 : vector<16xf32>
    %sub3A_942 = arith.subf %mul3A_940, %mul3A_941 : vector<16xf32>
    %abs3A_943 = math.absf %sub3A_942 : vector<16xf32>
    %add3A_944 = arith.addf %add3A_916, %abs3A_943 : vector<16xf32>
    %get3A_945 = arith.constant 1 : i32
    %get3A_946 = arith.index_cast %get3A_945 : i32 to index
    %get3A_947 = arith.constant 48 : index
    %get3A_948 = tpu.vector_load %arg8[%get3A_946, %get3A_947] {strides = array<i32>} : memref<2x128xi32, #tpu.memory_space<vmem>>, vector<16xi32>,
    %and3A_949 = arith.constant 255 : i32
    %and3A_950 = vector.broadcast %and3A_949 : i32 to vector<16xi32>
    %and3A_951 = arith.andi %get3A_948, %and3A_950 : vector<16xi32>
    %add3A_952 = arith.constant 48 : i32
    %add3A_953 = vector.broadcast %add3A_952 : i32 to vector<16xi32>
    %add3A_954 = arith.addi %iota3A, %add3A_953 : vector<16xi32>
    %gather3A_955 = arith.constant 2 : i32
    %gather3A_956 = arith.constant 0 : i32
    %gather3A_957 = arith.constant 0 : i32
    %gather3A_958 = tpu.memref_slice %arg12[%gather3A_955, %gather3A_956, %gather3A_957] : memref<6x64x256xf32, #tpu.memory_space<vmem>> -> memref<1x64x256xf32, #tpu.memory_space<vmem>>
    %gather3A_959 = tpu.memref_squeeze %gather3A_958 : memref<1x64x256xf32, #tpu.memory_space<vmem>> -> memref<64x256xf32, #tpu.memory_space<vmem>>
    %gather3A_960 = tpu.vector_load_idx %gather3A_959[%add3A_954, %and3A_951] : memref<64x256xf32, #tpu.memory_space<vmem>>[vector<16xi32>, vector<16xi32>], vector<16xf32>,
    %get3A_961 = arith.constant 1 : i32
    %get3A_962 = arith.index_cast %get3A_961 : i32 to index
    %get3A_963 = arith.constant 48 : index
    %get3A_964 = tpu.vector_load %arg9[%get3A_962, %get3A_963] {strides = array<i32>} : memref<2x128xi32, #tpu.memory_space<vmem>>, vector<16xi32>,
    %convert_element_type3A_965 = arith.sitofp %get3A_964 : vector<16xi32> to vector<16xf32>
    %get3A_966 = arith.constant 304 : index
    %get3A_967 = tpu.vector_load %arg10[%get3A_966] {strides = array<i32>} : memref<512xf32, #tpu.memory_space<vmem>>, vector<16xf32>,
    %mul3A_968 = arith.mulf %gather3A_960, %convert_element_type3A_965 : vector<16xf32>
    %mul3A_969 = arith.mulf %get3A_967, %convert_element_type3A_965 : vector<16xf32>
    %sub3A_970 = arith.subf %mul3A_968, %mul3A_969 : vector<16xf32>
    %abs3A_971 = math.absf %sub3A_970 : vector<16xf32>
    %add3A_972 = arith.addf %add3A_944, %abs3A_971 : vector<16xf32>
    %dma_wait3A_973 = arith.constant 3 : i32
    %dma_wait3A_974 = arith.constant 3 : i32
    %dma_wait3A_975 = arith.constant 0 : i32
    %dma_wait3A_976 = arith.constant 0 : i32
    %dma_wait3A_977 = tpu.memref_slice %arg12[%dma_wait3A_974, %dma_wait3A_975, %dma_wait3A_976] : memref<6x64x256xf32, #tpu.memory_space<vmem>> -> memref<1x64x256xf32, #tpu.memory_space<vmem>>
    %dma_wait3A_978 = tpu.memref_squeeze %dma_wait3A_977 : memref<1x64x256xf32, #tpu.memory_space<vmem>> -> memref<64x256xf32, #tpu.memory_space<vmem>>
    %dma_wait3A_979 = arith.constant 0 : i32
    %dma_wait3A_980 = tpu.memref_slice %arg11[%dma_wait3A_973, %dma_wait3A_979] : memref<8x64xi32, #tpu.memory_space<vmem>> -> memref<1x64xi32, #tpu.memory_space<vmem>>
    %dma_wait3A_981 = tpu.memref_squeeze %dma_wait3A_980 : memref<1x64xi32, #tpu.memory_space<vmem>> -> memref<64xi32, #tpu.memory_space<vmem>>
    %dma_wait3A_982 = tpu.memref_reshape %arg2 : memref<64x2x256x256xf32, #tpu.memory_space<hbm>> -> memref<32768x256xf32, #tpu.memory_space<hbm>>
    %dma_wait3A_983 = arith.constant 0 : i32
    %dma_wait3A_984 = arith.constant 0 : i32
    %dma_wait3A_985 = tpu.memref_slice %dma_wait3A_982[%dma_wait3A_983, %dma_wait3A_984] : memref<32768x256xf32, #tpu.memory_space<hbm>> -> memref<32768x256xf32, #tpu.memory_space<hbm>>
    tpu.wait_indirect_dma semaphore(%arg19 : memref<!tpu.dma_semaphore, #tpu.memory_space<semaphore_mem>>) src(%dma_wait3A_985 : memref<32768x256xf32, #tpu.memory_space<hbm>>) dst(%dma_wait3A_978 : memref<64x256xf32, #tpu.memory_space<vmem>>)
    %get3A_986 = arith.constant 1 : i32
    %get3A_987 = arith.index_cast %get3A_986 : i32 to index
    %get3A_988 = arith.constant 64 : index
    %get3A_989 = tpu.vector_load %arg8[%get3A_987, %get3A_988] {strides = array<i32>} : memref<2x128xi32, #tpu.memory_space<vmem>>, vector<16xi32>,
    %and3A_990 = arith.constant 255 : i32
    %and3A_991 = vector.broadcast %and3A_990 : i32 to vector<16xi32>
    %and3A_992 = arith.andi %get3A_989, %and3A_991 : vector<16xi32>
    %add3A_993 = arith.constant 0 : i32
    %add3A_994 = vector.broadcast %add3A_993 : i32 to vector<16xi32>
    %add3A_995 = arith.addi %iota3A, %add3A_994 : vector<16xi32>
    %gather3A_996 = arith.constant 3 : i32
    %gather3A_997 = arith.constant 0 : i32
    %gather3A_998 = arith.constant 0 : i32
    %gather3A_999 = tpu.memref_slice %arg12[%gather3A_996, %gather3A_997, %gather3A_998] : memref<6x64x256xf32, #tpu.memory_space<vmem>> -> memref<1x64x256xf32, #tpu.memory_space<vmem>>
    %gather3A_1000 = tpu.memref_squeeze %gather3A_999 : memref<1x64x256xf32, #tpu.memory_space<vmem>> -> memref<64x256xf32, #tpu.memory_space<vmem>>
    %gather3A_1001 = tpu.vector_load_idx %gather3A_1000[%add3A_995, %and3A_992] : memref<64x256xf32, #tpu.memory_space<vmem>>[vector<16xi32>, vector<16xi32>], vector<16xf32>,
    %get3A_1002 = arith.constant 1 : i32
    %get3A_1003 = arith.index_cast %get3A_1002 : i32 to index
    %get3A_1004 = arith.constant 64 : index
    %get3A_1005 = tpu.vector_load %arg9[%get3A_1003, %get3A_1004] {strides = array<i32>} : memref<2x128xi32, #tpu.memory_space<vmem>>, vector<16xi32>,
    %convert_element_type3A_1006 = arith.sitofp %get3A_1005 : vector<16xi32> to vector<16xf32>
    %get3A_1007 = arith.constant 320 : index
    %get3A_1008 = tpu.vector_load %arg10[%get3A_1007] {strides = array<i32>} : memref<512xf32, #tpu.memory_space<vmem>>, vector<16xf32>,
    %mul3A_1009 = arith.mulf %gather3A_1001, %convert_element_type3A_1006 : vector<16xf32>
    %mul3A_1010 = arith.mulf %get3A_1008, %convert_element_type3A_1006 : vector<16xf32>
    %sub3A_1011 = arith.subf %mul3A_1009, %mul3A_1010 : vector<16xf32>
    %abs3A_1012 = math.absf %sub3A_1011 : vector<16xf32>
    %add3A_1013 = arith.addf %add3A_972, %abs3A_1012 : vector<16xf32>
    %get3A_1014 = arith.constant 1 : i32
    %get3A_1015 = arith.index_cast %get3A_1014 : i32 to index
    %get3A_1016 = arith.constant 80 : index
    %get3A_1017 = tpu.vector_load %arg8[%get3A_1015, %get3A_1016] {strides = array<i32>} : memref<2x128xi32, #tpu.memory_space<vmem>>, vector<16xi32>,
    %and3A_1018 = arith.constant 255 : i32
    %and3A_1019 = vector.broadcast %and3A_1018 : i32 to vector<16xi32>
    %and3A_1020 = arith.andi %get3A_1017, %and3A_1019 : vector<16xi32>
    %add3A_1021 = arith.constant 16 : i32
    %add3A_1022 = vector.broadcast %add3A_1021 : i32 to vector<16xi32>
    %add3A_1023 = arith.addi %iota3A, %add3A_1022 : vector<16xi32>
    %gather3A_1024 = arith.constant 3 : i32
    %gather3A_1025 = arith.constant 0 : i32
    %gather3A_1026 = arith.constant 0 : i32
    %gather3A_1027 = tpu.memref_slice %arg12[%gather3A_1024, %gather3A_1025, %gather3A_1026] : memref<6x64x256xf32, #tpu.memory_space<vmem>> -> memref<1x64x256xf32, #tpu.memory_space<vmem>>
    %gather3A_1028 = tpu.memref_squeeze %gather3A_1027 : memref<1x64x256xf32, #tpu.memory_space<vmem>> -> memref<64x256xf32, #tpu.memory_space<vmem>>
    %gather3A_1029 = tpu.vector_load_idx %gather3A_1028[%add3A_1023, %and3A_1020] : memref<64x256xf32, #tpu.memory_space<vmem>>[vector<16xi32>, vector<16xi32>], vector<16xf32>,
    %get3A_1030 = arith.constant 1 : i32
    %get3A_1031 = arith.index_cast %get3A_1030 : i32 to index
    %get3A_1032 = arith.constant 80 : index
    %get3A_1033 = tpu.vector_load %arg9[%get3A_1031, %get3A_1032] {strides = array<i32>} : memref<2x128xi32, #tpu.memory_space<vmem>>, vector<16xi32>,
    %convert_element_type3A_1034 = arith.sitofp %get3A_1033 : vector<16xi32> to vector<16xf32>
    %get3A_1035 = arith.constant 336 : index
    %get3A_1036 = tpu.vector_load %arg10[%get3A_1035] {strides = array<i32>} : memref<512xf32, #tpu.memory_space<vmem>>, vector<16xf32>,
    %mul3A_1037 = arith.mulf %gather3A_1029, %convert_element_type3A_1034 : vector<16xf32>
    %mul3A_1038 = arith.mulf %get3A_1036, %convert_element_type3A_1034 : vector<16xf32>
    %sub3A_1039 = arith.subf %mul3A_1037, %mul3A_1038 : vector<16xf32>
    %abs3A_1040 = math.absf %sub3A_1039 : vector<16xf32>
    %add3A_1041 = arith.addf %add3A_1013, %abs3A_1040 : vector<16xf32>
    %get3A_1042 = arith.constant 1 : i32
    %get3A_1043 = arith.index_cast %get3A_1042 : i32 to index
    %get3A_1044 = arith.constant 96 : index
    %get3A_1045 = tpu.vector_load %arg8[%get3A_1043, %get3A_1044] {strides = array<i32>} : memref<2x128xi32, #tpu.memory_space<vmem>>, vector<16xi32>,
    %and3A_1046 = arith.constant 255 : i32
    %and3A_1047 = vector.broadcast %and3A_1046 : i32 to vector<16xi32>
    %and3A_1048 = arith.andi %get3A_1045, %and3A_1047 : vector<16xi32>
    %add3A_1049 = arith.constant 32 : i32
    %add3A_1050 = vector.broadcast %add3A_1049 : i32 to vector<16xi32>
    %add3A_1051 = arith.addi %iota3A, %add3A_1050 : vector<16xi32>
    %gather3A_1052 = arith.constant 3 : i32
    %gather3A_1053 = arith.constant 0 : i32
    %gather3A_1054 = arith.constant 0 : i32
    %gather3A_1055 = tpu.memref_slice %arg12[%gather3A_1052, %gather3A_1053, %gather3A_1054] : memref<6x64x256xf32, #tpu.memory_space<vmem>> -> memref<1x64x256xf32, #tpu.memory_space<vmem>>
    %gather3A_1056 = tpu.memref_squeeze %gather3A_1055 : memref<1x64x256xf32, #tpu.memory_space<vmem>> -> memref<64x256xf32, #tpu.memory_space<vmem>>
    %gather3A_1057 = tpu.vector_load_idx %gather3A_1056[%add3A_1051, %and3A_1048] : memref<64x256xf32, #tpu.memory_space<vmem>>[vector<16xi32>, vector<16xi32>], vector<16xf32>,
    %get3A_1058 = arith.constant 1 : i32
    %get3A_1059 = arith.index_cast %get3A_1058 : i32 to index
    %get3A_1060 = arith.constant 96 : index
    %get3A_1061 = tpu.vector_load %arg9[%get3A_1059, %get3A_1060] {strides = array<i32>} : memref<2x128xi32, #tpu.memory_space<vmem>>, vector<16xi32>,
    %convert_element_type3A_1062 = arith.sitofp %get3A_1061 : vector<16xi32> to vector<16xf32>
    %get3A_1063 = arith.constant 352 : index
    %get3A_1064 = tpu.vector_load %arg10[%get3A_1063] {strides = array<i32>} : memref<512xf32, #tpu.memory_space<vmem>>, vector<16xf32>,
    %mul3A_1065 = arith.mulf %gather3A_1057, %convert_element_type3A_1062 : vector<16xf32>
    %mul3A_1066 = arith.mulf %get3A_1064, %convert_element_type3A_1062 : vector<16xf32>
    %sub3A_1067 = arith.subf %mul3A_1065, %mul3A_1066 : vector<16xf32>
    %abs3A_1068 = math.absf %sub3A_1067 : vector<16xf32>
    %add3A_1069 = arith.addf %add3A_1041, %abs3A_1068 : vector<16xf32>
    %get3A_1070 = arith.constant 1 : i32
    %get3A_1071 = arith.index_cast %get3A_1070 : i32 to index
    %get3A_1072 = arith.constant 112 : index
    %get3A_1073 = tpu.vector_load %arg8[%get3A_1071, %get3A_1072] {strides = array<i32>} : memref<2x128xi32, #tpu.memory_space<vmem>>, vector<16xi32>,
    %and3A_1074 = arith.constant 255 : i32
    %and3A_1075 = vector.broadcast %and3A_1074 : i32 to vector<16xi32>
    %and3A_1076 = arith.andi %get3A_1073, %and3A_1075 : vector<16xi32>
    %add3A_1077 = arith.constant 48 : i32
    %add3A_1078 = vector.broadcast %add3A_1077 : i32 to vector<16xi32>
    %add3A_1079 = arith.addi %iota3A, %add3A_1078 : vector<16xi32>
    %gather3A_1080 = arith.constant 3 : i32
    %gather3A_1081 = arith.constant 0 : i32
    %gather3A_1082 = arith.constant 0 : i32
    %gather3A_1083 = tpu.memref_slice %arg12[%gather3A_1080, %gather3A_1081, %gather3A_1082] : memref<6x64x256xf32, #tpu.memory_space<vmem>> -> memref<1x64x256xf32, #tpu.memory_space<vmem>>
    %gather3A_1084 = tpu.memref_squeeze %gather3A_1083 : memref<1x64x256xf32, #tpu.memory_space<vmem>> -> memref<64x256xf32, #tpu.memory_space<vmem>>
    %gather3A_1085 = tpu.vector_load_idx %gather3A_1084[%add3A_1079, %and3A_1076] : memref<64x256xf32, #tpu.memory_space<vmem>>[vector<16xi32>, vector<16xi32>], vector<16xf32>,
    %get3A_1086 = arith.constant 1 : i32
    %get3A_1087 = arith.index_cast %get3A_1086 : i32 to index
    %get3A_1088 = arith.constant 112 : index
    %get3A_1089 = tpu.vector_load %arg9[%get3A_1087, %get3A_1088] {strides = array<i32>} : memref<2x128xi32, #tpu.memory_space<vmem>>, vector<16xi32>,
    %convert_element_type3A_1090 = arith.sitofp %get3A_1089 : vector<16xi32> to vector<16xf32>
    %get3A_1091 = arith.constant 368 : index
    %get3A_1092 = tpu.vector_load %arg10[%get3A_1091] {strides = array<i32>} : memref<512xf32, #tpu.memory_space<vmem>>, vector<16xf32>,
    %mul3A_1093 = arith.mulf %gather3A_1085, %convert_element_type3A_1090 : vector<16xf32>
    %mul3A_1094 = arith.mulf %get3A_1092, %convert_element_type3A_1090 : vector<16xf32>
    %sub3A_1095 = arith.subf %mul3A_1093, %mul3A_1094 : vector<16xf32>
    %abs3A_1096 = math.absf %sub3A_1095 : vector<16xf32>
    %add3A_1097 = arith.addf %add3A_1069, %abs3A_1096 : vector<16xf32>
    %dma_wait3A_1098 = arith.constant 4 : i32
    %dma_wait3A_1099 = arith.constant 4 : i32
    %dma_wait3A_1100 = arith.constant 0 : i32
    %dma_wait3A_1101 = arith.constant 0 : i32
    %dma_wait3A_1102 = tpu.memref_slice %arg12[%dma_wait3A_1099, %dma_wait3A_1100, %dma_wait3A_1101] : memref<6x64x256xf32, #tpu.memory_space<vmem>> -> memref<1x64x256xf32, #tpu.memory_space<vmem>>
    %dma_wait3A_1103 = tpu.memref_squeeze %dma_wait3A_1102 : memref<1x64x256xf32, #tpu.memory_space<vmem>> -> memref<64x256xf32, #tpu.memory_space<vmem>>
    %dma_wait3A_1104 = arith.constant 0 : i32
    %dma_wait3A_1105 = tpu.memref_slice %arg11[%dma_wait3A_1098, %dma_wait3A_1104] : memref<8x64xi32, #tpu.memory_space<vmem>> -> memref<1x64xi32, #tpu.memory_space<vmem>>
    %dma_wait3A_1106 = tpu.memref_squeeze %dma_wait3A_1105 : memref<1x64xi32, #tpu.memory_space<vmem>> -> memref<64xi32, #tpu.memory_space<vmem>>
    %dma_wait3A_1107 = tpu.memref_reshape %arg2 : memref<64x2x256x256xf32, #tpu.memory_space<hbm>> -> memref<32768x256xf32, #tpu.memory_space<hbm>>
    %dma_wait3A_1108 = arith.constant 0 : i32
    %dma_wait3A_1109 = arith.constant 0 : i32
    %dma_wait3A_1110 = tpu.memref_slice %dma_wait3A_1107[%dma_wait3A_1108, %dma_wait3A_1109] : memref<32768x256xf32, #tpu.memory_space<hbm>> -> memref<32768x256xf32, #tpu.memory_space<hbm>>
    tpu.wait_indirect_dma semaphore(%arg20 : memref<!tpu.dma_semaphore, #tpu.memory_space<semaphore_mem>>) src(%dma_wait3A_1110 : memref<32768x256xf32, #tpu.memory_space<hbm>>) dst(%dma_wait3A_1103 : memref<64x256xf32, #tpu.memory_space<vmem>>)
    %get3A_1111 = arith.constant 0 : i32
    %get3A_1112 = arith.index_cast %get3A_1111 : i32 to index
    %get3A_1113 = arith.constant 0 : index
    %get3A_1114 = tpu.vector_load %arg8[%get3A_1112, %get3A_1113] {strides = array<i32>} : memref<2x128xi32, #tpu.memory_space<vmem>>, vector<16xi32>,
    %and3A_1115 = arith.constant 255 : i32
    %and3A_1116 = vector.broadcast %and3A_1115 : i32 to vector<16xi32>
    %and3A_1117 = arith.andi %get3A_1114, %and3A_1116 : vector<16xi32>
    %add3A_1118 = arith.constant 0 : i32
    %add3A_1119 = vector.broadcast %add3A_1118 : i32 to vector<16xi32>
    %add3A_1120 = arith.addi %iota3A, %add3A_1119 : vector<16xi32>
    %gather3A_1121 = arith.constant 4 : i32
    %gather3A_1122 = arith.constant 0 : i32
    %gather3A_1123 = arith.constant 0 : i32
    %gather3A_1124 = tpu.memref_slice %arg12[%gather3A_1121, %gather3A_1122, %gather3A_1123] : memref<6x64x256xf32, #tpu.memory_space<vmem>> -> memref<1x64x256xf32, #tpu.memory_space<vmem>>
    %gather3A_1125 = tpu.memref_squeeze %gather3A_1124 : memref<1x64x256xf32, #tpu.memory_space<vmem>> -> memref<64x256xf32, #tpu.memory_space<vmem>>
    %gather3A_1126 = tpu.vector_load_idx %gather3A_1125[%add3A_1120, %and3A_1117] : memref<64x256xf32, #tpu.memory_space<vmem>>[vector<16xi32>, vector<16xi32>], vector<16xf32>,
    %get3A_1127 = arith.constant 0 : i32
    %get3A_1128 = arith.index_cast %get3A_1127 : i32 to index
    %get3A_1129 = arith.constant 0 : index
    %get3A_1130 = tpu.vector_load %arg9[%get3A_1128, %get3A_1129] {strides = array<i32>} : memref<2x128xi32, #tpu.memory_space<vmem>>, vector<16xi32>,
    %convert_element_type3A_1131 = arith.sitofp %get3A_1130 : vector<16xi32> to vector<16xf32>
    %get3A_1132 = arith.constant 128 : index
    %get3A_1133 = tpu.vector_load %arg10[%get3A_1132] {strides = array<i32>} : memref<512xf32, #tpu.memory_space<vmem>>, vector<16xf32>,
    %mul3A_1134 = arith.mulf %gather3A_1126, %convert_element_type3A_1131 : vector<16xf32>
    %mul3A_1135 = arith.mulf %get3A_1133, %convert_element_type3A_1131 : vector<16xf32>
    %sub3A_1136 = arith.subf %mul3A_1134, %mul3A_1135 : vector<16xf32>
    %abs3A_1137 = math.absf %sub3A_1136 : vector<16xf32>
    %add3A_1138 = arith.addf %add3A_1097, %abs3A_1137 : vector<16xf32>
    %get3A_1139 = arith.constant 0 : i32
    %get3A_1140 = arith.index_cast %get3A_1139 : i32 to index
    %get3A_1141 = arith.constant 16 : index
    %get3A_1142 = tpu.vector_load %arg8[%get3A_1140, %get3A_1141] {strides = array<i32>} : memref<2x128xi32, #tpu.memory_space<vmem>>, vector<16xi32>,
    %and3A_1143 = arith.constant 255 : i32
    %and3A_1144 = vector.broadcast %and3A_1143 : i32 to vector<16xi32>
    %and3A_1145 = arith.andi %get3A_1142, %and3A_1144 : vector<16xi32>
    %add3A_1146 = arith.constant 16 : i32
    %add3A_1147 = vector.broadcast %add3A_1146 : i32 to vector<16xi32>
    %add3A_1148 = arith.addi %iota3A, %add3A_1147 : vector<16xi32>
    %gather3A_1149 = arith.constant 4 : i32
    %gather3A_1150 = arith.constant 0 : i32
    %gather3A_1151 = arith.constant 0 : i32
    %gather3A_1152 = tpu.memref_slice %arg12[%gather3A_1149, %gather3A_1150, %gather3A_1151] : memref<6x64x256xf32, #tpu.memory_space<vmem>> -> memref<1x64x256xf32, #tpu.memory_space<vmem>>
    %gather3A_1153 = tpu.memref_squeeze %gather3A_1152 : memref<1x64x256xf32, #tpu.memory_space<vmem>> -> memref<64x256xf32, #tpu.memory_space<vmem>>
    %gather3A_1154 = tpu.vector_load_idx %gather3A_1153[%add3A_1148, %and3A_1145] : memref<64x256xf32, #tpu.memory_space<vmem>>[vector<16xi32>, vector<16xi32>], vector<16xf32>,
    %get3A_1155 = arith.constant 0 : i32
    %get3A_1156 = arith.index_cast %get3A_1155 : i32 to index
    %get3A_1157 = arith.constant 16 : index
    %get3A_1158 = tpu.vector_load %arg9[%get3A_1156, %get3A_1157] {strides = array<i32>} : memref<2x128xi32, #tpu.memory_space<vmem>>, vector<16xi32>,
    %convert_element_type3A_1159 = arith.sitofp %get3A_1158 : vector<16xi32> to vector<16xf32>
    %get3A_1160 = arith.constant 144 : index
    %get3A_1161 = tpu.vector_load %arg10[%get3A_1160] {strides = array<i32>} : memref<512xf32, #tpu.memory_space<vmem>>, vector<16xf32>,
    %mul3A_1162 = arith.mulf %gather3A_1154, %convert_element_type3A_1159 : vector<16xf32>
    %mul3A_1163 = arith.mulf %get3A_1161, %convert_element_type3A_1159 : vector<16xf32>
    %sub3A_1164 = arith.subf %mul3A_1162, %mul3A_1163 : vector<16xf32>
    %abs3A_1165 = math.absf %sub3A_1164 : vector<16xf32>
    %add3A_1166 = arith.addf %add3A_1138, %abs3A_1165 : vector<16xf32>
    %get3A_1167 = arith.constant 0 : i32
    %get3A_1168 = arith.index_cast %get3A_1167 : i32 to index
    %get3A_1169 = arith.constant 32 : index
    %get3A_1170 = tpu.vector_load %arg8[%get3A_1168, %get3A_1169] {strides = array<i32>} : memref<2x128xi32, #tpu.memory_space<vmem>>, vector<16xi32>,
    %and3A_1171 = arith.constant 255 : i32
    %and3A_1172 = vector.broadcast %and3A_1171 : i32 to vector<16xi32>
    %and3A_1173 = arith.andi %get3A_1170, %and3A_1172 : vector<16xi32>
    %add3A_1174 = arith.constant 32 : i32
    %add3A_1175 = vector.broadcast %add3A_1174 : i32 to vector<16xi32>
    %add3A_1176 = arith.addi %iota3A, %add3A_1175 : vector<16xi32>
    %gather3A_1177 = arith.constant 4 : i32
    %gather3A_1178 = arith.constant 0 : i32
    %gather3A_1179 = arith.constant 0 : i32
    %gather3A_1180 = tpu.memref_slice %arg12[%gather3A_1177, %gather3A_1178, %gather3A_1179] : memref<6x64x256xf32, #tpu.memory_space<vmem>> -> memref<1x64x256xf32, #tpu.memory_space<vmem>>
    %gather3A_1181 = tpu.memref_squeeze %gather3A_1180 : memref<1x64x256xf32, #tpu.memory_space<vmem>> -> memref<64x256xf32, #tpu.memory_space<vmem>>
    %gather3A_1182 = tpu.vector_load_idx %gather3A_1181[%add3A_1176, %and3A_1173] : memref<64x256xf32, #tpu.memory_space<vmem>>[vector<16xi32>, vector<16xi32>], vector<16xf32>,
    %get3A_1183 = arith.constant 0 : i32
    %get3A_1184 = arith.index_cast %get3A_1183 : i32 to index
    %get3A_1185 = arith.constant 32 : index
    %get3A_1186 = tpu.vector_load %arg9[%get3A_1184, %get3A_1185] {strides = array<i32>} : memref<2x128xi32, #tpu.memory_space<vmem>>, vector<16xi32>,
    %convert_element_type3A_1187 = arith.sitofp %get3A_1186 : vector<16xi32> to vector<16xf32>
    %get3A_1188 = arith.constant 160 : index
    %get3A_1189 = tpu.vector_load %arg10[%get3A_1188] {strides = array<i32>} : memref<512xf32, #tpu.memory_space<vmem>>, vector<16xf32>,
    %mul3A_1190 = arith.mulf %gather3A_1182, %convert_element_type3A_1187 : vector<16xf32>
    %mul3A_1191 = arith.mulf %get3A_1189, %convert_element_type3A_1187 : vector<16xf32>
    %sub3A_1192 = arith.subf %mul3A_1190, %mul3A_1191 : vector<16xf32>
    %abs3A_1193 = math.absf %sub3A_1192 : vector<16xf32>
    %add3A_1194 = arith.addf %add3A_1166, %abs3A_1193 : vector<16xf32>
    %get3A_1195 = arith.constant 0 : i32
    %get3A_1196 = arith.index_cast %get3A_1195 : i32 to index
    %get3A_1197 = arith.constant 48 : index
    %get3A_1198 = tpu.vector_load %arg8[%get3A_1196, %get3A_1197] {strides = array<i32>} : memref<2x128xi32, #tpu.memory_space<vmem>>, vector<16xi32>,
    %and3A_1199 = arith.constant 255 : i32
    %and3A_1200 = vector.broadcast %and3A_1199 : i32 to vector<16xi32>
    %and3A_1201 = arith.andi %get3A_1198, %and3A_1200 : vector<16xi32>
    %add3A_1202 = arith.constant 48 : i32
    %add3A_1203 = vector.broadcast %add3A_1202 : i32 to vector<16xi32>
    %add3A_1204 = arith.addi %iota3A, %add3A_1203 : vector<16xi32>
    %gather3A_1205 = arith.constant 4 : i32
    %gather3A_1206 = arith.constant 0 : i32
    %gather3A_1207 = arith.constant 0 : i32
    %gather3A_1208 = tpu.memref_slice %arg12[%gather3A_1205, %gather3A_1206, %gather3A_1207] : memref<6x64x256xf32, #tpu.memory_space<vmem>> -> memref<1x64x256xf32, #tpu.memory_space<vmem>>
    %gather3A_1209 = tpu.memref_squeeze %gather3A_1208 : memref<1x64x256xf32, #tpu.memory_space<vmem>> -> memref<64x256xf32, #tpu.memory_space<vmem>>
    %gather3A_1210 = tpu.vector_load_idx %gather3A_1209[%add3A_1204, %and3A_1201] : memref<64x256xf32, #tpu.memory_space<vmem>>[vector<16xi32>, vector<16xi32>], vector<16xf32>,
    %get3A_1211 = arith.constant 0 : i32
    %get3A_1212 = arith.index_cast %get3A_1211 : i32 to index
    %get3A_1213 = arith.constant 48 : index
    %get3A_1214 = tpu.vector_load %arg9[%get3A_1212, %get3A_1213] {strides = array<i32>} : memref<2x128xi32, #tpu.memory_space<vmem>>, vector<16xi32>,
    %convert_element_type3A_1215 = arith.sitofp %get3A_1214 : vector<16xi32> to vector<16xf32>
    %get3A_1216 = arith.constant 176 : index
    %get3A_1217 = tpu.vector_load %arg10[%get3A_1216] {strides = array<i32>} : memref<512xf32, #tpu.memory_space<vmem>>, vector<16xf32>,
    %mul3A_1218 = arith.mulf %gather3A_1210, %convert_element_type3A_1215 : vector<16xf32>
    %mul3A_1219 = arith.mulf %get3A_1217, %convert_element_type3A_1215 : vector<16xf32>
    %sub3A_1220 = arith.subf %mul3A_1218, %mul3A_1219 : vector<16xf32>
    %abs3A_1221 = math.absf %sub3A_1220 : vector<16xf32>
    %add3A_1222 = arith.addf %add3A_1194, %abs3A_1221 : vector<16xf32>
    %dma_wait3A_1223 = arith.constant 5 : i32
    %dma_wait3A_1224 = arith.constant 5 : i32
    %dma_wait3A_1225 = arith.constant 0 : i32
    %dma_wait3A_1226 = arith.constant 0 : i32
    %dma_wait3A_1227 = tpu.memref_slice %arg12[%dma_wait3A_1224, %dma_wait3A_1225, %dma_wait3A_1226] : memref<6x64x256xf32, #tpu.memory_space<vmem>> -> memref<1x64x256xf32, #tpu.memory_space<vmem>>
    %dma_wait3A_1228 = tpu.memref_squeeze %dma_wait3A_1227 : memref<1x64x256xf32, #tpu.memory_space<vmem>> -> memref<64x256xf32, #tpu.memory_space<vmem>>
    %dma_wait3A_1229 = arith.constant 0 : i32
    %dma_wait3A_1230 = tpu.memref_slice %arg11[%dma_wait3A_1223, %dma_wait3A_1229] : memref<8x64xi32, #tpu.memory_space<vmem>> -> memref<1x64xi32, #tpu.memory_space<vmem>>
    %dma_wait3A_1231 = tpu.memref_squeeze %dma_wait3A_1230 : memref<1x64xi32, #tpu.memory_space<vmem>> -> memref<64xi32, #tpu.memory_space<vmem>>
    %dma_wait3A_1232 = tpu.memref_reshape %arg2 : memref<64x2x256x256xf32, #tpu.memory_space<hbm>> -> memref<32768x256xf32, #tpu.memory_space<hbm>>
    %dma_wait3A_1233 = arith.constant 0 : i32
    %dma_wait3A_1234 = arith.constant 0 : i32
    %dma_wait3A_1235 = tpu.memref_slice %dma_wait3A_1232[%dma_wait3A_1233, %dma_wait3A_1234] : memref<32768x256xf32, #tpu.memory_space<hbm>> -> memref<32768x256xf32, #tpu.memory_space<hbm>>
    tpu.wait_indirect_dma semaphore(%arg21 : memref<!tpu.dma_semaphore, #tpu.memory_space<semaphore_mem>>) src(%dma_wait3A_1235 : memref<32768x256xf32, #tpu.memory_space<hbm>>) dst(%dma_wait3A_1228 : memref<64x256xf32, #tpu.memory_space<vmem>>)
    %get3A_1236 = arith.constant 0 : i32
    %get3A_1237 = arith.index_cast %get3A_1236 : i32 to index
    %get3A_1238 = arith.constant 64 : index
    %get3A_1239 = tpu.vector_load %arg8[%get3A_1237, %get3A_1238] {strides = array<i32>} : memref<2x128xi32, #tpu.memory_space<vmem>>, vector<16xi32>,
    %and3A_1240 = arith.constant 255 : i32
    %and3A_1241 = vector.broadcast %and3A_1240 : i32 to vector<16xi32>
    %and3A_1242 = arith.andi %get3A_1239, %and3A_1241 : vector<16xi32>
    %add3A_1243 = arith.constant 0 : i32
    %add3A_1244 = vector.broadcast %add3A_1243 : i32 to vector<16xi32>
    %add3A_1245 = arith.addi %iota3A, %add3A_1244 : vector<16xi32>
    %gather3A_1246 = arith.constant 5 : i32
    %gather3A_1247 = arith.constant 0 : i32
    %gather3A_1248 = arith.constant 0 : i32
    %gather3A_1249 = tpu.memref_slice %arg12[%gather3A_1246, %gather3A_1247, %gather3A_1248] : memref<6x64x256xf32, #tpu.memory_space<vmem>> -> memref<1x64x256xf32, #tpu.memory_space<vmem>>
    %gather3A_1250 = tpu.memref_squeeze %gather3A_1249 : memref<1x64x256xf32, #tpu.memory_space<vmem>> -> memref<64x256xf32, #tpu.memory_space<vmem>>
    %gather3A_1251 = tpu.vector_load_idx %gather3A_1250[%add3A_1245, %and3A_1242] : memref<64x256xf32, #tpu.memory_space<vmem>>[vector<16xi32>, vector<16xi32>], vector<16xf32>,
    %get3A_1252 = arith.constant 0 : i32
    %get3A_1253 = arith.index_cast %get3A_1252 : i32 to index
    %get3A_1254 = arith.constant 64 : index
    %get3A_1255 = tpu.vector_load %arg9[%get3A_1253, %get3A_1254] {strides = array<i32>} : memref<2x128xi32, #tpu.memory_space<vmem>>, vector<16xi32>,
    %convert_element_type3A_1256 = arith.sitofp %get3A_1255 : vector<16xi32> to vector<16xf32>
    %get3A_1257 = arith.constant 192 : index
    %get3A_1258 = tpu.vector_load %arg10[%get3A_1257] {strides = array<i32>} : memref<512xf32, #tpu.memory_space<vmem>>, vector<16xf32>,
    %mul3A_1259 = arith.mulf %gather3A_1251, %convert_element_type3A_1256 : vector<16xf32>
    %mul3A_1260 = arith.mulf %get3A_1258, %convert_element_type3A_1256 : vector<16xf32>
    %sub3A_1261 = arith.subf %mul3A_1259, %mul3A_1260 : vector<16xf32>
    %abs3A_1262 = math.absf %sub3A_1261 : vector<16xf32>
    %add3A_1263 = arith.addf %add3A_1222, %abs3A_1262 : vector<16xf32>
    %get3A_1264 = arith.constant 0 : i32
    %get3A_1265 = arith.index_cast %get3A_1264 : i32 to index
    %get3A_1266 = arith.constant 80 : index
    %get3A_1267 = tpu.vector_load %arg8[%get3A_1265, %get3A_1266] {strides = array<i32>} : memref<2x128xi32, #tpu.memory_space<vmem>>, vector<16xi32>,
    %and3A_1268 = arith.constant 255 : i32
    %and3A_1269 = vector.broadcast %and3A_1268 : i32 to vector<16xi32>
    %and3A_1270 = arith.andi %get3A_1267, %and3A_1269 : vector<16xi32>
    %add3A_1271 = arith.constant 16 : i32
    %add3A_1272 = vector.broadcast %add3A_1271 : i32 to vector<16xi32>
    %add3A_1273 = arith.addi %iota3A, %add3A_1272 : vector<16xi32>
    %gather3A_1274 = arith.constant 5 : i32
    %gather3A_1275 = arith.constant 0 : i32
    %gather3A_1276 = arith.constant 0 : i32
    %gather3A_1277 = tpu.memref_slice %arg12[%gather3A_1274, %gather3A_1275, %gather3A_1276] : memref<6x64x256xf32, #tpu.memory_space<vmem>> -> memref<1x64x256xf32, #tpu.memory_space<vmem>>
    %gather3A_1278 = tpu.memref_squeeze %gather3A_1277 : memref<1x64x256xf32, #tpu.memory_space<vmem>> -> memref<64x256xf32, #tpu.memory_space<vmem>>
    %gather3A_1279 = tpu.vector_load_idx %gather3A_1278[%add3A_1273, %and3A_1270] : memref<64x256xf32, #tpu.memory_space<vmem>>[vector<16xi32>, vector<16xi32>], vector<16xf32>,
    %get3A_1280 = arith.constant 0 : i32
    %get3A_1281 = arith.index_cast %get3A_1280 : i32 to index
    %get3A_1282 = arith.constant 80 : index
    %get3A_1283 = tpu.vector_load %arg9[%get3A_1281, %get3A_1282] {strides = array<i32>} : memref<2x128xi32, #tpu.memory_space<vmem>>, vector<16xi32>,
    %convert_element_type3A_1284 = arith.sitofp %get3A_1283 : vector<16xi32> to vector<16xf32>
    %get3A_1285 = arith.constant 208 : index
    %get3A_1286 = tpu.vector_load %arg10[%get3A_1285] {strides = array<i32>} : memref<512xf32, #tpu.memory_space<vmem>>, vector<16xf32>,
    %mul3A_1287 = arith.mulf %gather3A_1279, %convert_element_type3A_1284 : vector<16xf32>
    %mul3A_1288 = arith.mulf %get3A_1286, %convert_element_type3A_1284 : vector<16xf32>
    %sub3A_1289 = arith.subf %mul3A_1287, %mul3A_1288 : vector<16xf32>
    %abs3A_1290 = math.absf %sub3A_1289 : vector<16xf32>
    %add3A_1291 = arith.addf %add3A_1263, %abs3A_1290 : vector<16xf32>
    %get3A_1292 = arith.constant 0 : i32
    %get3A_1293 = arith.index_cast %get3A_1292 : i32 to index
    %get3A_1294 = arith.constant 96 : index
    %get3A_1295 = tpu.vector_load %arg8[%get3A_1293, %get3A_1294] {strides = array<i32>} : memref<2x128xi32, #tpu.memory_space<vmem>>, vector<16xi32>,
    %and3A_1296 = arith.constant 255 : i32
    %and3A_1297 = vector.broadcast %and3A_1296 : i32 to vector<16xi32>
    %and3A_1298 = arith.andi %get3A_1295, %and3A_1297 : vector<16xi32>
    %add3A_1299 = arith.constant 32 : i32
    %add3A_1300 = vector.broadcast %add3A_1299 : i32 to vector<16xi32>
    %add3A_1301 = arith.addi %iota3A, %add3A_1300 : vector<16xi32>
    %gather3A_1302 = arith.constant 5 : i32
    %gather3A_1303 = arith.constant 0 : i32
    %gather3A_1304 = arith.constant 0 : i32
    %gather3A_1305 = tpu.memref_slice %arg12[%gather3A_1302, %gather3A_1303, %gather3A_1304] : memref<6x64x256xf32, #tpu.memory_space<vmem>> -> memref<1x64x256xf32, #tpu.memory_space<vmem>>
    %gather3A_1306 = tpu.memref_squeeze %gather3A_1305 : memref<1x64x256xf32, #tpu.memory_space<vmem>> -> memref<64x256xf32, #tpu.memory_space<vmem>>
    %gather3A_1307 = tpu.vector_load_idx %gather3A_1306[%add3A_1301, %and3A_1298] : memref<64x256xf32, #tpu.memory_space<vmem>>[vector<16xi32>, vector<16xi32>], vector<16xf32>,
    %get3A_1308 = arith.constant 0 : i32
    %get3A_1309 = arith.index_cast %get3A_1308 : i32 to index
    %get3A_1310 = arith.constant 96 : index
    %get3A_1311 = tpu.vector_load %arg9[%get3A_1309, %get3A_1310] {strides = array<i32>} : memref<2x128xi32, #tpu.memory_space<vmem>>, vector<16xi32>,
    %convert_element_type3A_1312 = arith.sitofp %get3A_1311 : vector<16xi32> to vector<16xf32>
    %get3A_1313 = arith.constant 224 : index
    %get3A_1314 = tpu.vector_load %arg10[%get3A_1313] {strides = array<i32>} : memref<512xf32, #tpu.memory_space<vmem>>, vector<16xf32>,
    %mul3A_1315 = arith.mulf %gather3A_1307, %convert_element_type3A_1312 : vector<16xf32>
    %mul3A_1316 = arith.mulf %get3A_1314, %convert_element_type3A_1312 : vector<16xf32>
    %sub3A_1317 = arith.subf %mul3A_1315, %mul3A_1316 : vector<16xf32>
    %abs3A_1318 = math.absf %sub3A_1317 : vector<16xf32>
    %add3A_1319 = arith.addf %add3A_1291, %abs3A_1318 : vector<16xf32>
    %get3A_1320 = arith.constant 0 : i32
    %get3A_1321 = arith.index_cast %get3A_1320 : i32 to index
    %get3A_1322 = arith.constant 112 : index
    %get3A_1323 = tpu.vector_load %arg8[%get3A_1321, %get3A_1322] {strides = array<i32>} : memref<2x128xi32, #tpu.memory_space<vmem>>, vector<16xi32>,
    %and3A_1324 = arith.constant 255 : i32
    %and3A_1325 = vector.broadcast %and3A_1324 : i32 to vector<16xi32>
    %and3A_1326 = arith.andi %get3A_1323, %and3A_1325 : vector<16xi32>
    %add3A_1327 = arith.constant 48 : i32
    %add3A_1328 = vector.broadcast %add3A_1327 : i32 to vector<16xi32>
    %add3A_1329 = arith.addi %iota3A, %add3A_1328 : vector<16xi32>
    %gather3A_1330 = arith.constant 5 : i32
    %gather3A_1331 = arith.constant 0 : i32
    %gather3A_1332 = arith.constant 0 : i32
    %gather3A_1333 = tpu.memref_slice %arg12[%gather3A_1330, %gather3A_1331, %gather3A_1332] : memref<6x64x256xf32, #tpu.memory_space<vmem>> -> memref<1x64x256xf32, #tpu.memory_space<vmem>>
    %gather3A_1334 = tpu.memref_squeeze %gather3A_1333 : memref<1x64x256xf32, #tpu.memory_space<vmem>> -> memref<64x256xf32, #tpu.memory_space<vmem>>
    %gather3A_1335 = tpu.vector_load_idx %gather3A_1334[%add3A_1329, %and3A_1326] : memref<64x256xf32, #tpu.memory_space<vmem>>[vector<16xi32>, vector<16xi32>], vector<16xf32>,
    %get3A_1336 = arith.constant 0 : i32
    %get3A_1337 = arith.index_cast %get3A_1336 : i32 to index
    %get3A_1338 = arith.constant 112 : index
    %get3A_1339 = tpu.vector_load %arg9[%get3A_1337, %get3A_1338] {strides = array<i32>} : memref<2x128xi32, #tpu.memory_space<vmem>>, vector<16xi32>,
    %convert_element_type3A_1340 = arith.sitofp %get3A_1339 : vector<16xi32> to vector<16xf32>
    %get3A_1341 = arith.constant 240 : index
    %get3A_1342 = tpu.vector_load %arg10[%get3A_1341] {strides = array<i32>} : memref<512xf32, #tpu.memory_space<vmem>>, vector<16xf32>,
    %mul3A_1343 = arith.mulf %gather3A_1335, %convert_element_type3A_1340 : vector<16xf32>
    %mul3A_1344 = arith.mulf %get3A_1342, %convert_element_type3A_1340 : vector<16xf32>
    %sub3A_1345 = arith.subf %mul3A_1343, %mul3A_1344 : vector<16xf32>
    %abs3A_1346 = math.absf %sub3A_1345 : vector<16xf32>
    %add3A_1347 = arith.addf %add3A_1319, %abs3A_1346 : vector<16xf32>
    %dma_wait3A_1348 = arith.constant 6 : i32
    %dma_wait3A_1349 = arith.constant 0 : i32
    %dma_wait3A_1350 = arith.constant 0 : i32
    %dma_wait3A_1351 = arith.constant 0 : i32
    %dma_wait3A_1352 = tpu.memref_slice %arg12[%dma_wait3A_1349, %dma_wait3A_1350, %dma_wait3A_1351] : memref<6x64x256xf32, #tpu.memory_space<vmem>> -> memref<1x64x256xf32, #tpu.memory_space<vmem>>
    %dma_wait3A_1353 = tpu.memref_squeeze %dma_wait3A_1352 : memref<1x64x256xf32, #tpu.memory_space<vmem>> -> memref<64x256xf32, #tpu.memory_space<vmem>>
    %dma_wait3A_1354 = arith.constant 0 : i32
    %dma_wait3A_1355 = tpu.memref_slice %arg11[%dma_wait3A_1348, %dma_wait3A_1354] : memref<8x64xi32, #tpu.memory_space<vmem>> -> memref<1x64xi32, #tpu.memory_space<vmem>>
    %dma_wait3A_1356 = tpu.memref_squeeze %dma_wait3A_1355 : memref<1x64xi32, #tpu.memory_space<vmem>> -> memref<64xi32, #tpu.memory_space<vmem>>
    %dma_wait3A_1357 = tpu.memref_reshape %arg2 : memref<64x2x256x256xf32, #tpu.memory_space<hbm>> -> memref<32768x256xf32, #tpu.memory_space<hbm>>
    %dma_wait3A_1358 = arith.constant 0 : i32
    %dma_wait3A_1359 = arith.constant 0 : i32
    %dma_wait3A_1360 = tpu.memref_slice %dma_wait3A_1357[%dma_wait3A_1358, %dma_wait3A_1359] : memref<32768x256xf32, #tpu.memory_space<hbm>> -> memref<32768x256xf32, #tpu.memory_space<hbm>>
    tpu.wait_indirect_dma semaphore(%arg16 : memref<!tpu.dma_semaphore, #tpu.memory_space<semaphore_mem>>) src(%dma_wait3A_1360 : memref<32768x256xf32, #tpu.memory_space<hbm>>) dst(%dma_wait3A_1353 : memref<64x256xf32, #tpu.memory_space<vmem>>)
    %get3A_1361 = arith.constant 1 : i32
    %get3A_1362 = arith.index_cast %get3A_1361 : i32 to index
    %get3A_1363 = arith.constant 0 : index
    %get3A_1364 = tpu.vector_load %arg8[%get3A_1362, %get3A_1363] {strides = array<i32>} : memref<2x128xi32, #tpu.memory_space<vmem>>, vector<16xi32>,
    %and3A_1365 = arith.constant 255 : i32
    %and3A_1366 = vector.broadcast %and3A_1365 : i32 to vector<16xi32>
    %and3A_1367 = arith.andi %get3A_1364, %and3A_1366 : vector<16xi32>
    %add3A_1368 = arith.constant 0 : i32
    %add3A_1369 = vector.broadcast %add3A_1368 : i32 to vector<16xi32>
    %add3A_1370 = arith.addi %iota3A, %add3A_1369 : vector<16xi32>
    %gather3A_1371 = arith.constant 0 : i32
    %gather3A_1372 = arith.constant 0 : i32
    %gather3A_1373 = arith.constant 0 : i32
    %gather3A_1374 = tpu.memref_slice %arg12[%gather3A_1371, %gather3A_1372, %gather3A_1373] : memref<6x64x256xf32, #tpu.memory_space<vmem>> -> memref<1x64x256xf32, #tpu.memory_space<vmem>>
    %gather3A_1375 = tpu.memref_squeeze %gather3A_1374 : memref<1x64x256xf32, #tpu.memory_space<vmem>> -> memref<64x256xf32, #tpu.memory_space<vmem>>
    %gather3A_1376 = tpu.vector_load_idx %gather3A_1375[%add3A_1370, %and3A_1367] : memref<64x256xf32, #tpu.memory_space<vmem>>[vector<16xi32>, vector<16xi32>], vector<16xf32>,
    %get3A_1377 = arith.constant 1 : i32
    %get3A_1378 = arith.index_cast %get3A_1377 : i32 to index
    %get3A_1379 = arith.constant 0 : index
    %get3A_1380 = tpu.vector_load %arg9[%get3A_1378, %get3A_1379] {strides = array<i32>} : memref<2x128xi32, #tpu.memory_space<vmem>>, vector<16xi32>,
    %convert_element_type3A_1381 = arith.sitofp %get3A_1380 : vector<16xi32> to vector<16xf32>
    %get3A_1382 = arith.constant 384 : index
    %get3A_1383 = tpu.vector_load %arg10[%get3A_1382] {strides = array<i32>} : memref<512xf32, #tpu.memory_space<vmem>>, vector<16xf32>,
    %mul3A_1384 = arith.mulf %gather3A_1376, %convert_element_type3A_1381 : vector<16xf32>
    %mul3A_1385 = arith.mulf %get3A_1383, %convert_element_type3A_1381 : vector<16xf32>
    %sub3A_1386 = arith.subf %mul3A_1384, %mul3A_1385 : vector<16xf32>
    %abs3A_1387 = math.absf %sub3A_1386 : vector<16xf32>
    %add3A_1388 = arith.addf %add3A_1347, %abs3A_1387 : vector<16xf32>
    %get3A_1389 = arith.constant 1 : i32
    %get3A_1390 = arith.index_cast %get3A_1389 : i32 to index
    %get3A_1391 = arith.constant 16 : index
    %get3A_1392 = tpu.vector_load %arg8[%get3A_1390, %get3A_1391] {strides = array<i32>} : memref<2x128xi32, #tpu.memory_space<vmem>>, vector<16xi32>,
    %and3A_1393 = arith.constant 255 : i32
    %and3A_1394 = vector.broadcast %and3A_1393 : i32 to vector<16xi32>
    %and3A_1395 = arith.andi %get3A_1392, %and3A_1394 : vector<16xi32>
    %add3A_1396 = arith.constant 16 : i32
    %add3A_1397 = vector.broadcast %add3A_1396 : i32 to vector<16xi32>
    %add3A_1398 = arith.addi %iota3A, %add3A_1397 : vector<16xi32>
    %gather3A_1399 = arith.constant 0 : i32
    %gather3A_1400 = arith.constant 0 : i32
    %gather3A_1401 = arith.constant 0 : i32
    %gather3A_1402 = tpu.memref_slice %arg12[%gather3A_1399, %gather3A_1400, %gather3A_1401] : memref<6x64x256xf32, #tpu.memory_space<vmem>> -> memref<1x64x256xf32, #tpu.memory_space<vmem>>
    %gather3A_1403 = tpu.memref_squeeze %gather3A_1402 : memref<1x64x256xf32, #tpu.memory_space<vmem>> -> memref<64x256xf32, #tpu.memory_space<vmem>>
    %gather3A_1404 = tpu.vector_load_idx %gather3A_1403[%add3A_1398, %and3A_1395] : memref<64x256xf32, #tpu.memory_space<vmem>>[vector<16xi32>, vector<16xi32>], vector<16xf32>,
    %get3A_1405 = arith.constant 1 : i32
    %get3A_1406 = arith.index_cast %get3A_1405 : i32 to index
    %get3A_1407 = arith.constant 16 : index
    %get3A_1408 = tpu.vector_load %arg9[%get3A_1406, %get3A_1407] {strides = array<i32>} : memref<2x128xi32, #tpu.memory_space<vmem>>, vector<16xi32>,
    %convert_element_type3A_1409 = arith.sitofp %get3A_1408 : vector<16xi32> to vector<16xf32>
    %get3A_1410 = arith.constant 400 : index
    %get3A_1411 = tpu.vector_load %arg10[%get3A_1410] {strides = array<i32>} : memref<512xf32, #tpu.memory_space<vmem>>, vector<16xf32>,
    %mul3A_1412 = arith.mulf %gather3A_1404, %convert_element_type3A_1409 : vector<16xf32>
    %mul3A_1413 = arith.mulf %get3A_1411, %convert_element_type3A_1409 : vector<16xf32>
    %sub3A_1414 = arith.subf %mul3A_1412, %mul3A_1413 : vector<16xf32>
    %abs3A_1415 = math.absf %sub3A_1414 : vector<16xf32>
    %add3A_1416 = arith.addf %add3A_1388, %abs3A_1415 : vector<16xf32>
    %get3A_1417 = arith.constant 1 : i32
    %get3A_1418 = arith.index_cast %get3A_1417 : i32 to index
    %get3A_1419 = arith.constant 32 : index
    %get3A_1420 = tpu.vector_load %arg8[%get3A_1418, %get3A_1419] {strides = array<i32>} : memref<2x128xi32, #tpu.memory_space<vmem>>, vector<16xi32>,
    %and3A_1421 = arith.constant 255 : i32
    %and3A_1422 = vector.broadcast %and3A_1421 : i32 to vector<16xi32>
    %and3A_1423 = arith.andi %get3A_1420, %and3A_1422 : vector<16xi32>
    %add3A_1424 = arith.constant 32 : i32
    %add3A_1425 = vector.broadcast %add3A_1424 : i32 to vector<16xi32>
    %add3A_1426 = arith.addi %iota3A, %add3A_1425 : vector<16xi32>
    %gather3A_1427 = arith.constant 0 : i32
    %gather3A_1428 = arith.constant 0 : i32
    %gather3A_1429 = arith.constant 0 : i32
    %gather3A_1430 = tpu.memref_slice %arg12[%gather3A_1427, %gather3A_1428, %gather3A_1429] : memref<6x64x256xf32, #tpu.memory_space<vmem>> -> memref<1x64x256xf32, #tpu.memory_space<vmem>>
    %gather3A_1431 = tpu.memref_squeeze %gather3A_1430 : memref<1x64x256xf32, #tpu.memory_space<vmem>> -> memref<64x256xf32, #tpu.memory_space<vmem>>
    %gather3A_1432 = tpu.vector_load_idx %gather3A_1431[%add3A_1426, %and3A_1423] : memref<64x256xf32, #tpu.memory_space<vmem>>[vector<16xi32>, vector<16xi32>], vector<16xf32>,
    %get3A_1433 = arith.constant 1 : i32
    %get3A_1434 = arith.index_cast %get3A_1433 : i32 to index
    %get3A_1435 = arith.constant 32 : index
    %get3A_1436 = tpu.vector_load %arg9[%get3A_1434, %get3A_1435] {strides = array<i32>} : memref<2x128xi32, #tpu.memory_space<vmem>>, vector<16xi32>,
    %convert_element_type3A_1437 = arith.sitofp %get3A_1436 : vector<16xi32> to vector<16xf32>
    %get3A_1438 = arith.constant 416 : index
    %get3A_1439 = tpu.vector_load %arg10[%get3A_1438] {strides = array<i32>} : memref<512xf32, #tpu.memory_space<vmem>>, vector<16xf32>,
    %mul3A_1440 = arith.mulf %gather3A_1432, %convert_element_type3A_1437 : vector<16xf32>
    %mul3A_1441 = arith.mulf %get3A_1439, %convert_element_type3A_1437 : vector<16xf32>
    %sub3A_1442 = arith.subf %mul3A_1440, %mul3A_1441 : vector<16xf32>
    %abs3A_1443 = math.absf %sub3A_1442 : vector<16xf32>
    %add3A_1444 = arith.addf %add3A_1416, %abs3A_1443 : vector<16xf32>
    %get3A_1445 = arith.constant 1 : i32
    %get3A_1446 = arith.index_cast %get3A_1445 : i32 to index
    %get3A_1447 = arith.constant 48 : index
    %get3A_1448 = tpu.vector_load %arg8[%get3A_1446, %get3A_1447] {strides = array<i32>} : memref<2x128xi32, #tpu.memory_space<vmem>>, vector<16xi32>,
    %and3A_1449 = arith.constant 255 : i32
    %and3A_1450 = vector.broadcast %and3A_1449 : i32 to vector<16xi32>
    %and3A_1451 = arith.andi %get3A_1448, %and3A_1450 : vector<16xi32>
    %add3A_1452 = arith.constant 48 : i32
    %add3A_1453 = vector.broadcast %add3A_1452 : i32 to vector<16xi32>
    %add3A_1454 = arith.addi %iota3A, %add3A_1453 : vector<16xi32>
    %gather3A_1455 = arith.constant 0 : i32
    %gather3A_1456 = arith.constant 0 : i32
    %gather3A_1457 = arith.constant 0 : i32
    %gather3A_1458 = tpu.memref_slice %arg12[%gather3A_1455, %gather3A_1456, %gather3A_1457] : memref<6x64x256xf32, #tpu.memory_space<vmem>> -> memref<1x64x256xf32, #tpu.memory_space<vmem>>
    %gather3A_1459 = tpu.memref_squeeze %gather3A_1458 : memref<1x64x256xf32, #tpu.memory_space<vmem>> -> memref<64x256xf32, #tpu.memory_space<vmem>>
    %gather3A_1460 = tpu.vector_load_idx %gather3A_1459[%add3A_1454, %and3A_1451] : memref<64x256xf32, #tpu.memory_space<vmem>>[vector<16xi32>, vector<16xi32>], vector<16xf32>,
    %get3A_1461 = arith.constant 1 : i32
    %get3A_1462 = arith.index_cast %get3A_1461 : i32 to index
    %get3A_1463 = arith.constant 48 : index
    %get3A_1464 = tpu.vector_load %arg9[%get3A_1462, %get3A_1463] {strides = array<i32>} : memref<2x128xi32, #tpu.memory_space<vmem>>, vector<16xi32>,
    %convert_element_type3A_1465 = arith.sitofp %get3A_1464 : vector<16xi32> to vector<16xf32>
    %get3A_1466 = arith.constant 432 : index
    %get3A_1467 = tpu.vector_load %arg10[%get3A_1466] {strides = array<i32>} : memref<512xf32, #tpu.memory_space<vmem>>, vector<16xf32>,
    %mul3A_1468 = arith.mulf %gather3A_1460, %convert_element_type3A_1465 : vector<16xf32>
    %mul3A_1469 = arith.mulf %get3A_1467, %convert_element_type3A_1465 : vector<16xf32>
    %sub3A_1470 = arith.subf %mul3A_1468, %mul3A_1469 : vector<16xf32>
    %abs3A_1471 = math.absf %sub3A_1470 : vector<16xf32>
    %add3A_1472 = arith.addf %add3A_1444, %abs3A_1471 : vector<16xf32>
    %dma_wait3A_1473 = arith.constant 7 : i32
    %dma_wait3A_1474 = arith.constant 1 : i32
    %dma_wait3A_1475 = arith.constant 0 : i32
    %dma_wait3A_1476 = arith.constant 0 : i32
    %dma_wait3A_1477 = tpu.memref_slice %arg12[%dma_wait3A_1474, %dma_wait3A_1475, %dma_wait3A_1476] : memref<6x64x256xf32, #tpu.memory_space<vmem>> -> memref<1x64x256xf32, #tpu.memory_space<vmem>>
    %dma_wait3A_1478 = tpu.memref_squeeze %dma_wait3A_1477 : memref<1x64x256xf32, #tpu.memory_space<vmem>> -> memref<64x256xf32, #tpu.memory_space<vmem>>
    %dma_wait3A_1479 = arith.constant 0 : i32
    %dma_wait3A_1480 = tpu.memref_slice %arg11[%dma_wait3A_1473, %dma_wait3A_1479] : memref<8x64xi32, #tpu.memory_space<vmem>> -> memref<1x64xi32, #tpu.memory_space<vmem>>
    %dma_wait3A_1481 = tpu.memref_squeeze %dma_wait3A_1480 : memref<1x64xi32, #tpu.memory_space<vmem>> -> memref<64xi32, #tpu.memory_space<vmem>>
    %dma_wait3A_1482 = tpu.memref_reshape %arg2 : memref<64x2x256x256xf32, #tpu.memory_space<hbm>> -> memref<32768x256xf32, #tpu.memory_space<hbm>>
    %dma_wait3A_1483 = arith.constant 0 : i32
    %dma_wait3A_1484 = arith.constant 0 : i32
    %dma_wait3A_1485 = tpu.memref_slice %dma_wait3A_1482[%dma_wait3A_1483, %dma_wait3A_1484] : memref<32768x256xf32, #tpu.memory_space<hbm>> -> memref<32768x256xf32, #tpu.memory_space<hbm>>
    tpu.wait_indirect_dma semaphore(%arg17 : memref<!tpu.dma_semaphore, #tpu.memory_space<semaphore_mem>>) src(%dma_wait3A_1485 : memref<32768x256xf32, #tpu.memory_space<hbm>>) dst(%dma_wait3A_1478 : memref<64x256xf32, #tpu.memory_space<vmem>>)
    %get3A_1486 = arith.constant 1 : i32
    %get3A_1487 = arith.index_cast %get3A_1486 : i32 to index
    %get3A_1488 = arith.constant 64 : index
    %get3A_1489 = tpu.vector_load %arg8[%get3A_1487, %get3A_1488] {strides = array<i32>} : memref<2x128xi32, #tpu.memory_space<vmem>>, vector<16xi32>,
    %and3A_1490 = arith.constant 255 : i32
    %and3A_1491 = vector.broadcast %and3A_1490 : i32 to vector<16xi32>
    %and3A_1492 = arith.andi %get3A_1489, %and3A_1491 : vector<16xi32>
    %add3A_1493 = arith.constant 0 : i32
    %add3A_1494 = vector.broadcast %add3A_1493 : i32 to vector<16xi32>
    %add3A_1495 = arith.addi %iota3A, %add3A_1494 : vector<16xi32>
    %gather3A_1496 = arith.constant 1 : i32
    %gather3A_1497 = arith.constant 0 : i32
    %gather3A_1498 = arith.constant 0 : i32
    %gather3A_1499 = tpu.memref_slice %arg12[%gather3A_1496, %gather3A_1497, %gather3A_1498] : memref<6x64x256xf32, #tpu.memory_space<vmem>> -> memref<1x64x256xf32, #tpu.memory_space<vmem>>
    %gather3A_1500 = tpu.memref_squeeze %gather3A_1499 : memref<1x64x256xf32, #tpu.memory_space<vmem>> -> memref<64x256xf32, #tpu.memory_space<vmem>>
    %gather3A_1501 = tpu.vector_load_idx %gather3A_1500[%add3A_1495, %and3A_1492] : memref<64x256xf32, #tpu.memory_space<vmem>>[vector<16xi32>, vector<16xi32>], vector<16xf32>,
    %get3A_1502 = arith.constant 1 : i32
    %get3A_1503 = arith.index_cast %get3A_1502 : i32 to index
    %get3A_1504 = arith.constant 64 : index
    %get3A_1505 = tpu.vector_load %arg9[%get3A_1503, %get3A_1504] {strides = array<i32>} : memref<2x128xi32, #tpu.memory_space<vmem>>, vector<16xi32>,
    %convert_element_type3A_1506 = arith.sitofp %get3A_1505 : vector<16xi32> to vector<16xf32>
    %get3A_1507 = arith.constant 448 : index
    %get3A_1508 = tpu.vector_load %arg10[%get3A_1507] {strides = array<i32>} : memref<512xf32, #tpu.memory_space<vmem>>, vector<16xf32>,
    %mul3A_1509 = arith.mulf %gather3A_1501, %convert_element_type3A_1506 : vector<16xf32>
    %mul3A_1510 = arith.mulf %get3A_1508, %convert_element_type3A_1506 : vector<16xf32>
    %sub3A_1511 = arith.subf %mul3A_1509, %mul3A_1510 : vector<16xf32>
    %abs3A_1512 = math.absf %sub3A_1511 : vector<16xf32>
    %add3A_1513 = arith.addf %add3A_1472, %abs3A_1512 : vector<16xf32>
    %get3A_1514 = arith.constant 1 : i32
    %get3A_1515 = arith.index_cast %get3A_1514 : i32 to index
    %get3A_1516 = arith.constant 80 : index
    %get3A_1517 = tpu.vector_load %arg8[%get3A_1515, %get3A_1516] {strides = array<i32>} : memref<2x128xi32, #tpu.memory_space<vmem>>, vector<16xi32>,
    %and3A_1518 = arith.constant 255 : i32
    %and3A_1519 = vector.broadcast %and3A_1518 : i32 to vector<16xi32>
    %and3A_1520 = arith.andi %get3A_1517, %and3A_1519 : vector<16xi32>
    %add3A_1521 = arith.constant 16 : i32
    %add3A_1522 = vector.broadcast %add3A_1521 : i32 to vector<16xi32>
    %add3A_1523 = arith.addi %iota3A, %add3A_1522 : vector<16xi32>
    %gather3A_1524 = arith.constant 1 : i32
    %gather3A_1525 = arith.constant 0 : i32
    %gather3A_1526 = arith.constant 0 : i32
    %gather3A_1527 = tpu.memref_slice %arg12[%gather3A_1524, %gather3A_1525, %gather3A_1526] : memref<6x64x256xf32, #tpu.memory_space<vmem>> -> memref<1x64x256xf32, #tpu.memory_space<vmem>>
    %gather3A_1528 = tpu.memref_squeeze %gather3A_1527 : memref<1x64x256xf32, #tpu.memory_space<vmem>> -> memref<64x256xf32, #tpu.memory_space<vmem>>
    %gather3A_1529 = tpu.vector_load_idx %gather3A_1528[%add3A_1523, %and3A_1520] : memref<64x256xf32, #tpu.memory_space<vmem>>[vector<16xi32>, vector<16xi32>], vector<16xf32>,
    %get3A_1530 = arith.constant 1 : i32
    %get3A_1531 = arith.index_cast %get3A_1530 : i32 to index
    %get3A_1532 = arith.constant 80 : index
    %get3A_1533 = tpu.vector_load %arg9[%get3A_1531, %get3A_1532] {strides = array<i32>} : memref<2x128xi32, #tpu.memory_space<vmem>>, vector<16xi32>,
    %convert_element_type3A_1534 = arith.sitofp %get3A_1533 : vector<16xi32> to vector<16xf32>
    %get3A_1535 = arith.constant 464 : index
    %get3A_1536 = tpu.vector_load %arg10[%get3A_1535] {strides = array<i32>} : memref<512xf32, #tpu.memory_space<vmem>>, vector<16xf32>,
    %mul3A_1537 = arith.mulf %gather3A_1529, %convert_element_type3A_1534 : vector<16xf32>
    %mul3A_1538 = arith.mulf %get3A_1536, %convert_element_type3A_1534 : vector<16xf32>
    %sub3A_1539 = arith.subf %mul3A_1537, %mul3A_1538 : vector<16xf32>
    %abs3A_1540 = math.absf %sub3A_1539 : vector<16xf32>
    %add3A_1541 = arith.addf %add3A_1513, %abs3A_1540 : vector<16xf32>
    %get3A_1542 = arith.constant 1 : i32
    %get3A_1543 = arith.index_cast %get3A_1542 : i32 to index
    %get3A_1544 = arith.constant 96 : index
    %get3A_1545 = tpu.vector_load %arg8[%get3A_1543, %get3A_1544] {strides = array<i32>} : memref<2x128xi32, #tpu.memory_space<vmem>>, vector<16xi32>,
    %and3A_1546 = arith.constant 255 : i32
    %and3A_1547 = vector.broadcast %and3A_1546 : i32 to vector<16xi32>
    %and3A_1548 = arith.andi %get3A_1545, %and3A_1547 : vector<16xi32>
    %add3A_1549 = arith.constant 32 : i32
    %add3A_1550 = vector.broadcast %add3A_1549 : i32 to vector<16xi32>
    %add3A_1551 = arith.addi %iota3A, %add3A_1550 : vector<16xi32>
    %gather3A_1552 = arith.constant 1 : i32
    %gather3A_1553 = arith.constant 0 : i32
    %gather3A_1554 = arith.constant 0 : i32
    %gather3A_1555 = tpu.memref_slice %arg12[%gather3A_1552, %gather3A_1553, %gather3A_1554] : memref<6x64x256xf32, #tpu.memory_space<vmem>> -> memref<1x64x256xf32, #tpu.memory_space<vmem>>
    %gather3A_1556 = tpu.memref_squeeze %gather3A_1555 : memref<1x64x256xf32, #tpu.memory_space<vmem>> -> memref<64x256xf32, #tpu.memory_space<vmem>>
    %gather3A_1557 = tpu.vector_load_idx %gather3A_1556[%add3A_1551, %and3A_1548] : memref<64x256xf32, #tpu.memory_space<vmem>>[vector<16xi32>, vector<16xi32>], vector<16xf32>,
    %get3A_1558 = arith.constant 1 : i32
    %get3A_1559 = arith.index_cast %get3A_1558 : i32 to index
    %get3A_1560 = arith.constant 96 : index
    %get3A_1561 = tpu.vector_load %arg9[%get3A_1559, %get3A_1560] {strides = array<i32>} : memref<2x128xi32, #tpu.memory_space<vmem>>, vector<16xi32>,
    %convert_element_type3A_1562 = arith.sitofp %get3A_1561 : vector<16xi32> to vector<16xf32>
    %get3A_1563 = arith.constant 480 : index
    %get3A_1564 = tpu.vector_load %arg10[%get3A_1563] {strides = array<i32>} : memref<512xf32, #tpu.memory_space<vmem>>, vector<16xf32>,
    %mul3A_1565 = arith.mulf %gather3A_1557, %convert_element_type3A_1562 : vector<16xf32>
    %mul3A_1566 = arith.mulf %get3A_1564, %convert_element_type3A_1562 : vector<16xf32>
    %sub3A_1567 = arith.subf %mul3A_1565, %mul3A_1566 : vector<16xf32>
    %abs3A_1568 = math.absf %sub3A_1567 : vector<16xf32>
    %add3A_1569 = arith.addf %add3A_1541, %abs3A_1568 : vector<16xf32>
    %get3A_1570 = arith.constant 1 : i32
    %get3A_1571 = arith.index_cast %get3A_1570 : i32 to index
    %get3A_1572 = arith.constant 112 : index
    %get3A_1573 = tpu.vector_load %arg8[%get3A_1571, %get3A_1572] {strides = array<i32>} : memref<2x128xi32, #tpu.memory_space<vmem>>, vector<16xi32>,
    %and3A_1574 = arith.constant 255 : i32
    %and3A_1575 = vector.broadcast %and3A_1574 : i32 to vector<16xi32>
    %and3A_1576 = arith.andi %get3A_1573, %and3A_1575 : vector<16xi32>
    %add3A_1577 = arith.constant 48 : i32
    %add3A_1578 = vector.broadcast %add3A_1577 : i32 to vector<16xi32>
    %add3A_1579 = arith.addi %iota3A, %add3A_1578 : vector<16xi32>
    %gather3A_1580 = arith.constant 1 : i32
    %gather3A_1581 = arith.constant 0 : i32
    %gather3A_1582 = arith.constant 0 : i32
    %gather3A_1583 = tpu.memref_slice %arg12[%gather3A_1580, %gather3A_1581, %gather3A_1582] : memref<6x64x256xf32, #tpu.memory_space<vmem>> -> memref<1x64x256xf32, #tpu.memory_space<vmem>>
    %gather3A_1584 = tpu.memref_squeeze %gather3A_1583 : memref<1x64x256xf32, #tpu.memory_space<vmem>> -> memref<64x256xf32, #tpu.memory_space<vmem>>
    %gather3A_1585 = tpu.vector_load_idx %gather3A_1584[%add3A_1579, %and3A_1576] : memref<64x256xf32, #tpu.memory_space<vmem>>[vector<16xi32>, vector<16xi32>], vector<16xf32>,
    %get3A_1586 = arith.constant 1 : i32
    %get3A_1587 = arith.index_cast %get3A_1586 : i32 to index
    %get3A_1588 = arith.constant 112 : index
    %get3A_1589 = tpu.vector_load %arg9[%get3A_1587, %get3A_1588] {strides = array<i32>} : memref<2x128xi32, #tpu.memory_space<vmem>>, vector<16xi32>,
    %convert_element_type3A_1590 = arith.sitofp %get3A_1589 : vector<16xi32> to vector<16xf32>
    %get3A_1591 = arith.constant 496 : index
    %get3A_1592 = tpu.vector_load %arg10[%get3A_1591] {strides = array<i32>} : memref<512xf32, #tpu.memory_space<vmem>>, vector<16xf32>,
    %mul3A_1593 = arith.mulf %gather3A_1585, %convert_element_type3A_1590 : vector<16xf32>
    %mul3A_1594 = arith.mulf %get3A_1592, %convert_element_type3A_1590 : vector<16xf32>
    %sub3A_1595 = arith.subf %mul3A_1593, %mul3A_1594 : vector<16xf32>
    %abs3A_1596 = math.absf %sub3A_1595 : vector<16xf32>
    %add3A_1597 = arith.addf %add3A_1569, %abs3A_1596 : vector<16xf32>
    %swap3A_1598 = arith.constant 0 : index
    %swap3A_1599 = tpu.vector_load %arg13[%swap3A_1598] {strides = array<i32>} : memref<16xf32, #tpu.memory_space<vmem>>, vector<16xf32>,
    tpu.vector_store %arg13[%swap3A_1598], %add3A_1597 {strides = array<i32>} : memref<16xf32, #tpu.memory_space<vmem>>, vector<16xf32>,
    "tpu.region"() ({
      %run_scoped3A = tpu.sem_alloc : memref<!tpu.dma_semaphore, #tpu.memory_space<semaphore_mem>>
      %dma_start3A_1603 = arith.constant 0 : i32
      %dma_start3A_1604 = tpu.memref_slice %arg6[%arg0, %arg1, %dma_start3A_1603] : memref<2x16x16xf32, #tpu.memory_space<hbm>> -> memref<1x1x16xf32, #tpu.memory_space<hbm>>
      %dma_start3A_1605 = tpu.memref_squeeze %dma_start3A_1604 : memref<1x1x16xf32, #tpu.memory_space<hbm>> -> memref<16xf32, #tpu.memory_space<hbm>>
      %dma_start3A_1606 = arith.constant 0 : i32
      %dma_start3A_1607 = tpu.memref_slice %arg6[%arg0, %arg1, %dma_start3A_1606] : memref<2x16x16xf32, #tpu.memory_space<hbm>> -> memref<1x1x16xf32, #tpu.memory_space<hbm>>
      %dma_start3A_1608 = tpu.memref_squeeze %dma_start3A_1607 : memref<1x1x16xf32, #tpu.memory_space<hbm>> -> memref<16xf32, #tpu.memory_space<hbm>>
      tpu.enqueue_dma source(%arg13 : memref<16xf32, #tpu.memory_space<vmem>>) target(%dma_start3A_1608 : memref<16xf32, #tpu.memory_space<hbm>>) target_semaphore(%run_scoped3A : memref<!tpu.dma_semaphore, #tpu.memory_space<semaphore_mem>>)
      %dma_wait3A_1609 = arith.constant 0 : i32
      %dma_wait3A_1610 = tpu.memref_slice %arg6[%arg0, %arg1, %dma_wait3A_1609] : memref<2x16x16xf32, #tpu.memory_space<hbm>> -> memref<1x1x16xf32, #tpu.memory_space<hbm>>
      %dma_wait3A_1611 = tpu.memref_squeeze %dma_wait3A_1610 : memref<1x1x16xf32, #tpu.memory_space<hbm>> -> memref<16xf32, #tpu.memory_space<hbm>>
      %dma_wait3A_1612 = arith.constant 0 : i32
      %dma_wait3A_1613 = tpu.memref_slice %arg6[%arg0, %arg1, %dma_wait3A_1612] : memref<2x16x16xf32, #tpu.memory_space<hbm>> -> memref<1x1x16xf32, #tpu.memory_space<hbm>>
      %dma_wait3A_1614 = tpu.memref_squeeze %dma_wait3A_1613 : memref<1x1x16xf32, #tpu.memory_space<hbm>> -> memref<16xf32, #tpu.memory_space<hbm>>
      tpu.wait_dma2 semaphore(%run_scoped3A : memref<!tpu.dma_semaphore, #tpu.memory_space<semaphore_mem>>) src(%arg13 : memref<16xf32, #tpu.memory_space<vmem>>) dst(%dma_wait3A_1614 : memref<16xf32, #tpu.memory_space<hbm>>)
      tpu.yield
    }) : () -> ()
    %barrier3A = arith.constant 0 : index
    tpu.barrier barrier_id(%barrier3A)
    %eq3A = arith.constant 0 : i32
    %eq3A_1600 = arith.cmpi eq, %arg1, %eq3A : i32
    %convert_element_type3A_1601 = arith.extui %eq3A_1600 : i1 to i32
    %cond3A = arith.constant 0 : i32
    %cond3A_1602 = arith.cmpi ne, %convert_element_type3A_1601, %cond3A : i32
    scf.if %cond3A_1602 {
      "tpu.region"() ({
        %run_scoped3A = tpu.sem_alloc : memref<!tpu.dma_semaphore, #tpu.memory_space<semaphore_mem>>
        %dma_start3A_1732 = arith.constant 0 : i32
        %dma_start3A_1733 = arith.constant 0 : i32
        %dma_start3A_1734 = tpu.memref_slice %arg6[%arg0, %dma_start3A_1732, %dma_start3A_1733] : memref<2x16x16xf32, #tpu.memory_space<hbm>> -> memref<1x16x16xf32, #tpu.memory_space<hbm>>
        %dma_start3A_1735 = tpu.memref_squeeze %dma_start3A_1734 : memref<1x16x16xf32, #tpu.memory_space<hbm>> -> memref<16x16xf32, #tpu.memory_space<hbm>>
        %dma_start3A_1736 = arith.constant 0 : i32
        %dma_start3A_1737 = arith.constant 0 : i32
        %dma_start3A_1738 = tpu.memref_slice %arg6[%arg0, %dma_start3A_1736, %dma_start3A_1737] : memref<2x16x16xf32, #tpu.memory_space<hbm>> -> memref<1x16x16xf32, #tpu.memory_space<hbm>>
        %dma_start3A_1739 = tpu.memref_squeeze %dma_start3A_1738 : memref<1x16x16xf32, #tpu.memory_space<hbm>> -> memref<16x16xf32, #tpu.memory_space<hbm>>
        tpu.enqueue_dma source(%dma_start3A_1739 : memref<16x16xf32, #tpu.memory_space<hbm>>) target(%arg14 : memref<16x16xf32, #tpu.memory_space<vmem>>) target_semaphore(%run_scoped3A : memref<!tpu.dma_semaphore, #tpu.memory_space<semaphore_mem>>)
        %dma_wait3A_1740 = arith.constant 0 : i32
        %dma_wait3A_1741 = arith.constant 0 : i32
        %dma_wait3A_1742 = tpu.memref_slice %arg6[%arg0, %dma_wait3A_1740, %dma_wait3A_1741] : memref<2x16x16xf32, #tpu.memory_space<hbm>> -> memref<1x16x16xf32, #tpu.memory_space<hbm>>
        %dma_wait3A_1743 = tpu.memref_squeeze %dma_wait3A_1742 : memref<1x16x16xf32, #tpu.memory_space<hbm>> -> memref<16x16xf32, #tpu.memory_space<hbm>>
        %dma_wait3A_1744 = arith.constant 0 : i32
        %dma_wait3A_1745 = arith.constant 0 : i32
        %dma_wait3A_1746 = tpu.memref_slice %arg6[%arg0, %dma_wait3A_1744, %dma_wait3A_1745] : memref<2x16x16xf32, #tpu.memory_space<hbm>> -> memref<1x16x16xf32, #tpu.memory_space<hbm>>
        %dma_wait3A_1747 = tpu.memref_squeeze %dma_wait3A_1746 : memref<1x16x16xf32, #tpu.memory_space<hbm>> -> memref<16x16xf32, #tpu.memory_space<hbm>>
        tpu.wait_dma2 semaphore(%run_scoped3A : memref<!tpu.dma_semaphore, #tpu.memory_space<semaphore_mem>>) src(%dma_wait3A_1747 : memref<16x16xf32, #tpu.memory_space<hbm>>) dst(%arg14 : memref<16x16xf32, #tpu.memory_space<vmem>>)
        tpu.yield
      }) : () -> ()
      %get3A_1603 = arith.constant 0 : i32
      %get3A_1604 = arith.index_cast %get3A_1603 : i32 to index
      %get3A_1605 = arith.constant 0 : index
      %get3A_1606 = tpu.vector_load %arg14[%get3A_1604, %get3A_1605] {strides = array<i32>} : memref<16x16xf32, #tpu.memory_space<vmem>>, vector<16xf32>,
      %get3A_1607 = arith.constant 1 : i32
      %get3A_1608 = arith.index_cast %get3A_1607 : i32 to index
      %get3A_1609 = arith.constant 0 : index
      %get3A_1610 = tpu.vector_load %arg14[%get3A_1608, %get3A_1609] {strides = array<i32>} : memref<16x16xf32, #tpu.memory_space<vmem>>, vector<16xf32>,
      %add3A_1611 = arith.addf %get3A_1606, %get3A_1610 : vector<16xf32>
      %get3A_1612 = arith.constant 2 : i32
      %get3A_1613 = arith.index_cast %get3A_1612 : i32 to index
      %get3A_1614 = arith.constant 0 : index
      %get3A_1615 = tpu.vector_load %arg14[%get3A_1613, %get3A_1614] {strides = array<i32>} : memref<16x16xf32, #tpu.memory_space<vmem>>, vector<16xf32>,
      %add3A_1616 = arith.addf %add3A_1611, %get3A_1615 : vector<16xf32>
      %get3A_1617 = arith.constant 3 : i32
      %get3A_1618 = arith.index_cast %get3A_1617 : i32 to index
      %get3A_1619 = arith.constant 0 : index
      %get3A_1620 = tpu.vector_load %arg14[%get3A_1618, %get3A_1619] {strides = array<i32>} : memref<16x16xf32, #tpu.memory_space<vmem>>, vector<16xf32>,
      %add3A_1621 = arith.addf %add3A_1616, %get3A_1620 : vector<16xf32>
      %get3A_1622 = arith.constant 4 : i32
      %get3A_1623 = arith.index_cast %get3A_1622 : i32 to index
      %get3A_1624 = arith.constant 0 : index
      %get3A_1625 = tpu.vector_load %arg14[%get3A_1623, %get3A_1624] {strides = array<i32>} : memref<16x16xf32, #tpu.memory_space<vmem>>, vector<16xf32>,
      %add3A_1626 = arith.addf %add3A_1621, %get3A_1625 : vector<16xf32>
      %get3A_1627 = arith.constant 5 : i32
      %get3A_1628 = arith.index_cast %get3A_1627 : i32 to index
      %get3A_1629 = arith.constant 0 : index
      %get3A_1630 = tpu.vector_load %arg14[%get3A_1628, %get3A_1629] {strides = array<i32>} : memref<16x16xf32, #tpu.memory_space<vmem>>, vector<16xf32>,
      %add3A_1631 = arith.addf %add3A_1626, %get3A_1630 : vector<16xf32>
      %get3A_1632 = arith.constant 6 : i32
      %get3A_1633 = arith.index_cast %get3A_1632 : i32 to index
      %get3A_1634 = arith.constant 0 : index
      %get3A_1635 = tpu.vector_load %arg14[%get3A_1633, %get3A_1634] {strides = array<i32>} : memref<16x16xf32, #tpu.memory_space<vmem>>, vector<16xf32>,
      %add3A_1636 = arith.addf %add3A_1631, %get3A_1635 : vector<16xf32>
      %get3A_1637 = arith.constant 7 : i32
      %get3A_1638 = arith.index_cast %get3A_1637 : i32 to index
      %get3A_1639 = arith.constant 0 : index
      %get3A_1640 = tpu.vector_load %arg14[%get3A_1638, %get3A_1639] {strides = array<i32>} : memref<16x16xf32, #tpu.memory_space<vmem>>, vector<16xf32>,
      %add3A_1641 = arith.addf %add3A_1636, %get3A_1640 : vector<16xf32>
      %get3A_1642 = arith.constant 8 : i32
      %get3A_1643 = arith.index_cast %get3A_1642 : i32 to index
      %get3A_1644 = arith.constant 0 : index
      %get3A_1645 = tpu.vector_load %arg14[%get3A_1643, %get3A_1644] {strides = array<i32>} : memref<16x16xf32, #tpu.memory_space<vmem>>, vector<16xf32>,
      %add3A_1646 = arith.addf %add3A_1641, %get3A_1645 : vector<16xf32>
      %get3A_1647 = arith.constant 9 : i32
      %get3A_1648 = arith.index_cast %get3A_1647 : i32 to index
      %get3A_1649 = arith.constant 0 : index
      %get3A_1650 = tpu.vector_load %arg14[%get3A_1648, %get3A_1649] {strides = array<i32>} : memref<16x16xf32, #tpu.memory_space<vmem>>, vector<16xf32>,
      %add3A_1651 = arith.addf %add3A_1646, %get3A_1650 : vector<16xf32>
      %get3A_1652 = arith.constant 10 : i32
      %get3A_1653 = arith.index_cast %get3A_1652 : i32 to index
      %get3A_1654 = arith.constant 0 : index
      %get3A_1655 = tpu.vector_load %arg14[%get3A_1653, %get3A_1654] {strides = array<i32>} : memref<16x16xf32, #tpu.memory_space<vmem>>, vector<16xf32>,
      %add3A_1656 = arith.addf %add3A_1651, %get3A_1655 : vector<16xf32>
      %get3A_1657 = arith.constant 11 : i32
      %get3A_1658 = arith.index_cast %get3A_1657 : i32 to index
      %get3A_1659 = arith.constant 0 : index
      %get3A_1660 = tpu.vector_load %arg14[%get3A_1658, %get3A_1659] {strides = array<i32>} : memref<16x16xf32, #tpu.memory_space<vmem>>, vector<16xf32>,
      %add3A_1661 = arith.addf %add3A_1656, %get3A_1660 : vector<16xf32>
      %get3A_1662 = arith.constant 12 : i32
      %get3A_1663 = arith.index_cast %get3A_1662 : i32 to index
      %get3A_1664 = arith.constant 0 : index
      %get3A_1665 = tpu.vector_load %arg14[%get3A_1663, %get3A_1664] {strides = array<i32>} : memref<16x16xf32, #tpu.memory_space<vmem>>, vector<16xf32>,
      %add3A_1666 = arith.addf %add3A_1661, %get3A_1665 : vector<16xf32>
      %get3A_1667 = arith.constant 13 : i32
      %get3A_1668 = arith.index_cast %get3A_1667 : i32 to index
      %get3A_1669 = arith.constant 0 : index
      %get3A_1670 = tpu.vector_load %arg14[%get3A_1668, %get3A_1669] {strides = array<i32>} : memref<16x16xf32, #tpu.memory_space<vmem>>, vector<16xf32>,
      %add3A_1671 = arith.addf %add3A_1666, %get3A_1670 : vector<16xf32>
      %get3A_1672 = arith.constant 14 : i32
      %get3A_1673 = arith.index_cast %get3A_1672 : i32 to index
      %get3A_1674 = arith.constant 0 : index
      %get3A_1675 = tpu.vector_load %arg14[%get3A_1673, %get3A_1674] {strides = array<i32>} : memref<16x16xf32, #tpu.memory_space<vmem>>, vector<16xf32>,
      %add3A_1676 = arith.addf %add3A_1671, %get3A_1675 : vector<16xf32>
      %get3A_1677 = arith.constant 15 : i32
      %get3A_1678 = arith.index_cast %get3A_1677 : i32 to index
      %get3A_1679 = arith.constant 0 : index
      %get3A_1680 = tpu.vector_load %arg14[%get3A_1678, %get3A_1679] {strides = array<i32>} : memref<16x16xf32, #tpu.memory_space<vmem>>, vector<16xf32>,
      %add3A_1681 = arith.addf %add3A_1676, %get3A_1680 : vector<16xf32>
      %slice3A = vector.extract_strided_slice %add3A_1681 {offsets = [0], sizes = [1], strides = [1]} : vector<16xf32> to vector<1xf32>
      %squeeze3A = vector.extract %slice3A[0] : f32 from vector<1xf32>
      %slice3A_1682 = vector.extract_strided_slice %add3A_1681 {offsets = [1], sizes = [1], strides = [1]} : vector<16xf32> to vector<1xf32>
      %squeeze3A_1683 = vector.extract %slice3A_1682[0] : f32 from vector<1xf32>
      %add3A_1684 = arith.addf %squeeze3A, %squeeze3A_1683 : f32
      %slice3A_1685 = vector.extract_strided_slice %add3A_1681 {offsets = [2], sizes = [1], strides = [1]} : vector<16xf32> to vector<1xf32>
      %squeeze3A_1686 = vector.extract %slice3A_1685[0] : f32 from vector<1xf32>
      %add3A_1687 = arith.addf %add3A_1684, %squeeze3A_1686 : f32
      %slice3A_1688 = vector.extract_strided_slice %add3A_1681 {offsets = [3], sizes = [1], strides = [1]} : vector<16xf32> to vector<1xf32>
      %squeeze3A_1689 = vector.extract %slice3A_1688[0] : f32 from vector<1xf32>
      %add3A_1690 = arith.addf %add3A_1687, %squeeze3A_1689 : f32
      %slice3A_1691 = vector.extract_strided_slice %add3A_1681 {offsets = [4], sizes = [1], strides = [1]} : vector<16xf32> to vector<1xf32>
      %squeeze3A_1692 = vector.extract %slice3A_1691[0] : f32 from vector<1xf32>
      %add3A_1693 = arith.addf %add3A_1690, %squeeze3A_1692 : f32
      %slice3A_1694 = vector.extract_strided_slice %add3A_1681 {offsets = [5], sizes = [1], strides = [1]} : vector<16xf32> to vector<1xf32>
      %squeeze3A_1695 = vector.extract %slice3A_1694[0] : f32 from vector<1xf32>
      %add3A_1696 = arith.addf %add3A_1693, %squeeze3A_1695 : f32
      %slice3A_1697 = vector.extract_strided_slice %add3A_1681 {offsets = [6], sizes = [1], strides = [1]} : vector<16xf32> to vector<1xf32>
      %squeeze3A_1698 = vector.extract %slice3A_1697[0] : f32 from vector<1xf32>
      %add3A_1699 = arith.addf %add3A_1696, %squeeze3A_1698 : f32
      %slice3A_1700 = vector.extract_strided_slice %add3A_1681 {offsets = [7], sizes = [1], strides = [1]} : vector<16xf32> to vector<1xf32>
      %squeeze3A_1701 = vector.extract %slice3A_1700[0] : f32 from vector<1xf32>
      %add3A_1702 = arith.addf %add3A_1699, %squeeze3A_1701 : f32
      %slice3A_1703 = vector.extract_strided_slice %add3A_1681 {offsets = [8], sizes = [1], strides = [1]} : vector<16xf32> to vector<1xf32>
      %squeeze3A_1704 = vector.extract %slice3A_1703[0] : f32 from vector<1xf32>
      %add3A_1705 = arith.addf %add3A_1702, %squeeze3A_1704 : f32
      %slice3A_1706 = vector.extract_strided_slice %add3A_1681 {offsets = [9], sizes = [1], strides = [1]} : vector<16xf32> to vector<1xf32>
      %squeeze3A_1707 = vector.extract %slice3A_1706[0] : f32 from vector<1xf32>
      %add3A_1708 = arith.addf %add3A_1705, %squeeze3A_1707 : f32
      %slice3A_1709 = vector.extract_strided_slice %add3A_1681 {offsets = [10], sizes = [1], strides = [1]} : vector<16xf32> to vector<1xf32>
      %squeeze3A_1710 = vector.extract %slice3A_1709[0] : f32 from vector<1xf32>
      %add3A_1711 = arith.addf %add3A_1708, %squeeze3A_1710 : f32
      %slice3A_1712 = vector.extract_strided_slice %add3A_1681 {offsets = [11], sizes = [1], strides = [1]} : vector<16xf32> to vector<1xf32>
      %squeeze3A_1713 = vector.extract %slice3A_1712[0] : f32 from vector<1xf32>
      %add3A_1714 = arith.addf %add3A_1711, %squeeze3A_1713 : f32
      %slice3A_1715 = vector.extract_strided_slice %add3A_1681 {offsets = [12], sizes = [1], strides = [1]} : vector<16xf32> to vector<1xf32>
      %squeeze3A_1716 = vector.extract %slice3A_1715[0] : f32 from vector<1xf32>
      %add3A_1717 = arith.addf %add3A_1714, %squeeze3A_1716 : f32
      %slice3A_1718 = vector.extract_strided_slice %add3A_1681 {offsets = [13], sizes = [1], strides = [1]} : vector<16xf32> to vector<1xf32>
      %squeeze3A_1719 = vector.extract %slice3A_1718[0] : f32 from vector<1xf32>
      %add3A_1720 = arith.addf %add3A_1717, %squeeze3A_1719 : f32
      %slice3A_1721 = vector.extract_strided_slice %add3A_1681 {offsets = [14], sizes = [1], strides = [1]} : vector<16xf32> to vector<1xf32>
      %squeeze3A_1722 = vector.extract %slice3A_1721[0] : f32 from vector<1xf32>
      %add3A_1723 = arith.addf %add3A_1720, %squeeze3A_1722 : f32
      %slice3A_1724 = vector.extract_strided_slice %add3A_1681 {offsets = [15], sizes = [1], strides = [1]} : vector<16xf32> to vector<1xf32>
      %squeeze3A_1725 = vector.extract %slice3A_1724[0] : f32 from vector<1xf32>
      %add3A_1726 = arith.addf %add3A_1723, %squeeze3A_1725 : f32
      %mul3A_1727 = arith.constant 6.10351563E-5 : f32
      %mul3A_1728 = arith.mulf %add3A_1726, %mul3A_1727 : f32
      %broadcast_in_dim3A_1729 = vector.broadcast %mul3A_1728 : f32 to vector<16xf32>
      %swap3A_1730 = arith.constant 0 : index
      %swap3A_1731 = tpu.vector_load %arg15[%swap3A_1730] {strides = array<i32>} : memref<16xf32, #tpu.memory_space<vmem>>, vector<16xf32>,
      tpu.vector_store %arg15[%swap3A_1730], %broadcast_in_dim3A_1729 {strides = array<i32>} : memref<16xf32, #tpu.memory_space<vmem>>, vector<16xf32>,
      "tpu.region"() ({
        %run_scoped3A = tpu.sem_alloc : memref<!tpu.dma_semaphore, #tpu.memory_space<semaphore_mem>>
        %dma_start3A_1732 = arith.constant 0 : i32
        %dma_start3A_1733 = tpu.memref_slice %arg7[%arg0, %dma_start3A_1732] : memref<2x16xf32, #tpu.memory_space<hbm>> -> memref<1x16xf32, #tpu.memory_space<hbm>>
        %dma_start3A_1734 = tpu.memref_squeeze %dma_start3A_1733 : memref<1x16xf32, #tpu.memory_space<hbm>> -> memref<16xf32, #tpu.memory_space<hbm>>
        %dma_start3A_1735 = arith.constant 0 : i32
        %dma_start3A_1736 = tpu.memref_slice %arg7[%arg0, %dma_start3A_1735] : memref<2x16xf32, #tpu.memory_space<hbm>> -> memref<1x16xf32, #tpu.memory_space<hbm>>
        %dma_start3A_1737 = tpu.memref_squeeze %dma_start3A_1736 : memref<1x16xf32, #tpu.memory_space<hbm>> -> memref<16xf32, #tpu.memory_space<hbm>>
        tpu.enqueue_dma source(%arg15 : memref<16xf32, #tpu.memory_space<vmem>>) target(%dma_start3A_1737 : memref<16xf32, #tpu.memory_space<hbm>>) target_semaphore(%run_scoped3A : memref<!tpu.dma_semaphore, #tpu.memory_space<semaphore_mem>>)
        %dma_wait3A_1738 = arith.constant 0 : i32
        %dma_wait3A_1739 = tpu.memref_slice %arg7[%arg0, %dma_wait3A_1738] : memref<2x16xf32, #tpu.memory_space<hbm>> -> memref<1x16xf32, #tpu.memory_space<hbm>>
        %dma_wait3A_1740 = tpu.memref_squeeze %dma_wait3A_1739 : memref<1x16xf32, #tpu.memory_space<hbm>> -> memref<16xf32, #tpu.memory_space<hbm>>
        %dma_wait3A_1741 = arith.constant 0 : i32
        %dma_wait3A_1742 = tpu.memref_slice %arg7[%arg0, %dma_wait3A_1741] : memref<2x16xf32, #tpu.memory_space<hbm>> -> memref<1x16xf32, #tpu.memory_space<hbm>>
        %dma_wait3A_1743 = tpu.memref_squeeze %dma_wait3A_1742 : memref<1x16xf32, #tpu.memory_space<hbm>> -> memref<16xf32, #tpu.memory_space<hbm>>
        tpu.wait_dma2 semaphore(%run_scoped3A : memref<!tpu.dma_semaphore, #tpu.memory_space<semaphore_mem>>) src(%arg15 : memref<16xf32, #tpu.memory_space<vmem>>) dst(%dma_wait3A_1743 : memref<16xf32, #tpu.memory_space<hbm>>)
        tpu.yield
      }) : () -> ()
    } else {
    }
    return
  }
}

</mosaic_0001>

<sc_bundles>
// kernel: kernel.3.cloned.1.call-start
scs
__scs_entry_jumppad:
0x0: {  	(pc) =	sbr.rel $0x88, $3  }
0x1: {  	(tag) =	ssettag $0x0;
	lr =	simm.s32 $0x1  }
0x2: {  	[smem:$0x3F9D] =	sst lr;
	_ =	strace $0xD0000000  }
0x3: {  	_ = 	snop  }
0x4: {  	_ = 	snop  }
0x5: {  	_ = 	snop  }
0x6: {  	_ = 	snop  }
0x7: {  	_ = 	snop  }
__scs_overlays_trampoline_lowered:
0x8: {  	[smem:$0x3FAC] =	sst s0  }
0x9: {  	[smem:$0x3FAD] =	sst s1  }
0xa: {  	[smem:$0x3FAE] =	sst s2  }
0xb: {  	[smem:$0x3FAF] =	sst s3  }
0xc: {  	[smem:$0x3FB0] =	sst s4  }
0xd: {  	[smem:$0x3FB1] =	sst s5  }
0xe: {  	[smem:$0x3FB2] =	sst s6  }
0xf: {  	[smem:$0x3FB3] =	sst s7  }
0x10: {  	[smem:$0x3FB4] =	sst s8  }
0x11: {  	[smem:$0x3FB5] =	sst s9;
	s0 =	simm.s32 @!p0 $0x0  }
0x12: {  	s1 =	sld [smem:$0x3F9B];
	s0 =	simm.s32 @p0 $0x1  }
0x13: {  	[smem:$0x3FB6] =	sst s0;
	s0 =	simm.s32 @!p1 $0x0  }
0x14: {  	s2 =	sld [smem:$0x3F9A];
	s0 =	simm.s32 @p1 $0x1  }
0x15: {  	[smem:$0x3FB7] =	sst s0;
	s0 =	simm.s32 @!p2 $0x0  }
0x16: {  	s3 =	sld [smem:$0x3FDB];
	s0 =	simm.s32 @p2 $0x1  }
0x17: {  	s4 =	simm.s32 $0x1BF5;
	[smem:$0x3FB9] =	sst s0  }
0x18: {  	s0 =	sld [smem:$0x3F9C];
	_ =	swait.ge [sflag:s4], $0x0  }
0x19: {  	s7 =	sld [smem:$0x3F9D]  }
0x1a: {  	s8 =	sadd.s32 $0xFFFFE003, lr  }
0x1b: {  	s9 =	sadd.s32 $0xFFFFFEF7, lr;
	s5 =	simm.s32 $0xFFFFFFFF;
	p2 =	slt.u32 s8, $0xFFFFF086  }
0x1c: {  	p1 =	slt.u32 s9, $0xF7A;
	s5 =	simm.s32 @!p2 $0x0  }
0x1d: {  	s5 =	simm.s32 @p1 $0x1;
	p0 =	seq.s32 s7, s2  }
0x1e: {  	s7 =	smul.u32 @!p0 $0xF7A, s2;
	p2 =	seq.s32 @!p0 s5, $0x0  }
0x1f: {  	s9 =	smul.u32 $0xF7A, s1;
	s8 =	simm.s32 @!p0 $0x1BF5;
	p2 =	por !p2, p0  }
0x20: {  	[sflag:s8] =	ssyncset.s32 @!p0 $0xFFFFF086;
	s6 =	sadd.s32 @!p0 s3, s7;
	s7 =	simm.s32 @!p0 $0x108  }
0x21: {  	s3 =	sadd.s32 s3, s9;
	s6 =	sadd.s32 @!p0 $0x88, s6;
	s7 =	simm.s32 @p2 $0x1082  }
0x22: {  	[simem:s7], [sflag:s8] =	dma.local @!p0 [hbm:s6], $0xF7A  }
0x23: {  	s9 =	sor.u32 $0xD0000000, s2;
	s6 =	simm.s32 $0x108;
	_ =	swait.ge @!p0 [sflag:s8], $0x0  }
0x24: {  	s3 =	sadd.s32 $0x88, s3;
	s6 =	simm.s32 @!p1 $0x1082;
	[sflag:s4] =	ssyncset.s32 $0xFFFFF086  }
0x25: {  	[simem:s6], [sflag:s4] =	dma.local [hbm:s3], $0xF7A  }
0x26: {  	[smem:$0x3F9D] =	sst s1;
	(tag) =	ssettag s2;
	_ =	strace s9  }
0x27: {  	s1 =	sld [smem:$0x3FAD]  }
0x28: {  	s2 =	sld [smem:$0x3FAE]  }
0x29: {  	s4 =	sld [smem:$0x3FB0]  }
0x2a: {  	p0 =	seq.s32 s5, $0x0;
	s5 =	sld [smem:$0x3FB1]  }
0x2b: {  	s6 =	sld [smem:$0x3FB2]  }
0x2c: {  	s7 =	sld [smem:$0x3FB3]  }
0x2d: {  	s3 =	simm.s32 $0x108;
	s8 =	sld [smem:$0x3FB4]  }
0x2e: {  	s3 =	simm.s32 @!p0 $0x1082;
	s9 =	sld [smem:$0x3FB5]  }
0x2f: {  	lr =	sadd.s32 s0, s3;
	s0 =	sld [smem:$0x3FAC]  }
0x30: {  	s3 =	sld [smem:$0x3FAF]  }
0x31: {  	[smem:$0x3FB8] =	sst s10  }
0x32: {  	s10 =	sld [smem:$0x3FB6];
	_ =	sdelay $0x3  }
0x33: {  	p0 =	seq.s32 s10, $0x1;
	s10 =	sld [smem:$0x3FB8];
	_ =	sdelay $0x3  }
0x34: {  	[smem:$0x3FB8] =	sst s10  }
0x35: {  	s10 =	sld [smem:$0x3FB7];
	_ =	sdelay $0x3  }
0x36: {  	p1 =	seq.s32 s10, $0x1;
	s10 =	sld [smem:$0x3FB8];
	_ =	sdelay $0x3  }
0x37: {  	[smem:$0x3FB8] =	sst s10  }
0x38: {  	s10 =	sld [smem:$0x3FB9]  }
0x39: {  	_ = 	snop;
	(pc) =	sbr.ind lr, $3  }
0x3a: {  	_ = 	snop  }
0x3b: {  	_ = 	snop  }
0x3c: {  	p2 =	seq.s32 s10, $0x1;
	s10 =	sld [smem:$0x3FB8]  }
0x3d: {  	_ =	shalt  }
0x3e: {  	_ =	shalt  }
0x3f: {  	_ =	shalt  }
0x40: {  	_ =	shalt  }
0x41: {  	_ =	shalt  }
0x42: {  	_ =	shalt  }
0x43: {  	_ =	shalt  }
0x44: {  	_ =	shalt  }
0x45: {  	_ =	shalt  }
0x46: {  	_ =	shalt  }
0x47: {  	_ =	shalt  }
0x48: {  	_ =	shalt  }
0x49: {  	_ =	shalt  }
0x4a: {  	_ =	shalt  }
0x4b: {  	_ =	shalt  }
0x4c: {  	_ =	shalt  }
0x4d: {  	_ =	shalt  }
0x4e: {  	_ =	shalt  }
0x4f: {  	_ =	shalt  }
0x50: {  	_ =	shalt  }
0x51: {  	_ =	shalt  }
0x52: {  	_ =	shalt  }
0x53: {  	_ =	shalt  }
0x54: {  	_ =	shalt  }
0x55: {  	_ =	shalt  }
0x56: {  	_ =	shalt  }
0x57: {  	_ =	shalt  }
0x58: {  	_ =	shalt  }
0x59: {  	_ =	shalt  }
0x5a: {  	_ =	shalt  }
0x5b: {  	_ =	shalt  }
0x5c: {  	_ =	shalt  }
0x5d: {  	_ =	shalt  }
0x5e: {  	_ =	shalt  }
0x5f: {  	_ =	shalt  }
0x60: {  	_ =	shalt  }
0x61: {  	_ =	shalt  }
0x62: {  	_ =	shalt  }
0x63: {  	_ =	shalt  }
0x64: {  	_ =	shalt  }
0x65: {  	_ =	shalt  }
0x66: {  	_ =	shalt  }
0x67: {  	_ =	shalt  }
0x68: {  	_ =	shalt  }
0x69: {  	_ =	shalt  }
0x6a: {  	_ =	shalt  }
0x6b: {  	_ =	shalt  }
0x6c: {  	_ =	shalt  }
0x6d: {  	_ =	shalt  }
0x6e: {  	_ =	shalt  }
0x6f: {  	_ =	shalt  }
0x70: {  	_ =	shalt  }
0x71: {  	_ =	shalt  }
0x72: {  	_ =	shalt  }
0x73: {  	_ =	shalt  }
0x74: {  	_ =	shalt  }
0x75: {  	_ =	shalt  }
0x76: {  	_ =	shalt  }
0x77: {  	_ =	shalt  }
0x78: {  	_ =	shalt  }
0x79: {  	_ =	shalt  }
0x7a: {  	_ =	shalt  }
0x7b: {  	_ =	shalt  }
0x7c: {  	_ =	shalt  }
0x7d: {  	_ =	shalt  }
0x7e: {  	_ =	shalt  }
0x7f: {  	_ =	shalt  }
0x80: {  	_ =	shalt  }
0x81: {  	_ =	shalt  }
0x82: {  	_ =	shalt  }
0x83: {  	_ =	shalt  }
0x84: {  	_ =	shalt  }
0x85: {  	_ =	shalt  }
0x86: {  	_ =	shalt  }
0x87: {  	_ =	shalt  }
.Lfunc_end0:
.L_simem_size_0:
called_computation_lowered:
.L_overlay_start_0:
0x88: {  	s2 =	sld [smem:$0x3FD9]  }
0x89: {  	s3 =	sld [smem:$0x3FFE];
	_ =	sdelay $0x1  }
0x8a: {  	s1 =	srdreg.scid  }
0x8b: {  	s0 =	sand.u32 $0x1, s1  }
0x8c: {  	s17 =	sshll.u32 s0, $0xA;
	s2 =	sadd.s32 s3, s2  }
0x8d: {  	s2 =	sadd.s32 s2, s17  }
0x8e: {  	[smem:$0x3FC4] =	sst s2  }
0x8f: {  	_ = 	snop  }
0x90: {  	s2 =	sld [smem:$0x3FC9]  }
0x91: {  	s18 =	sld [smem:$0x3FC8]  }
0x92: {  	s4 =	sld [smem:$0x3FC7]  }
0x93: {  	s5 =	sld [smem:$0x3FC6];
	(tm) =	ssettm $0x1  }
0x94: {  	s6 =	sld [smem:$0x3FFB];
	_ =	sdelay $0x3  }
0x95: {  	_ =	strace s6  }
0x96: {  	s6 =	sld [smem:$0x3FFC];
	_ =	sdelay $0x3  }
0x97: {  	_ =	strace s6  }
0x98: {  	s6 =	sld [smem:$0x3FFD];
	_ =	sdelay $0x3  }
0x99: {  	_ =	strace s6  }
0x9a: {  	_ =	strace $0x8FFFFFFF  }
0x9b: {  	s19 =	sld [smem:$0x3FDB];
	_ =	sdelay $0x1  }
0x9c: {  	s7 =	simm.s32 $_scs_section_size  }
0x9d: {  	s8 =	simm.s32 $_size__tile_overlayer_lowered;
	s9 =	simm.s32 $_tile_overlayer_lowered  }
0x9e: {  	s22 =	simm.s32 $0x1BFF;
	s21 =	sshll.u32 s9, $0x1;
	s6 =	sadd.s32 s7, s19  }
0x9f: {  	s10 =	simm.s32 $0x0;
	s20 =	sshll.u32 s8, $0x1;
	s8 =	sadd.s32 s21, s6  }
0xa0: {  	[timem:s10], [sflag:s22] =	dma.local [hbm:s8], s20  }
0xa1: {  	_ =	swait.ge [sflag:s22], s20  }
0xa2: {  	s7 =	ssub.s32 $0x0, s20;
	[sflag:s22] =	ssyncset.done $0x0  }
0xa3: {  	[sflag:s22] =	ssyncadd.s32 s7;
	_ =	sdelay $0x1  }
0xa4: {  	s23 =	simm.s32 $0x1B8B  }
0xa5: {  	_ =	swait.ge [sflag:s23], $0x1  }
0xa6: {  	[sflag:s23] =	ssyncset.done $0x0  }
0xa7: {  	s25 =	simm.s32 $0x1B8E;
	s24 =	sld [smem:$0x3FFE];
	[sflag:s23] =	ssyncadd.s32 $0xFFFFFFFF  }
0xa8: {  	s26 =	simm.s32 $execute0_lowered;
	[smem:$0x3FD2] =	sst s25  }
0xa9: {  	s8 =	sshll.u32 s26, $0x1;
	_ =	strace $0x80000046;
	[dreg:$0x1] =	wrdreg $0xFFFFFFFF  }
0xaa: {  	s28 =	simm.s32 $_size_execute0_lowered;
	s6 =	sadd.s32 s6, s8;
	[dreg:$0x0] =	wrdreg $0x0  }
0xab: {  	s8 =	sshll.u32 s28, $0x1;
	[dreg:$0x2] =	wrdreg s6  }
0xac: {  	[dreg:$0x3] =	wrdreg s8  }
0xad: {  	[dreg:$0x4] =	wrdreg $0xC0  }
0xae: {  	_ =	task [dreg:s10], $0x5FFFF  }
0xaf: {  	[dreg:$0x1] =	wrdreg $0xFFFFFFFF  }
0xb0: {  	[dreg:$0x0] =	wrdreg $0x60  }
0xb1: {  	[dreg:$0x2] =	wrdreg s2  }
0xb2: {  	[dreg:$0x3] =	wrdreg s4  }
0xb3: {  	[dreg:$0x4] =	wrdreg s18  }
0xb4: {  	[dreg:$0x5] =	wrdreg s5  }
0xb5: {  	[dreg:$0x6] =	wrdreg s24  }
0xb6: {  	[dreg:$0x7] =	wrdreg $0x9  }
0xb7: {  	_ =	task.clear_ibuf [dreg:s10], $0x8FFFF;
	_ =	strace $0x90000046  }
0xb8: {  	s29 =	simm.s32 $0x9;
	_ =	strace $0x80000048  }
0xb9: {  	_ =	swait.ge [sflag:s29], $0x1  }
0xba: {  	[sflag:s29] =	ssyncadd.s32 $0xFFFFFFFF  }
0xbb: {  	_ =	strace $0x90000048  }
0xbc: {  	_ =	sfence  }
0xbd: {  	s30 =	sld [smem:$0x0];
	_ =	sdelay $0x2  }
0xbe: {  	s31 =	sshll.u32 s1, $0xD;
	s1 =	sshrl.u32 s1, $0x2  }
0xbf: {  	s3 =	sand.u32 $0x4000, s31;
	s1 =	sadd.s32 s1, s30  }
0xc0: {  	s0 =	sor.u32 s3, s0;
	s1 =	sshll.u32 s1, $0x11  }
0xc1: {  	s0 =	sor.u32 s1, s0  }
0xc2: {  	s0 =	sadd.s32 $0x8F2B, s0  }
0xc3: {  	[sflag:s0] =	ssyncadd.remote.s32 $0x1  }
0xc4: {  	_ =	sfence.sel $0xFFFF  }
0xc5: {  	[dreg:$0x0] =	wrdreg $0xFFFFFFFF;
	(pc) =	sbr.abs _section_cstart, $3  }
0xc6: {  	[dreg:$0x1] =	wrdreg $0xFFFFFFFF  }
0xc7: {  	_ =	task.clear_ibuf [dreg:s10], $0x2FFFF;
	_ =	strace $0x9FFFFFFF  }
0xc8: {  	(tm) =	ssettm $0x7FFFFFFF  }
0xc9: {  	_ =	shalt  }
tec
execute0_lowered:
.L_overlay_start_1:
0x0: {  	(tag) =	ssettag $0x1  }
0x1: {  	v0 =	vimm.s32 $0xB80;
	vm15 =	vcmask $0x300  }
0x2: {  	vm14 =	vcmask $0x704;
	v0 =	vsel vm15, $0x0, v0  }
0x3: {  	vm13 =	vcmask $0xB08;
	v0 =	vsel vm14, $0x80, v0  }
0x4: {  	vm12 =	vcmask $0xF0C;
	v0 =	vsel vm13, $0x100, v0  }
0x5: {  	vm11 =	vcmask $0x1310;
	vm10 =	vcmask $0x1714;
	v0 =	vsel vm12, $0x180, v0  }
0x6: {  	vm1 =	vcmask $0x1B18;
	vm2 =	vcmask $0x1F1C;
	v0 =	vsel vm11, $0x200, v0  }
0x7: {  	vm3 =	vcmask $0x2320;
	vm4 =	vcmask $0x2724;
	v1 =	vsel vm10, $0x280, v0  }
0x8: {  	vm5 =	vcmask $0x2B28;
	v6 =	vlaneseq.u32;
	v2 =	vsel vm1, $0x300, v1  }
0x9: {  	s6 =	srdreg.scid;
	s8 =	stileid.u32;
	vm6 =	vcmask $0x2F2C;
	vm7 =	vcmask $0x3330;
	v3 =	vsel vm2, $0x380, v2  }
0xa: {  	vm8 =	vcmask $0x3734;
	v9 =	vimm.s32 $0x3B80;
	s6 =	sand.u32 $0x1, s6;
	s11 =	sshll.u32 s8, $0x1;
	v4 =	vsel vm3, $0x800, v3  }
0xb: {  	vm9 =	vcmask $0x3B38;
	v9 =	vsel vm15, $0x3000, v9;
	s11 =	sor.u32 s6, s11;
	v4 =	vsel vm4, $0x880, v4  }
0xc: {  	v7 =	vshrl.u32 v6, $0x3;
	v9 =	vsel vm14, $0x3080, v9;
	s17 =	sshll.u32 s11, $0xA;
	v5 =	vsel vm5, $0x900, v4  }
0xd: {  	s1 =	rddreg [dreg:$0x0];
	v9 =	vsel vm13, $0x3100, v9;
	v56 =	vmov s17;
	s18 =	sor.u32 $0x200, s17;
	v5 =	vsel vm6, $0x980, v5  }
0xe: {  	s0 =	rddreg [dreg:$0x1];
	v9 =	vsel vm12, $0x3180, v9;
	v57 =	vmov s18;
	v8 =	vsel vm7, $0xA00, v5  }
0xf: {  	s3 =	rddreg [dreg:$0x2];
	v5 =	vmul.u32 $0x8, v7;
	v7 =	vsel vm8, $0xA80, v8;
	v8 =	vimm.s32 $0x2B80  }
0x10: {  	s4 =	rddreg [dreg:$0x3];
	s20 =	sor.u32 $0x100, s17;
	v60 =	vsel vm9, $0xB00, v7;
	v7 =	vimm.s32 $0x1B80;
	v8 =	vsel vm15, $0x2000, v8  }
0x11: {  	s5 =	rddreg [dreg:$0x4];
	s22 =	sor.u32 $0x300, s17;
	v58 =	vmov s20;
	v7 =	vsel vm15, $0x1000, v7;
	v8 =	vsel vm14, $0x2080, v8  }
0x12: {  	s2 =	simm.s32 $0x0;
	s13 =	simm.s32 $0x800;
	s30 =	simm.s32 $0x8800;
	v59 =	vmov s22;
	v7 =	vsel vm14, $0x1080, v7;
	v8 =	vsel vm13, $0x2100, v8  }
0x13: {  	s31 =	simm.s32 $0x1;
	s28 =	simm.s32 $0x5000;
	s29 =	simm.s32 $0x5800;
	v9 =	vsel vm11, $0x3200, v9;
	v7 =	vsel vm13, $0x1100, v7;
	v8 =	vsel vm12, $0x2180, v8  }
0x14: {  	[smem:$0x7FF] =	sst s2;
	s7 =	sadd.s32 $0xA00, s5;
	s21 =	sshll.u32 s8, $0x4;
	v9 =	vsel vm10, $0x3280, v9;
	v7 =	vsel vm12, $0x1180, v7;
	v8 =	vsel vm11, $0x2200, v8  }
0x15: {  	p0 =	sne.s32 s8, $0x0;
	s8 =	simm.s32 $0x14800;
	_ =	strace $0x80000047;
	v9 =	vsel vm1, $0x3300, v9;
	v7 =	vsel vm11, $0x1200, v7;
	v8 =	vsel vm10, $0x2280, v8  }
0x16: {  	s9 =	sshll.u32 s6, $0x4;
	s10 =	ssub.s32 $0x2, s6;
	s23 =	sshll.u32 s6, $0x8;
	v9 =	vsel vm2, $0x3380, v9;
	v7 =	vsel vm10, $0x1280, v7;
	v8 =	vsel vm1, $0x2300, v8  }
0x17: {  	s24 =	sadd.s32 s7, s21;
	s21 =	simm.s32 $0x4800;
	s5 =	sadd.s32 s9, s5;
	v9 =	vsel vm3, $0x3800, v9;
	v7 =	vsel vm1, $0x1300, v7;
	v8 =	vsel vm2, $0x2380, v8  }
0x18: {  	s16 =	sshrl.u32 s10, $0x1;
	s12 =	sshll.u32 s11, $0x5;
	s19 =	sshll.u32 s11, $0x6;
	v9 =	vsel vm4, $0x3880, v9;
	v7 =	vsel vm2, $0x1380, v7;
	v8 =	vsel vm3, $0x2800, v8  }
0x19: {  	s6 =	sadd.s32 s23, s24;
	s25 =	sadd.s32 s7, s23;
	s11 =	simm.s32 $0x10800;
	[tilespmem:$0x1FF80] =	vst v56;
	v9 =	vsel vm5, $0x3900, v9;
	v7 =	vsel vm3, $0x1800, v7;
	v8 =	vsel vm4, $0x2880, v8  }
0x1a: {  	s7 =	simm.s32 $0x2;
	s23 =	simm.s32 $0x2800;
	s24 =	simm.s32 $0x3000;
	[tilespmem:$0x1FF90] =	vst v57;
	v9 =	vsel vm6, $0x3980, v9;
	v7 =	vsel vm4, $0x1880, v7;
	v8 =	vsel vm5, $0x2900, v8  }
0x1b: {  	s9 =	ssub.s32 s10, s16;
	s14 =	sadd.s32 s0, s12;
	s15 =	sadd.s32 s3, s12;
	[tilespmem:$0x1FFA0] =	vst v58;
	v9 =	vsel vm7, $0x3A00, v9;
	v7 =	vsel vm5, $0x1900, v7;
	v8 =	vsel vm6, $0x2980, v8  }
.Ltmp0:
0x1c: {  	s16 =	sadd.s32 s4, s19;
	[dreg:$0x6] =	wrdreg s25;
	[tilespmem:$0x1FFB0] =	vst v59;
	v9 =	vsel vm8, $0x3A80, v9;
	v7 =	vsel vm6, $0x1980, v7;
	v8 =	vsel vm7, $0x2A00, v8;
	(pc) =	sbr.rel .LBB2_1-.Ltmp0, $4  }
0x1d: {  	s26 =	sadd.s32 $0xC00, s5;
	s10 =	simm.s32 $0x7;
	s0 =	simm.s32 $0xC800;
	v63 =	vsel vm9, $0x3B00, v9;
	[tilespmem:$0x1FFC0] =	vst v60;
	v7 =	vsel vm7, $0x1A00, v7;
	v8 =	vsel vm8, $0x2A80, v8  }
0x1e: {  	s19 =	simm.s32 $0x1000;
	s25 =	simm.s32 $0x3800;
	s12 =	simm.s32 $0x7000;
	[tilespmem:$0x1FFF0] =	vst v63;
	v7 =	vsel vm8, $0x1A80, v7;
	v62 =	vsel vm9, $0x2B00, v8  }
0x1f: {  	s4 =	simm.s32 $0x8000;
	[dreg:$0x7] =	wrdreg s26;
	s9 =	smax.u32 s9, $0x1;
	v61 =	vsel vm9, $0x1B00, v7;
	[tilespmem:$0x1FFE0] =	vst v62  }
0x20: {  	vm0 =	vmmov $0xffff;
	s20 =	simm.s32 $0x1800;
	s22 =	simm.s32 $0x2000;
	s26 =	simm.s32 $0x4000;
	v4 =	vand.u32 $0x7, v6;
	v6 =	vor.u32 $0x8, v6;
	[tilespmem:$0x1FFD0] =	vst v61  }
.LBB2_3:
0x21: {  	s9 =	sadd.s32 $0xFFFFFFFF, s9  }
0x22: {  	p1 =	sne.s32 s9, $0x0  }
.Ltmp1:
0x23: {  	_ = 	snop;
	(pc) =	sbr.rel @!p1 .LBB2_4-.Ltmp1, $1  }
0x24: {  	_ =	sdelay $0x3  }
.LBB2_1:
0x25: {  	[tilespmem:s2], [sflag:$0x7] =	stream.linear.gather [hbm4b:s14+s2], $0x100, $0x38;
	[tilespmem:$0x19100] =	vst v63  }
0x26: {  	_ =	swait.ge [sflag:s10], $0x100  }
0x27: {  	[sflag:s10] =	ssyncset.done $0x0  }
0x28: {  	s17 =	simm.s32 $0x100;
	[sflag:s10] =	ssyncadd.s32 $0xFFFFFF00  }
0x29: {  	[tilespmem:s17], [sflag:$0x7] =	stream.linear.gather [hbm4b:s15+s2], $0x100, $0x38;
	[tilespmem:$0x19100] =	vst v63  }
0x2a: {  	_ =	swait.ge [sflag:s10], $0x100  }
0x2b: {  	[sflag:s10] =	ssyncset.done $0x0  }
0x2c: {  	s18 =	simm.s32 $0x200;
	[sflag:s10] =	ssyncadd.s32 $0xFFFFFF00  }
0x2d: {  	[tilespmem:s18], [sflag:$0x7] =	stream.linear.gather [hbm4b:s16+s2], $0x200, $0x38;
	[tilespmem:$0x19100] =	vst v63  }
0x2e: {  	_ =	swait.ge [sflag:s10], $0x200  }
0x2f: {  	v0 =	vld [tilespmem:$0x1FF80]  }
0x30: {  	[sflag:s10] =	ssyncset.done $0x0;
	v55 =	vld [tilespmem:$0x1FF90]  }
0x31: {  	v28 =	vld [tilespmem:$0x1FFA0];
	[sflag:s10] =	ssyncadd.s32 $0xFFFFFE00  }
0x32: {  	v7 =	vld [tilespmem:$0x0]  }
0x33: {  	v8 =	vld [tilespmem:$0x10]  }
0x34: {  	v9 =	vld [tilespmem:$0x20]  }
0x35: {  	v11 =	vld [tilespmem:$0x30]  }
0x36: {  	v30 =	vld [tilespmem:$0x70]  }
0x37: {  	v12 =	vld [tilespmem:$0x40]  }
0x38: {  	v13 =	vld [tilespmem:$0x50]  }
0x39: {  	v14 =	vld [tilespmem:$0x60];
	v7 =	vshrl.u32 v7, $0x8  }
0x3a: {  	v16 =	vld [tilespmem:$0x70];
	v8 =	vshrl.u32 v8, $0x8;
	v15 =	vadd.s32 v0, v7  }
0x3b: {  	v17 =	vld [tilespmem:$0x80];
	v40 =	vshrl.u32 v30, $0x8;
	v8 =	vadd.s32 v0, v8;
	[tilespmem:$0x400] =	vst v15  }
0x3c: {  	v44 =	vld [tilespmem:$0x90];
	v9 =	vshrl.u32 v9, $0x8;
	v42 =	vadd.s32 v28, v40;
	[tilespmem:$0x410] =	vst v8  }
0x3d: {  	v46 =	vld [tilespmem:$0xA0];
	v43 =	vshrl.u32 v11, $0x8;
	v8 =	vadd.s32 v0, v9;
	[tilespmem:$0x6B0] =	vst v42  }
0x3e: {  	v48 =	vld [tilespmem:$0xB0];
	v45 =	vshrl.u32 v12, $0x8;
	[tilespmem:$0x420] =	vst v8;
	v8 =	vadd.s32 v0, v43  }
0x3f: {  	v50 =	vld [tilespmem:$0xC0];
	v47 =	vshrl.u32 v13, $0x8;
	[tilespmem:$0x430] =	vst v8;
	v8 =	vadd.s32 v0, v45  }
0x40: {  	v52 =	vld [tilespmem:$0xD0];
	v49 =	vshrl.u32 v14, $0x8;
	[tilespmem:$0x480] =	vst v8;
	v8 =	vadd.s32 v0, v47  }
0x41: {  	v54 =	vld [tilespmem:$0xE0];
	v51 =	vshrl.u32 v16, $0x8;
	[tilespmem:$0x490] =	vst v8;
	v8 =	vadd.s32 v0, v49  }
0x42: {  	v57 =	vld [tilespmem:$0xF0];
	v53 =	vshrl.u32 v17, $0x8;
	[tilespmem:$0x4A0] =	vst v8;
	v8 =	vadd.s32 v0, v51  }
0x43: {  	v59 =	vld [tilespmem:$0x0];
	v56 =	vshrl.u32 v44, $0x8;
	[tilespmem:$0x4B0] =	vst v8;
	v8 =	vadd.s32 v55, v53  }
0x44: {  	v61 =	vld [tilespmem:$0x10];
	v58 =	vshrl.u32 v46, $0x8;
	[tilespmem:$0x500] =	vst v8;
	v8 =	vadd.s32 v55, v56  }
0x45: {  	v63 =	vld [tilespmem:$0x20];
	v60 =	vshrl.u32 v48, $0x8;
	[tilespmem:$0x510] =	vst v8;
	v8 =	vadd.s32 v55, v58  }
0x46: {  	v21 =	vld [tilespmem:$0x30];
	v62 =	vshrl.u32 v50, $0x8;
	[tilespmem:$0x520] =	vst v8;
	v8 =	vadd.s32 v55, v60  }
0x47: {  	v23 =	vld [tilespmem:$0x40];
	v20 =	vshrl.u32 v52, $0x8;
	[tilespmem:$0x530] =	vst v8;
	v8 =	vadd.s32 v55, v62  }
0x48: {  	v25 =	vld [tilespmem:$0x50];
	v22 =	vshrl.u32 v54, $0x8;
	[tilespmem:$0x580] =	vst v8;
	v8 =	vadd.s32 v55, v20  }
0x49: {  	v27 =	vld [tilespmem:$0x60];
	v24 =	vshrl.u32 v57, $0x8;
	[tilespmem:$0x590] =	vst v8;
	v8 =	vadd.s32 v55, v22  }
0x4a: {  	v32 =	vld [tilespmem:$0x80];
	v26 =	vshrl.u32 v59, $0x8;
	[tilespmem:$0x5A0] =	vst v8;
	v8 =	vadd.s32 v55, v24  }
0x4b: {  	v41 =	vld [tilespmem:$0xC0];
	v29 =	vshrl.u32 v61, $0x8;
	[tilespmem:$0x5B0] =	vst v8;
	v8 =	vadd.s32 v28, v26  }
0x4c: {  	v34 =	vld [tilespmem:$0x90];
	v31 =	vshrl.u32 v63, $0x8;
	[tilespmem:$0x600] =	vst v8;
	v8 =	vadd.s32 v28, v29  }
0x4d: {  	v33 =	vshrl.u32 v21, $0x8;
	v44 =	vld [tilespmem:$0x1FFB0];
	[tilespmem:$0x610] =	vst v8;
	v8 =	vadd.s32 v28, v31  }
0x4e: {  	v36 =	vld [tilespmem:$0xA0];
	v35 =	vshrl.u32 v23, $0x8;
	[tilespmem:$0x620] =	vst v8;
	v8 =	vadd.s32 v28, v33  }
0x4f: {  	v38 =	vld [tilespmem:$0xB0];
	v37 =	vshrl.u32 v25, $0x8;
	v39 =	vshrl.u32 v27, $0x8;
	[tilespmem:$0x630] =	vst v8;
	v8 =	vadd.s32 v28, v35  }
0x50: {  	v50 =	vshrl.u32 v41, $0x8;
	v7 =	vand.u32 $0x7, v7;
	[tilespmem:$0x680] =	vst v8;
	v8 =	vadd.s32 v28, v37  }
0x51: {  	v46 =	vld [tilespmem:$0xD0];
	v15 =	vshll.u32 v15, $0x1;
	v43 =	vshrl.u32 v32, $0x8;
	[tilespmem:$0x690] =	vst v8;
	v8 =	vadd.s32 v28, v39  }
0x52: {  	v48 =	vld [tilespmem:$0xE0];
	v15 =	vand.u32 $0x7FFFFFF0, v15;
	v45 =	vshrl.u32 v34, $0x8;
	[tilespmem:$0x6A0] =	vst v8;
	v8 =	vadd.s32 v44, v43  }
0x53: {  	v7 =	vor.u32 v7, v15;
	v47 =	vshrl.u32 v36, $0x8;
	v49 =	vld [tilespmem:$0xF0];
	[tilespmem:$0x700] =	vst v8;
	v8 =	vadd.s32 v44, v45  }
0x54: {  	v52 =	vadd.s32 v44, v50;
	v51 =	vperm.xlane v7, v4;
	[tilespmem:$0x710] =	vst v8;
	v8 =	vshrl.u32 v38, $0x8  }
0x55: {  	v9 =	vadd.s32 v44, v47;
	[tilespmem:$0x780] =	vst v52;
	v8 =	vadd.s32 v44, v8  }
0x56: {  	v7 =	vperm.xlane v7, v6;
	v53 =	vadd.s32 v5, v51;
	[tilespmem:$0x730] =	vst v8;
	v8 =	vshrl.u32 v46, $0x8  }
0x57: {  	v54 =	vshrl.u32 v48, $0x8;
	[tilespmem:$0x720] =	vst v9;
	v8 =	vadd.s32 v44, v8  }
0x58: {  	v7 =	vadd.s32 v5, v7;
	v55 =	vshrl.u32 v49, $0x8;
	[tilespmem:$0x790] =	vst v8;
	v8 =	vadd.s32 v44, v54  }
0x59: {  	[tilespmem:$0x7A0] =	vst v8;
	v8 =	vadd.s32 v44, v55  }
0x5a: {  	[tilespmem:$0x7B0] =	vst v8  }
0x5b: {  	[tilespmem:s13], [sflag:$0x1] =	stream.indirect_vreg.gather [hbm4b:s1+s2], $0x80, v53, vm0, $0xb8;
	[tilespmem:$0x19100] =	vst v63  }
0x5c: {  	_ = 	snop  }
0x5d: {  	[tilespmem:s19], [sflag:$0x1] =	stream.indirect_vreg.gather [hbm4b:s1+s2], $0x80, v7, vm0, $0xb8;
	[tilespmem:$0x19100] =	vst v63  }
0x5e: {  	v7 =	vld [tilespmem:$0x410];
	_ =	sdelay $0x4  }
0x5f: {  	v8 =	vshll.u32 v7, $0x1  }
0x60: {  	v7 =	vand.u32 $0x7, v7;
	v8 =	vand.u32 $0xFFFFFFF0, v8  }
0x61: {  	v7 =	vor.u32 v7, v8  }
0x62: {  	v8 =	vperm.xlane v7, v4;
	_ =	sdelay $0x1  }
0x63: {  	v7 =	vperm.xlane v7, v6;
	v8 =	vadd.s32 v5, v8;
	_ =	sdelay $0x1  }
0x64: {  	v7 =	vadd.s32 v5, v7;
	_ =	sdelay $0x2  }
0x65: {  	[tilespmem:s20], [sflag:$0x1] =	stream.indirect_vreg.gather [hbm4b:s1+s2], $0x80, v8, vm0, $0xb8;
	[tilespmem:$0x19100] =	vst v63  }
0x66: {  	_ = 	snop  }
0x67: {  	[tilespmem:s22], [sflag:$0x1] =	stream.indirect_vreg.gather [hbm4b:s1+s2], $0x80, v7, vm0, $0xb8;
	[tilespmem:$0x19100] =	vst v63  }
0x68: {  	v7 =	vld [tilespmem:$0x420];
	_ =	sdelay $0x4  }
0x69: {  	v8 =	vshll.u32 v7, $0x1  }
0x6a: {  	v7 =	vand.u32 $0x7, v7;
	v8 =	vand.u32 $0xFFFFFFF0, v8  }
0x6b: {  	v7 =	vor.u32 v7, v8  }
0x6c: {  	v8 =	vperm.xlane v7, v4;
	_ =	sdelay $0x1  }
0x6d: {  	v7 =	vperm.xlane v7, v6;
	v8 =	vadd.s32 v5, v8;
	_ =	sdelay $0x1  }
0x6e: {  	v7 =	vadd.s32 v5, v7;
	_ =	sdelay $0x2  }
0x6f: {  	[tilespmem:s23], [sflag:$0x1] =	stream.indirect_vreg.gather [hbm4b:s1+s2], $0x80, v8, vm0, $0xb8;
	[tilespmem:$0x19100] =	vst v63  }
0x70: {  	_ = 	snop  }
0x71: {  	[tilespmem:s24], [sflag:$0x1] =	stream.indirect_vreg.gather [hbm4b:s1+s2], $0x80, v7, vm0, $0xb8;
	[tilespmem:$0x19100] =	vst v63  }
0x72: {  	v7 =	vld [tilespmem:$0x430];
	_ =	sdelay $0x4  }
0x73: {  	v8 =	vshll.u32 v7, $0x1  }
0x74: {  	v7 =	vand.u32 $0x7, v7;
	v8 =	vand.u32 $0xFFFFFFF0, v8  }
0x75: {  	v7 =	vor.u32 v7, v8  }
0x76: {  	v8 =	vperm.xlane v7, v4;
	_ =	sdelay $0x1  }
0x77: {  	v7 =	vperm.xlane v7, v6;
	v8 =	vadd.s32 v5, v8;
	_ =	sdelay $0x1  }
0x78: {  	v7 =	vadd.s32 v5, v7;
	_ =	sdelay $0x2  }
0x79: {  	[tilespmem:s25], [sflag:$0x1] =	stream.indirect_vreg.gather [hbm4b:s1+s2], $0x80, v8, vm0, $0xb8;
	[tilespmem:$0x19100] =	vst v63  }
0x7a: {  	_ = 	snop  }
0x7b: {  	[tilespmem:s26], [sflag:$0x1] =	stream.indirect_vreg.gather [hbm4b:s1+s2], $0x80, v7, vm0, $0xb8;
	[tilespmem:$0x19100] =	vst v63  }
0x7c: {  	v7 =	vld [tilespmem:$0x480];
	_ =	sdelay $0x4  }
0x7d: {  	v8 =	vshll.u32 v7, $0x1  }
0x7e: {  	v7 =	vand.u32 $0x7, v7;
	v8 =	vand.u32 $0xFFFFFFF0, v8  }
0x7f: {  	v7 =	vor.u32 v7, v8  }
0x80: {  	v8 =	vperm.xlane v7, v4;
	_ =	sdelay $0x1  }
0x81: {  	v7 =	vperm.xlane v7, v6;
	v8 =	vadd.s32 v5, v8;
	_ =	sdelay $0x1  }
0x82: {  	v7 =	vadd.s32 v5, v7;
	_ =	sdelay $0x2  }
0x83: {  	[tilespmem:s21], [sflag:$0x2] =	stream.indirect_vreg.gather [hbm4b:s1+s2], $0x80, v8, vm0, $0xb8;
	[tilespmem:$0x19100] =	vst v63  }
0x84: {  	_ = 	snop  }
0x85: {  	[tilespmem:s28], [sflag:$0x2] =	stream.indirect_vreg.gather [hbm4b:s1+s2], $0x80, v7, vm0, $0xb8;
	[tilespmem:$0x19100] =	vst v63  }
0x86: {  	v7 =	vld [tilespmem:$0x490];
	_ =	sdelay $0x4  }
0x87: {  	v8 =	vshll.u32 v7, $0x1  }
0x88: {  	v7 =	vand.u32 $0x7, v7;
	v8 =	vand.u32 $0xFFFFFFF0, v8  }
0x89: {  	v7 =	vor.u32 v7, v8  }
0x8a: {  	v8 =	vperm.xlane v7, v4;
	_ =	sdelay $0x1  }
0x8b: {  	v7 =	vperm.xlane v7, v6;
	v8 =	vadd.s32 v5, v8;
	_ =	sdelay $0x1  }
0x8c: {  	v7 =	vadd.s32 v5, v7;
	_ =	sdelay $0x2  }
0x8d: {  	[tilespmem:s29], [sflag:$0x2] =	stream.indirect_vreg.gather [hbm4b:s1+s2], $0x80, v8, vm0, $0xb8;
	[tilespmem:$0x19100] =	vst v63  }
0x8e: {  	s18 =	simm.s32 $0x6000  }
0x8f: {  	[tilespmem:s18], [sflag:$0x2] =	stream.indirect_vreg.gather [hbm4b:s1+s2], $0x80, v7, vm0, $0xb8;
	[tilespmem:$0x19100] =	vst v63  }
0x90: {  	v7 =	vld [tilespmem:$0x4A0];
	_ =	sdelay $0x4  }
0x91: {  	v8 =	vshll.u32 v7, $0x1  }
0x92: {  	v7 =	vand.u32 $0x7, v7;
	v8 =	vand.u32 $0xFFFFFFF0, v8  }
0x93: {  	v7 =	vor.u32 v7, v8  }
0x94: {  	v8 =	vperm.xlane v7, v4;
	_ =	sdelay $0x1  }
0x95: {  	v7 =	vperm.xlane v7, v6;
	v8 =	vadd.s32 v5, v8;
	_ =	sdelay $0x1  }
0x96: {  	v7 =	vadd.s32 v5, v7;
	_ =	sdelay $0x1  }
0x97: {  	s17 =	simm.s32 $0x6800  }
0x98: {  	[tilespmem:s17], [sflag:$0x2] =	stream.indirect_vreg.gather [hbm4b:s1+s2], $0x80, v8, vm0, $0xb8;
	[tilespmem:$0x19100] =	vst v63  }
0x99: {  	_ = 	snop  }
0x9a: {  	[tilespmem:s12], [sflag:$0x2] =	stream.indirect_vreg.gather [hbm4b:s1+s2], $0x80, v7, vm0, $0xb8;
	[tilespmem:$0x19100] =	vst v63  }
0x9b: {  	v7 =	vld [tilespmem:$0x4B0];
	_ =	sdelay $0x4  }
0x9c: {  	v8 =	vshll.u32 v7, $0x1  }
0x9d: {  	v7 =	vand.u32 $0x7, v7;
	v8 =	vand.u32 $0xFFFFFFF0, v8  }
0x9e: {  	v7 =	vor.u32 v7, v8  }
0x9f: {  	v8 =	vperm.xlane v7, v4;
	_ =	sdelay $0x1  }
0xa0: {  	v7 =	vperm.xlane v7, v6;
	v8 =	vadd.s32 v5, v8;
	_ =	sdelay $0x1  }
0xa1: {  	v7 =	vadd.s32 v5, v7;
	_ =	sdelay $0x1  }
0xa2: {  	s3 =	simm.s32 $0x7800  }
0xa3: {  	[tilespmem:s3], [sflag:$0x2] =	stream.indirect_vreg.gather [hbm4b:s1+s2], $0x80, v8, vm0, $0xb8;
	[tilespmem:$0x19100] =	vst v63  }
0xa4: {  	_ = 	snop  }
0xa5: {  	[tilespmem:s4], [sflag:$0x2] =	stream.indirect_vreg.gather [hbm4b:s1+s2], $0x80, v7, vm0, $0xb8;
	[tilespmem:$0x19100] =	vst v63  }
0xa6: {  	v7 =	vld [tilespmem:$0x500];
	_ =	sdelay $0x4  }
0xa7: {  	v8 =	vshll.u32 v7, $0x1  }
0xa8: {  	v7 =	vand.u32 $0x7, v7;
	v8 =	vand.u32 $0xFFFFFFF0, v8  }
0xa9: {  	v7 =	vor.u32 v7, v8  }
0xaa: {  	v8 =	vperm.xlane v7, v4;
	_ =	sdelay $0x1  }
0xab: {  	v7 =	vperm.xlane v7, v6;
	v8 =	vadd.s32 v5, v8;
	_ =	sdelay $0x1  }
0xac: {  	v7 =	vadd.s32 v5, v7;
	_ =	sdelay $0x2  }
0xad: {  	[tilespmem:s30], [sflag:$0x3] =	stream.indirect_vreg.gather [hbm4b:s1+s2], $0x80, v8, vm0, $0xb8;
	[tilespmem:$0x19100] =	vst v63  }
0xae: {  	s5 =	simm.s32 $0x9000  }
0xaf: {  	[tilespmem:s5], [sflag:$0x3] =	stream.indirect_vreg.gather [hbm4b:s1+s2], $0x80, v7, vm0, $0xb8;
	[tilespmem:$0x19100] =	vst v63  }
0xb0: {  	v7 =	vld [tilespmem:$0x510];
	_ =	sdelay $0x4  }
0xb1: {  	v8 =	vshll.u32 v7, $0x1  }
0xb2: {  	v7 =	vand.u32 $0x7, v7;
	v8 =	vand.u32 $0xFFFFFFF0, v8  }
0xb3: {  	v7 =	vor.u32 v7, v8  }
0xb4: {  	v8 =	vperm.xlane v7, v4;
	_ =	sdelay $0x1  }
0xb5: {  	v7 =	vperm.xlane v7, v6;
	v8 =	vadd.s32 v5, v8;
	_ =	sdelay $0x1  }
0xb6: {  	v7 =	vadd.s32 v5, v7;
	_ =	sdelay $0x1  }
0xb7: {  	s5 =	simm.s32 $0x9800  }
0xb8: {  	[tilespmem:s5], [sflag:$0x3] =	stream.indirect_vreg.gather [hbm4b:s1+s2], $0x80, v8, vm0, $0xb8;
	[tilespmem:$0x19100] =	vst v63  }
0xb9: {  	s5 =	simm.s32 $0xA000  }
0xba: {  	[tilespmem:s5], [sflag:$0x3] =	stream.indirect_vreg.gather [hbm4b:s1+s2], $0x80, v7, vm0, $0xb8;
	[tilespmem:$0x19100] =	vst v63  }
0xbb: {  	v7 =	vld [tilespmem:$0x520];
	_ =	sdelay $0x4  }
0xbc: {  	v8 =	vshll.u32 v7, $0x1  }
0xbd: {  	v7 =	vand.u32 $0x7, v7;
	v8 =	vand.u32 $0xFFFFFFF0, v8  }
0xbe: {  	v7 =	vor.u32 v7, v8  }
0xbf: {  	v8 =	vperm.xlane v7, v4;
	_ =	sdelay $0x1  }
0xc0: {  	v7 =	vperm.xlane v7, v6;
	v8 =	vadd.s32 v5, v8;
	_ =	sdelay $0x1  }
0xc1: {  	v7 =	vadd.s32 v5, v7;
	_ =	sdelay $0x1  }
0xc2: {  	s5 =	simm.s32 $0xA800  }
0xc3: {  	[tilespmem:s5], [sflag:$0x3] =	stream.indirect_vreg.gather [hbm4b:s1+s2], $0x80, v8, vm0, $0xb8;
	[tilespmem:$0x19100] =	vst v63  }
0xc4: {  	s5 =	simm.s32 $0xB000  }
0xc5: {  	[tilespmem:s5], [sflag:$0x3] =	stream.indirect_vreg.gather [hbm4b:s1+s2], $0x80, v7, vm0, $0xb8;
	[tilespmem:$0x19100] =	vst v63  }
0xc6: {  	v7 =	vld [tilespmem:$0x530];
	_ =	sdelay $0x4  }
0xc7: {  	v8 =	vshll.u32 v7, $0x1  }
0xc8: {  	v7 =	vand.u32 $0x7, v7;
	v8 =	vand.u32 $0xFFFFFFF0, v8  }
0xc9: {  	v7 =	vor.u32 v7, v8  }
0xca: {  	v8 =	vperm.xlane v7, v4;
	_ =	sdelay $0x1  }
0xcb: {  	v7 =	vperm.xlane v7, v6;
	v8 =	vadd.s32 v5, v8;
	_ =	sdelay $0x1  }
0xcc: {  	v7 =	vadd.s32 v5, v7;
	_ =	sdelay $0x1  }
0xcd: {  	s5 =	simm.s32 $0xB800  }
0xce: {  	[tilespmem:s5], [sflag:$0x3] =	stream.indirect_vreg.gather [hbm4b:s1+s2], $0x80, v8, vm0, $0xb8;
	[tilespmem:$0x19100] =	vst v63  }
0xcf: {  	s5 =	simm.s32 $0xC000  }
0xd0: {  	[tilespmem:s5], [sflag:$0x3] =	stream.indirect_vreg.gather [hbm4b:s1+s2], $0x80, v7, vm0, $0xb8;
	[tilespmem:$0x19100] =	vst v63  }
0xd1: {  	v7 =	vld [tilespmem:$0x580];
	_ =	sdelay $0x4  }
0xd2: {  	v8 =	vshll.u32 v7, $0x1  }
0xd3: {  	v7 =	vand.u32 $0x7, v7;
	v8 =	vand.u32 $0xFFFFFFF0, v8  }
0xd4: {  	v7 =	vor.u32 v7, v8  }
0xd5: {  	v8 =	vperm.xlane v7, v4;
	_ =	sdelay $0x1  }
0xd6: {  	v7 =	vperm.xlane v7, v6;
	v8 =	vadd.s32 v5, v8;
	_ =	sdelay $0x1  }
0xd7: {  	v7 =	vadd.s32 v5, v7;
	_ =	sdelay $0x2  }
0xd8: {  	[tilespmem:s0], [sflag:$0x4] =	stream.indirect_vreg.gather [hbm4b:s1+s2], $0x80, v8, vm0, $0xb8;
	[tilespmem:$0x19100] =	vst v63  }
0xd9: {  	s5 =	simm.s32 $0xD000  }
0xda: {  	[tilespmem:s5], [sflag:$0x4] =	stream.indirect_vreg.gather [hbm4b:s1+s2], $0x80, v7, vm0, $0xb8;
	[tilespmem:$0x19100] =	vst v63  }
0xdb: {  	v7 =	vld [tilespmem:$0x590];
	_ =	sdelay $0x4  }
0xdc: {  	v8 =	vshll.u32 v7, $0x1  }
0xdd: {  	v7 =	vand.u32 $0x7, v7;
	v8 =	vand.u32 $0xFFFFFFF0, v8  }
0xde: {  	v7 =	vor.u32 v7, v8  }
0xdf: {  	v8 =	vperm.xlane v7, v4;
	_ =	sdelay $0x1  }
0xe0: {  	v7 =	vperm.xlane v7, v6;
	v8 =	vadd.s32 v5, v8;
	_ =	sdelay $0x1  }
0xe1: {  	v7 =	vadd.s32 v5, v7;
	_ =	sdelay $0x1  }
0xe2: {  	s5 =	simm.s32 $0xD800  }
0xe3: {  	[tilespmem:s5], [sflag:$0x4] =	stream.indirect_vreg.gather [hbm4b:s1+s2], $0x80, v8, vm0, $0xb8;
	[tilespmem:$0x19100] =	vst v63  }
0xe4: {  	s5 =	simm.s32 $0xE000  }
0xe5: {  	[tilespmem:s5], [sflag:$0x4] =	stream.indirect_vreg.gather [hbm4b:s1+s2], $0x80, v7, vm0, $0xb8;
	[tilespmem:$0x19100] =	vst v63  }
0xe6: {  	v7 =	vld [tilespmem:$0x5A0];
	_ =	sdelay $0x4  }
0xe7: {  	v8 =	vshll.u32 v7, $0x1  }
0xe8: {  	v7 =	vand.u32 $0x7, v7;
	v8 =	vand.u32 $0xFFFFFFF0, v8  }
0xe9: {  	v7 =	vor.u32 v7, v8  }
0xea: {  	v8 =	vperm.xlane v7, v4;
	_ =	sdelay $0x1  }
0xeb: {  	v7 =	vperm.xlane v7, v6;
	v8 =	vadd.s32 v5, v8;
	_ =	sdelay $0x1  }
0xec: {  	v7 =	vadd.s32 v5, v7;
	_ =	sdelay $0x1  }
0xed: {  	s5 =	simm.s32 $0xE800  }
0xee: {  	[tilespmem:s5], [sflag:$0x4] =	stream.indirect_vreg.gather [hbm4b:s1+s2], $0x80, v8, vm0, $0xb8;
	[tilespmem:$0x19100] =	vst v63  }
0xef: {  	s5 =	simm.s32 $0xF000  }
0xf0: {  	[tilespmem:s5], [sflag:$0x4] =	stream.indirect_vreg.gather [hbm4b:s1+s2], $0x80, v7, vm0, $0xb8;
	[tilespmem:$0x19100] =	vst v63  }
0xf1: {  	v7 =	vld [tilespmem:$0x5B0];
	_ =	sdelay $0x4  }
0xf2: {  	v8 =	vshll.u32 v7, $0x1  }
0xf3: {  	v7 =	vand.u32 $0x7, v7;
	v8 =	vand.u32 $0xFFFFFFF0, v8  }
0xf4: {  	v7 =	vor.u32 v7, v8  }
0xf5: {  	v8 =	vperm.xlane v7, v4;
	_ =	sdelay $0x1  }
0xf6: {  	v7 =	vperm.xlane v7, v6;
	v8 =	vadd.s32 v5, v8;
	_ =	sdelay $0x1  }
0xf7: {  	v7 =	vadd.s32 v5, v7;
	_ =	sdelay $0x1  }
0xf8: {  	s5 =	simm.s32 $0xF800  }
0xf9: {  	[tilespmem:s5], [sflag:$0x4] =	stream.indirect_vreg.gather [hbm4b:s1+s2], $0x80, v8, vm0, $0xb8;
	[tilespmem:$0x19100] =	vst v63  }
0xfa: {  	s5 =	simm.s32 $0x10000  }
0xfb: {  	[tilespmem:s5], [sflag:$0x4] =	stream.indirect_vreg.gather [hbm4b:s1+s2], $0x80, v7, vm0, $0xb8;
	[tilespmem:$0x19100] =	vst v63  }
0xfc: {  	v7 =	vld [tilespmem:$0x600];
	_ =	sdelay $0x4  }
0xfd: {  	v8 =	vshll.u32 v7, $0x1  }
0xfe: {  	v7 =	vand.u32 $0x7, v7;
	v8 =	vand.u32 $0xFFFFFFF0, v8  }
0xff: {  	v7 =	vor.u32 v7, v8  }
0x100: {  	v8 =	vperm.xlane v7, v4;
	_ =	sdelay $0x1  }
0x101: {  	v7 =	vperm.xlane v7, v6;
	v8 =	vadd.s32 v5, v8;
	_ =	sdelay $0x1  }
0x102: {  	v7 =	vadd.s32 v5, v7;
	_ =	sdelay $0x2  }
0x103: {  	[tilespmem:s11], [sflag:$0x5] =	stream.indirect_vreg.gather [hbm4b:s1+s2], $0x80, v8, vm0, $0xb8;
	[tilespmem:$0x19100] =	vst v63  }
0x104: {  	s5 =	simm.s32 $0x11000  }
0x105: {  	[tilespmem:s5], [sflag:$0x5] =	stream.indirect_vreg.gather [hbm4b:s1+s2], $0x80, v7, vm0, $0xb8;
	[tilespmem:$0x19100] =	vst v63  }
0x106: {  	v7 =	vld [tilespmem:$0x610];
	_ =	sdelay $0x4  }
0x107: {  	v8 =	vshll.u32 v7, $0x1  }
0x108: {  	v7 =	vand.u32 $0x7, v7;
	v8 =	vand.u32 $0xFFFFFFF0, v8  }
0x109: {  	v7 =	vor.u32 v7, v8  }
0x10a: {  	v8 =	vperm.xlane v7, v4;
	_ =	sdelay $0x1  }
0x10b: {  	v7 =	vperm.xlane v7, v6;
	v8 =	vadd.s32 v5, v8;
	_ =	sdelay $0x1  }
0x10c: {  	v7 =	vadd.s32 v5, v7;
	_ =	sdelay $0x1  }
0x10d: {  	s5 =	simm.s32 $0x11800  }
0x10e: {  	[tilespmem:s5], [sflag:$0x5] =	stream.indirect_vreg.gather [hbm4b:s1+s2], $0x80, v8, vm0, $0xb8;
	[tilespmem:$0x19100] =	vst v63  }
0x10f: {  	s5 =	simm.s32 $0x12000  }
0x110: {  	[tilespmem:s5], [sflag:$0x5] =	stream.indirect_vreg.gather [hbm4b:s1+s2], $0x80, v7, vm0, $0xb8;
	[tilespmem:$0x19100] =	vst v63  }
0x111: {  	v7 =	vld [tilespmem:$0x620];
	_ =	sdelay $0x4  }
0x112: {  	v8 =	vshll.u32 v7, $0x1  }
0x113: {  	v7 =	vand.u32 $0x7, v7;
	v8 =	vand.u32 $0xFFFFFFF0, v8  }
0x114: {  	v7 =	vor.u32 v7, v8  }
0x115: {  	v8 =	vperm.xlane v7, v4;
	_ =	sdelay $0x1  }
0x116: {  	v7 =	vperm.xlane v7, v6;
	v8 =	vadd.s32 v5, v8;
	_ =	sdelay $0x1  }
0x117: {  	v7 =	vadd.s32 v5, v7;
	_ =	sdelay $0x1  }
0x118: {  	s5 =	simm.s32 $0x12800  }
0x119: {  	[tilespmem:s5], [sflag:$0x5] =	stream.indirect_vreg.gather [hbm4b:s1+s2], $0x80, v8, vm0, $0xb8;
	[tilespmem:$0x19100] =	vst v63  }
0x11a: {  	s5 =	simm.s32 $0x13000  }
0x11b: {  	[tilespmem:s5], [sflag:$0x5] =	stream.indirect_vreg.gather [hbm4b:s1+s2], $0x80, v7, vm0, $0xb8;
	[tilespmem:$0x19100] =	vst v63  }
0x11c: {  	v7 =	vld [tilespmem:$0x630];
	_ =	sdelay $0x4  }
0x11d: {  	v8 =	vshll.u32 v7, $0x1  }
0x11e: {  	v7 =	vand.u32 $0x7, v7;
	v8 =	vand.u32 $0xFFFFFFF0, v8  }
0x11f: {  	v7 =	vor.u32 v7, v8  }
0x120: {  	v8 =	vperm.xlane v7, v4;
	_ =	sdelay $0x1  }
0x121: {  	v7 =	vperm.xlane v7, v6;
	v8 =	vadd.s32 v5, v8;
	_ =	sdelay $0x1  }
0x122: {  	v7 =	vadd.s32 v5, v7;
	_ =	sdelay $0x1  }
0x123: {  	s5 =	simm.s32 $0x13800  }
0x124: {  	[tilespmem:s5], [sflag:$0x5] =	stream.indirect_vreg.gather [hbm4b:s1+s2], $0x80, v8, vm0, $0xb8;
	[tilespmem:$0x19100] =	vst v63  }
0x125: {  	s5 =	simm.s32 $0x14000  }
0x126: {  	[tilespmem:s5], [sflag:$0x5] =	stream.indirect_vreg.gather [hbm4b:s1+s2], $0x80, v7, vm0, $0xb8;
	[tilespmem:$0x19100] =	vst v63  }
0x127: {  	v7 =	vld [tilespmem:$0x680];
	_ =	sdelay $0x4  }
0x128: {  	v8 =	vshll.u32 v7, $0x1  }
0x129: {  	v7 =	vand.u32 $0x7, v7;
	v8 =	vand.u32 $0xFFFFFFF0, v8  }
0x12a: {  	v7 =	vor.u32 v7, v8  }
0x12b: {  	v8 =	vperm.xlane v7, v4;
	_ =	sdelay $0x1  }
0x12c: {  	v7 =	vperm.xlane v7, v6;
	v8 =	vadd.s32 v5, v8;
	_ =	sdelay $0x1  }
0x12d: {  	v7 =	vadd.s32 v5, v7;
	_ =	sdelay $0x2  }
0x12e: {  	[tilespmem:s8], [sflag:$0x6] =	stream.indirect_vreg.gather [hbm4b:s1+s2], $0x80, v8, vm0, $0xb8;
	[tilespmem:$0x19100] =	vst v63  }
0x12f: {  	s5 =	simm.s32 $0x15000  }
0x130: {  	[tilespmem:s5], [sflag:$0x6] =	stream.indirect_vreg.gather [hbm4b:s1+s2], $0x80, v7, vm0, $0xb8;
	[tilespmem:$0x19100] =	vst v63  }
0x131: {  	v7 =	vld [tilespmem:$0x690];
	_ =	sdelay $0x4  }
0x132: {  	v8 =	vshll.u32 v7, $0x1  }
0x133: {  	v7 =	vand.u32 $0x7, v7;
	v8 =	vand.u32 $0xFFFFFFF0, v8  }
0x134: {  	v7 =	vor.u32 v7, v8  }
0x135: {  	v8 =	vperm.xlane v7, v4;
	_ =	sdelay $0x1  }
0x136: {  	v7 =	vperm.xlane v7, v6;
	v8 =	vadd.s32 v5, v8;
	_ =	sdelay $0x1  }
0x137: {  	v7 =	vadd.s32 v5, v7;
	_ =	sdelay $0x1  }
0x138: {  	s5 =	simm.s32 $0x15800  }
0x139: {  	[tilespmem:s5], [sflag:$0x6] =	stream.indirect_vreg.gather [hbm4b:s1+s2], $0x80, v8, vm0, $0xb8;
	[tilespmem:$0x19100] =	vst v63  }
0x13a: {  	s5 =	simm.s32 $0x16000  }
0x13b: {  	[tilespmem:s5], [sflag:$0x6] =	stream.indirect_vreg.gather [hbm4b:s1+s2], $0x80, v7, vm0, $0xb8;
	[tilespmem:$0x19100] =	vst v63  }
0x13c: {  	v7 =	vld [tilespmem:$0x6A0];
	_ =	sdelay $0x4  }
0x13d: {  	v8 =	vshll.u32 v7, $0x1  }
0x13e: {  	v7 =	vand.u32 $0x7, v7;
	v8 =	vand.u32 $0xFFFFFFF0, v8  }
0x13f: {  	v7 =	vor.u32 v7, v8  }
0x140: {  	v8 =	vperm.xlane v7, v4;
	_ =	sdelay $0x1  }
0x141: {  	v7 =	vperm.xlane v7, v6;
	v8 =	vadd.s32 v5, v8;
	_ =	sdelay $0x1  }
0x142: {  	v7 =	vadd.s32 v5, v7;
	_ =	sdelay $0x1  }
0x143: {  	s5 =	simm.s32 $0x16800  }
0x144: {  	[tilespmem:s5], [sflag:$0x6] =	stream.indirect_vreg.gather [hbm4b:s1+s2], $0x80, v8, vm0, $0xb8;
	[tilespmem:$0x19100] =	vst v63  }
0x145: {  	s5 =	simm.s32 $0x17000  }
0x146: {  	[tilespmem:s5], [sflag:$0x6] =	stream.indirect_vreg.gather [hbm4b:s1+s2], $0x80, v7, vm0, $0xb8;
	[tilespmem:$0x19100] =	vst v63  }
0x147: {  	v7 =	vld [tilespmem:$0x6B0];
	_ =	sdelay $0x4  }
0x148: {  	v8 =	vshll.u32 v7, $0x1  }
0x149: {  	v7 =	vand.u32 $0x7, v7;
	v8 =	vand.u32 $0xFFFFFFF0, v8  }
0x14a: {  	v7 =	vor.u32 v7, v8  }
0x14b: {  	v8 =	vperm.xlane v7, v4;
	_ =	sdelay $0x1  }
0x14c: {  	v7 =	vperm.xlane v7, v6;
	v8 =	vadd.s32 v5, v8;
	_ =	sdelay $0x1  }
0x14d: {  	v7 =	vadd.s32 v5, v7;
	_ =	sdelay $0x1  }
0x14e: {  	s5 =	simm.s32 $0x17800  }
0x14f: {  	[tilespmem:s5], [sflag:$0x6] =	stream.indirect_vreg.gather [hbm4b:s1+s2], $0x80, v8, vm0, $0xb8;
	[tilespmem:$0x19100] =	vst v63  }
0x150: {  	s5 =	simm.s32 $0x18000  }
0x151: {  	[tilespmem:s5], [sflag:$0x6] =	stream.indirect_vreg.gather [hbm4b:s1+s2], $0x80, v7, vm0, $0xb8;
	[tilespmem:$0x19100] =	vst v63  }
0x152: {  	_ =	swait.ge [sflag:s31], $0x4000  }
0x153: {  	[sflag:s31] =	ssyncset.done $0x0  }
0x154: {  	[sflag:s31] =	ssyncadd.s32 $0xFFFFC000  }
0x155: {  	v7 =	vld [tilespmem:$0x0];
	_ =	sdelay $0x1  }
0x156: {  	v8 =	vld [tilespmem:$0x10]  }
0x157: {  	v3 =	vld [tilespmem:$0x1FFC0];
	_ =	sdelay $0x1  }
0x158: {  	v14 =	vld [tilespmem:$0x1FFD0];
	v56 =	vshll.u32 v7, $0x3  }
0x159: {  	v57 =	vld [tilespmem:$0x20];
	v7 =	vand.u32 $0x7F, v7;
	v9 =	vand.u32 $0x400, v56  }
0x15a: {  	v15 =	vld [tilespmem:$0x1FFE0];
	v58 =	vshll.u32 v8, $0x3;
	v7 =	vor.u32 v9, v7  }
0x15b: {  	v59 =	vld [tilespmem:$0x30];
	v8 =	vand.u32 $0x7F, v8;
	v9 =	vand.u32 $0x400, v58;
	v7 =	vor.u32 v3, v7  }
0x15c: {  	v60 =	vld [tilespmem:$0x700];
	v8 =	vor.u32 v9, v8  }
0x15d: {  	v8 =	vor.u32 v14, v8  }
0x15e: {  	v16 =	vld [tilespmem:$0x1FFF0];
	v61 =	vshll.u32 v57, $0x3  }
0x15f: {  	v11 =	vand.u32 $0x7F, v57;
	v13 =	vand.u32 $0x400, v61  }
0x160: {  	v62 =	vshll.u32 v59, $0x3;
	v12 =	vand.u32 $0x7F, v59;
	v21 =	vld.idx.msk [tilespmem:v7+s13+$0x0], $0xffff;
	v7 =	vor.u32 v13, v11  }
0x161: {  	v27 =	vld [tilespmem:$0x100];
	v63 =	vshll.u32 v60, $0x1;
	v11 =	vand.u32 $0x400, v62;
	v7 =	vor.u32 v15, v7  }
0x162: {  	v0 =	vand.u32 $0xFFFFFFF0, v63;
	v9 =	vand.u32 $0x7, v60;
	v26 =	vld.idx.msk [tilespmem:v8+s13+$0x0], $0xffff;
	v8 =	vor.u32 v11, v12  }
0x163: {  	v22 =	vld [tilespmem:$0x200];
	v9 =	vor.u32 v9, v0;
	v8 =	vor.u32 v16, v8  }
0x164: {  	v30 =	vld [tilespmem:$0x110];
	v11 =	vperm.xlane v9, v4  }
0x165: {  	v29 =	vld [tilespmem:$0x210]  }
0x166: {  	v9 =	vperm.xlane v9, v6;
	v23 =	vld.idx.msk [tilespmem:v7+s13+$0x0], $0xffff;
	v7 =	vadd.s32 v5, v11  }
0x167: {  	v28 =	vld [tilespmem:$0x120]  }
0x168: {  	v19 =	vld.idx.msk [tilespmem:v8+s13+$0x0], $0xffff;
	v8 =	vadd.s32 v5, v9  }
0x169: {  	v24 =	vld [tilespmem:$0x220]  }
0x16a: {  	v25 =	vld [tilespmem:$0x130]  }
0x16b: {  	v20 =	vld [tilespmem:$0x230];
	[tilespmem:s13], [sflag:$0x1] =	stream.indirect_vreg.gather [hbm4b:s1+s2], $0x80, v7, vm0, $0xb8  }
0x16c: {  	_ = 	snop  }
0x16d: {  	[tilespmem:s19], [sflag:$0x1] =	stream.indirect_vreg.gather [hbm4b:s1+s2], $0x80, v8, vm0, $0xb8;
	[tilespmem:$0x19100] =	vst v63  }
0x16e: {  	v7 =	vld [tilespmem:$0x710];
	_ =	sdelay $0x4  }
0x16f: {  	v8 =	vshll.u32 v7, $0x1  }
0x170: {  	v7 =	vand.u32 $0x7, v7;
	v8 =	vand.u32 $0xFFFFFFF0, v8  }
0x171: {  	v7 =	vor.u32 v7, v8  }
0x172: {  	v8 =	vperm.xlane v7, v4;
	_ =	sdelay $0x1  }
0x173: {  	v7 =	vperm.xlane v7, v6;
	v8 =	vadd.s32 v5, v8;
	_ =	sdelay $0x1  }
0x174: {  	v7 =	vadd.s32 v5, v7;
	_ =	sdelay $0x2  }
0x175: {  	[tilespmem:s20], [sflag:$0x1] =	stream.indirect_vreg.gather [hbm4b:s1+s2], $0x80, v8, vm0, $0xb8;
	[tilespmem:$0x19100] =	vst v63  }
0x176: {  	_ = 	snop  }
0x177: {  	[tilespmem:s22], [sflag:$0x1] =	stream.indirect_vreg.gather [hbm4b:s1+s2], $0x80, v7, vm0, $0xb8;
	[tilespmem:$0x19100] =	vst v63  }
0x178: {  	v7 =	vld [tilespmem:$0x720];
	_ =	sdelay $0x4  }
0x179: {  	v8 =	vshll.u32 v7, $0x1  }
0x17a: {  	v7 =	vand.u32 $0x7, v7;
	v8 =	vand.u32 $0xFFFFFFF0, v8  }
0x17b: {  	v7 =	vor.u32 v7, v8  }
0x17c: {  	v8 =	vperm.xlane v7, v4;
	_ =	sdelay $0x1  }
0x17d: {  	v7 =	vperm.xlane v7, v6;
	v8 =	vadd.s32 v5, v8;
	_ =	sdelay $0x1  }
0x17e: {  	v7 =	vadd.s32 v5, v7;
	_ =	sdelay $0x2  }
0x17f: {  	[tilespmem:s23], [sflag:$0x1] =	stream.indirect_vreg.gather [hbm4b:s1+s2], $0x80, v8, vm0, $0xb8;
	[tilespmem:$0x19100] =	vst v63  }
0x180: {  	_ = 	snop  }
0x181: {  	[tilespmem:s24], [sflag:$0x1] =	stream.indirect_vreg.gather [hbm4b:s1+s2], $0x80, v7, vm0, $0xb8;
	[tilespmem:$0x19100] =	vst v63  }
0x182: {  	v7 =	vld [tilespmem:$0x730];
	_ =	sdelay $0x4  }
0x183: {  	v8 =	vshll.u32 v7, $0x1  }
0x184: {  	v7 =	vand.u32 $0x7, v7;
	v8 =	vand.u32 $0xFFFFFFF0, v8  }
0x185: {  	v7 =	vor.u32 v7, v8  }
0x186: {  	v8 =	vperm.xlane v7, v4;
	_ =	sdelay $0x1  }
0x187: {  	v7 =	vperm.xlane v7, v6;
	v8 =	vadd.s32 v5, v8;
	_ =	sdelay $0x1  }
0x188: {  	v7 =	vadd.s32 v5, v7;
	_ =	sdelay $0x2  }
0x189: {  	[tilespmem:s25], [sflag:$0x1] =	stream.indirect_vreg.gather [hbm4b:s1+s2], $0x80, v8, vm0, $0xb8;
	[tilespmem:$0x19100] =	vst v63  }
0x18a: {  	_ = 	snop  }
0x18b: {  	[tilespmem:s26], [sflag:$0x1] =	stream.indirect_vreg.gather [hbm4b:s1+s2], $0x80, v7, vm0, $0xb8;
	[tilespmem:$0x19100] =	vst v63  }
0x18c: {  	_ =	swait.ge [sflag:s7], $0x4000  }
0x18d: {  	[sflag:s7] =	ssyncset.done $0x0  }
0x18e: {  	[sflag:s7] =	ssyncadd.s32 $0xFFFFC000  }
0x18f: {  	v7 =	vld [tilespmem:$0x40];
	_ =	sdelay $0x1  }
0x190: {  	v8 =	vld [tilespmem:$0x50];
	_ =	sdelay $0x2  }
0x191: {  	v1 =	vshll.u32 v7, $0x3  }
0x192: {  	v2 =	vld [tilespmem:$0x60];
	v7 =	vand.u32 $0x7F, v7;
	v9 =	vand.u32 $0x400, v1  }
0x193: {  	v17 =	vshll.u32 v8, $0x3;
	v7 =	vor.u32 v9, v7  }
0x194: {  	v18 =	vld [tilespmem:$0x70];
	v8 =	vand.u32 $0x7F, v8;
	v9 =	vand.u32 $0x400, v17;
	v7 =	vor.u32 v3, v7  }
0x195: {  	v42 =	vld [tilespmem:$0x780];
	v8 =	vor.u32 v9, v8  }
0x196: {  	v8 =	vor.u32 v14, v8  }
0x197: {  	v43 =	vshll.u32 v2, $0x3  }
0x198: {  	v11 =	vand.u32 $0x7F, v2;
	v13 =	vand.u32 $0x400, v43  }
0x199: {  	v44 =	vshll.u32 v18, $0x3;
	v12 =	vand.u32 $0x7F, v18;
	v31 =	vld.idx.msk [tilespmem:v7+s21+$0x0], $0xffff;
	v7 =	vor.u32 v13, v11  }
0x19a: {  	v39 =	vld [tilespmem:$0x140];
	v45 =	vshll.u32 v42, $0x1;
	v11 =	vand.u32 $0x400, v44;
	v7 =	vor.u32 v15, v7  }
0x19b: {  	v46 =	vand.u32 $0xFFFFFFF0, v45;
	v9 =	vand.u32 $0x7, v42;
	v37 =	vld.idx.msk [tilespmem:v8+s21+$0x0], $0xffff;
	v8 =	vor.u32 v11, v12  }
0x19c: {  	v33 =	vld [tilespmem:$0x240];
	v9 =	vor.u32 v9, v46;
	v8 =	vor.u32 v16, v8  }
0x19d: {  	v38 =	vld [tilespmem:$0x250];
	v11 =	vperm.xlane v9, v4  }
0x19e: {  	v40 =	vld [tilespmem:$0x160]  }
0x19f: {  	v9 =	vperm.xlane v9, v6;
	v32 =	vld.idx.msk [tilespmem:v7+s21+$0x0], $0xffff;
	v7 =	vadd.s32 v5, v11  }
0x1a0: {  	v34 =	vld [tilespmem:$0x260]  }
0x1a1: {  	v35 =	vld.idx.msk [tilespmem:v8+s21+$0x0], $0xffff;
	v8 =	vadd.s32 v5, v9  }
0x1a2: {  	v41 =	vld [tilespmem:$0x170]  }
0x1a3: {  	v36 =	vld [tilespmem:$0x270]  }
0x1a4: {  	v42 =	vld [tilespmem:$0x150];
	[tilespmem:s21], [sflag:$0x2] =	stream.indirect_vreg.gather [hbm4b:s1+s2], $0x80, v7, vm0, $0xb8  }
0x1a5: {  	_ = 	snop  }
0x1a6: {  	[tilespmem:s28], [sflag:$0x2] =	stream.indirect_vreg.gather [hbm4b:s1+s2], $0x80, v8, vm0, $0xb8;
	[tilespmem:$0x19100] =	vst v63  }
0x1a7: {  	v7 =	vld [tilespmem:$0x790];
	_ =	sdelay $0x4  }
0x1a8: {  	v8 =	vshll.u32 v7, $0x1  }
0x1a9: {  	v7 =	vand.u32 $0x7, v7;
	v8 =	vand.u32 $0xFFFFFFF0, v8  }
0x1aa: {  	v7 =	vor.u32 v7, v8  }
0x1ab: {  	v8 =	vperm.xlane v7, v4;
	_ =	sdelay $0x1  }
0x1ac: {  	v7 =	vperm.xlane v7, v6;
	v8 =	vadd.s32 v5, v8;
	_ =	sdelay $0x1  }
0x1ad: {  	v7 =	vadd.s32 v5, v7;
	_ =	sdelay $0x2  }
0x1ae: {  	[tilespmem:s29], [sflag:$0x2] =	stream.indirect_vreg.gather [hbm4b:s1+s2], $0x80, v8, vm0, $0xb8;
	[tilespmem:$0x19100] =	vst v63  }
0x1af: {  	_ = 	snop  }
0x1b0: {  	[tilespmem:s18], [sflag:$0x2] =	stream.indirect_vreg.gather [hbm4b:s1+s2], $0x80, v7, vm0, $0xb8;
	[tilespmem:$0x19100] =	vst v63  }
0x1b1: {  	v7 =	vld [tilespmem:$0x7A0];
	_ =	sdelay $0x4  }
0x1b2: {  	v8 =	vshll.u32 v7, $0x1  }
0x1b3: {  	v7 =	vand.u32 $0x7, v7;
	v8 =	vand.u32 $0xFFFFFFF0, v8  }
0x1b4: {  	v7 =	vor.u32 v7, v8  }
0x1b5: {  	v8 =	vperm.xlane v7, v4;
	_ =	sdelay $0x1  }
0x1b6: {  	v7 =	vperm.xlane v7, v6;
	v8 =	vadd.s32 v5, v8;
	_ =	sdelay $0x1  }
0x1b7: {  	v7 =	vadd.s32 v5, v7;
	_ =	sdelay $0x2  }
0x1b8: {  	[tilespmem:s17], [sflag:$0x2] =	stream.indirect_vreg.gather [hbm4b:s1+s2], $0x80, v8, vm0, $0xb8;
	[tilespmem:$0x19100] =	vst v63  }
0x1b9: {  	_ = 	snop  }
0x1ba: {  	[tilespmem:s12], [sflag:$0x2] =	stream.indirect_vreg.gather [hbm4b:s1+s2], $0x80, v7, vm0, $0xb8;
	[tilespmem:$0x19100] =	vst v63  }
0x1bb: {  	v7 =	vld [tilespmem:$0x7B0];
	_ =	sdelay $0x4  }
0x1bc: {  	v8 =	vshll.u32 v7, $0x1  }
0x1bd: {  	v7 =	vand.u32 $0x7, v7;
	v8 =	vand.u32 $0xFFFFFFF0, v8  }
0x1be: {  	v7 =	vor.u32 v7, v8  }
0x1bf: {  	v8 =	vperm.xlane v7, v4;
	_ =	sdelay $0x1  }
0x1c0: {  	v7 =	vperm.xlane v7, v6;
	v8 =	vadd.s32 v5, v8;
	_ =	sdelay $0x1  }
0x1c1: {  	v7 =	vadd.s32 v5, v7;
	_ =	sdelay $0x2  }
0x1c2: {  	[tilespmem:s3], [sflag:$0x2] =	stream.indirect_vreg.gather [hbm4b:s1+s2], $0x80, v8, vm0, $0xb8;
	[tilespmem:$0x19100] =	vst v63  }
0x1c3: {  	s17 =	simm.s32 $0x3  }
0x1c4: {  	[tilespmem:s4], [sflag:$0x2] =	stream.indirect_vreg.gather [hbm4b:s1+s2], $0x80, v7, vm0, $0xb8;
	[tilespmem:$0x19100] =	vst v63  }
0x1c5: {  	_ =	swait.ge [sflag:s17], $0x4000  }
0x1c6: {  	[sflag:s17] =	ssyncset.done $0x0  }
0x1c7: {  	[sflag:s17] =	ssyncadd.s32 $0xFFFFC000  }
0x1c8: {  	v7 =	vld [tilespmem:$0x80];
	_ =	sdelay $0x2  }
0x1c9: {  	v8 =	vld [tilespmem:$0x90];
	_ =	sdelay $0x1  }
0x1ca: {  	v47 =	vshll.u32 v7, $0x3  }
0x1cb: {  	v48 =	vld [tilespmem:$0xA0];
	v7 =	vand.u32 $0x7F, v7;
	v9 =	vand.u32 $0x400, v47  }
0x1cc: {  	v7 =	vor.u32 v9, v7  }
0x1cd: {  	v18 =	vor.u32 v3, v7;
	v7 =	vshll.u32 v8, $0x3  }
0x1ce: {  	v49 =	vld [tilespmem:$0xB0];
	v8 =	vand.u32 $0x7F, v8;
	v7 =	vand.u32 $0x400, v7  }
0x1cf: {  	v7 =	vor.u32 v7, v8  }
0x1d0: {  	v59 =	vld [tilespmem:$0x300];
	v13 =	vor.u32 v14, v7;
	v7 =	vshll.u32 v48, $0x3  }
0x1d1: {  	v62 =	vld [tilespmem:$0x310];
	v8 =	vand.u32 $0x7F, v48;
	v7 =	vand.u32 $0x400, v7  }
0x1d2: {  	v63 =	vld [tilespmem:$0x1A0];
	v7 =	vor.u32 v7, v8  }
0x1d3: {  	v54 =	vld [tilespmem:$0x320];
	v50 =	vor.u32 v15, v7;
	v7 =	vshll.u32 v49, $0x3  }
0x1d4: {  	v57 =	vld [tilespmem:$0x1B0];
	v9 =	vand.u32 $0x7F, v49;
	v7 =	vand.u32 $0x400, v7  }
0x1d5: {  	v56 =	vld.idx.msk [tilespmem:v18+s30+$0x0], $0xffff;
	v7 =	vor.u32 v7, v9  }
0x1d6: {  	v8 =	vld [tilespmem:$0x180];
	v1 =	vor.u32 v16, v7  }
0x1d7: {  	v49 =	vld [tilespmem:$0x330]  }
0x1d8: {  	v61 =	vld.idx.msk [tilespmem:v13+s30+$0x0], $0xffff  }
0x1d9: {  	[tilespmem:$0x1FF50] =	vst v50;
	v9 =	vld [tilespmem:$0x190]  }
0x1da: {  	s18 =	simm.s32 $0x4;
	[tilespmem:$0x1FF60] =	vst v1;
	v53 =	vld.idx.msk [tilespmem:v50+s30+$0x0], $0xffff  }
0x1db: {  	v48 =	vld.idx.msk [tilespmem:v1+s30+$0x0], $0xffff;
	_ =	swait.ge [sflag:s18], $0x4000  }
0x1dc: {  	[sflag:s18] =	ssyncset.done $0x0  }
0x1dd: {  	[sflag:s18] =	ssyncadd.s32 $0xFFFFC000  }
0x1de: {  	v7 =	vld [tilespmem:$0xC0];
	_ =	sdelay $0x2  }
0x1df: {  	v51 =	vld [tilespmem:$0xD0];
	_ =	sdelay $0x1  }
0x1e0: {  	v52 =	vshll.u32 v7, $0x3  }
0x1e1: {  	v43 =	vld [tilespmem:$0xE0];
	v7 =	vand.u32 $0x7F, v7;
	v12 =	vand.u32 $0x400, v52  }
0x1e2: {  	v7 =	vor.u32 v12, v7  }
0x1e3: {  	v17 =	vor.u32 v3, v7;
	v7 =	vshll.u32 v51, $0x3  }
0x1e4: {  	v55 =	vld [tilespmem:$0xF0];
	v11 =	vand.u32 $0x7F, v51;
	v7 =	vand.u32 $0x400, v7  }
0x1e5: {  	v7 =	vor.u32 v7, v11  }
0x1e6: {  	v60 =	vld [tilespmem:$0x1C0];
	v58 =	vor.u32 v14, v7;
	v7 =	vshll.u32 v43, $0x3  }
0x1e7: {  	v45 =	vld [tilespmem:$0x360];
	v2 =	vand.u32 $0x7F, v43;
	v7 =	vand.u32 $0x400, v7  }
0x1e8: {  	v46 =	vld [tilespmem:$0x1F0];
	v7 =	vor.u32 v7, v2  }
0x1e9: {  	v44 =	vld [tilespmem:$0x370];
	v11 =	vor.u32 v15, v7;
	v7 =	vshll.u32 v55, $0x3  }
0x1ea: {  	v52 =	vld [tilespmem:$0x1E0];
	v12 =	vand.u32 $0x7F, v55;
	v7 =	vand.u32 $0x400, v7  }
0x1eb: {  	v51 =	vld [tilespmem:$0x340];
	v12 =	vor.u32 v7, v12  }
0x1ec: {  	v50 =	vld.idx.msk [tilespmem:v17+s0+$0x0], $0xffff;
	v12 =	vor.u32 v16, v12  }
0x1ed: {  	v55 =	vld.idx.msk [tilespmem:v58+s0+$0x0], $0xffff  }
0x1ee: {  	v7 =	vld [tilespmem:$0x1D0]  }
0x1ef: {  	[tilespmem:$0x1FF70] =	vst v58;
	v58 =	vld [tilespmem:$0x350]  }
0x1f0: {  	s5 =	simm.s32 $0x5;
	v47 =	vld.idx.msk [tilespmem:v11+s0+$0x0], $0xffff  }
0x1f1: {  	v43 =	vld.idx.msk [tilespmem:v12+s0+$0x0], $0xffff;
	_ =	swait.ge [sflag:s5], $0x4000  }
0x1f2: {  	v27 =	vcvt.s32.f32 v27;
	[sflag:s5] =	ssyncset.done $0x0  }
0x1f3: {  	[sflag:s5] =	ssyncadd.s32 $0xFFFFC000  }
0x1f4: {  	v22 =	vmul.f32 v27, v22;
	v21 =	vmul.f32 v27, v21;
	v10 =	vld [tilespmem:$0x0]  }
0x1f5: {  	v0 =	vld [tilespmem:$0x10]  }
0x1f6: {  	v30 =	vcvt.s32.f32 v30;
	v28 =	vcvt.s32.f32 v28;
	v21 =	vsub.f32 v21, v22  }
0x1f7: {  	v2 =	vld [tilespmem:$0x20]  }
0x1f8: {  	v24 =	vmul.f32 v28, v24;
	v26 =	vmul.f32 v30, v26;
	v21 =	vand.u32 $0x7FFFFFFF, v21  }
0x1f9: {  	v22 =	vmul.f32 v28, v23;
	v1 =	vshll.u32 v10, $0x3;
	v10 =	vand.u32 $0x7F, v10  }
0x1fa: {  	v27 =	vshll.u32 v0, $0x3;
	v0 =	vand.u32 $0x7F, v0;
	v1 =	vand.u32 $0x400, v1  }
0x1fb: {  	v27 =	vand.u32 $0x400, v27;
	v1 =	vor.u32 v1, v10;
	v10 =	vmul.f32 v30, v29;
	v29 =	vld [tilespmem:$0x30]  }
0x1fc: {  	v0 =	vor.u32 v27, v0;
	v30 =	vshll.u32 v2, $0x3;
	v1 =	vor.u32 v3, v1  }
0x1fd: {  	v0 =	vor.u32 v14, v0;
	v10 =	vsub.f32 v26, v10;
	v26 =	vcvt.s32.f32 v25  }
0x1fe: {  	v39 =	vcvt.s32.f32 v39;
	v2 =	vand.u32 $0x7F, v2;
	v23 =	vand.u32 $0x400, v30  }
0x1ff: {  	v23 =	vor.u32 v23, v2;
	v19 =	vmul.f32 v26, v19;
	v20 =	vmul.f32 v26, v20  }
0x200: {  	v28 =	vld [tilespmem:$0x280];
	v10 =	vand.u32 $0x7FFFFFFF, v10;
	v2 =	vshll.u32 v29, $0x3;
	v30 =	vand.u32 $0x7F, v29  }
0x201: {  	v10 =	vadd.f32 v10, v21;
	v25 =	vld.idx.msk [tilespmem:v1+s11+$0x0], $0xffff;
	v1 =	vor.u32 v15, v23;
	v2 =	vand.u32 $0x400, v2  }
0x202: {  	v26 =	vld.idx.msk [tilespmem:v0+s11+$0x0], $0xffff;
	v0 =	vsub.f32 v22, v24;
	v24 =	vcvt.s32.f32 v42;
	v19 =	vsub.f32 v19, v20  }
0x203: {  	v27 =	vld [tilespmem:$0x100];
	v20 =	vmul.f32 v39, v31;
	v39 =	vmul.f32 v39, v33;
	v2 =	vor.u32 v2, v30  }
0x204: {  	v29 =	vld [tilespmem:$0x110];
	v2 =	vor.u32 v16, v2;
	v42 =	vmul.f32 v24, v37;
	v24 =	vmul.f32 v24, v38  }
0x205: {  	v31 =	vld [tilespmem:$0x120];
	v0 =	vand.u32 $0x7FFFFFFF, v0;
	v37 =	vcvt.s32.f32 v40;
	v38 =	vcvt.s32.f32 v41  }
0x206: {  	v33 =	vld [tilespmem:$0x2A0];
	v19 =	vand.u32 $0x7FFFFFFF, v19;
	v20 =	vsub.f32 v20, v39;
	v0 =	vadd.f32 v0, v10  }
0x207: {  	v30 =	vld [tilespmem:$0x290];
	v10 =	vsub.f32 v42, v24;
	v40 =	vmul.f32 v38, v35;
	v21 =	vmul.f32 v38, v36  }
0x208: {  	v39 =	vmul.f32 v37, v32;
	v20 =	vand.u32 $0x7FFFFFFF, v20;
	v32 =	vld [tilespmem:$0x130];
	v0 =	vadd.f32 v19, v0  }
0x209: {  	v22 =	vmul.f32 v37, v34;
	v1 =	vld.idx.msk [tilespmem:v1+s11+$0x0], $0xffff;
	v19 =	vcvt.s32.f32 v9;
	v41 =	vsub.f32 v40, v21  }
0x20a: {  	s17 =	simm.s32 $0x6;
	v21 =	vcvt.s32.f32 v63;
	v2 =	vld.idx.msk [tilespmem:v2+s11+$0x0], $0xffff;
	v0 =	vadd.f32 v20, v0;
	v20 =	vcvt.s32.f32 v8  }
0x20b: {  	v22 =	vsub.f32 v39, v22;
	v8 =	vld [tilespmem:$0x2B0];
	_ =	swait.ge [sflag:s17], $0x4000;
	v61 =	vmul.f32 v19, v61;
	v62 =	vmul.f32 v19, v62  }
0x20c: {  	v10 =	vand.u32 $0x7FFFFFFF, v10;
	[sflag:s17] =	ssyncset.done $0x0;
	v38 =	vmul.f32 v21, v53;
	v39 =	vmul.f32 v21, v54  }
0x20d: {  	v0 =	vadd.f32 v10, v0;
	v42 =	vmul.f32 v20, v56;
	v56 =	vand.u32 $0x7FFFFFFF, v22;
	[sflag:s17] =	ssyncadd.s32 $0xFFFFC000  }
0x20e: {  	v59 =	vmul.f32 v20, v59;
	v37 =	vsub.f32 v61, v62;
	v22 =	vcvt.s32.f32 v57;
	v63 =	vld [tilespmem:$0x40]  }
0x20f: {  	v9 =	vand.u32 $0x7FFFFFFF, v41;
	v40 =	vld [tilespmem:$0x50];
	v41 =	vsub.f32 v38, v39;
	v0 =	vadd.f32 v56, v0  }
0x210: {  	v54 =	vld [tilespmem:$0x60];
	v10 =	vsub.f32 v42, v59;
	v42 =	vmul.f32 v22, v48;
	v53 =	vmul.f32 v22, v49  }
0x211: {  	v56 =	vand.u32 $0x7FFFFFFF, v41;
	v0 =	vadd.f32 v9, v0  }
0x212: {  	v10 =	vand.u32 $0x7FFFFFFF, v10;
	v9 =	vand.u32 $0x7FFFFFFF, v37;
	v23 =	vsub.f32 v42, v53  }
0x213: {  	v0 =	vadd.f32 v10, v0;
	v48 =	vshll.u32 v63, $0x3;
	v34 =	vand.u32 $0x7F, v63  }
0x214: {  	v59 =	vshll.u32 v40, $0x3;
	v61 =	vand.u32 $0x7F, v40;
	v36 =	vand.u32 $0x7FFFFFFF, v23  }
0x215: {  	v63 =	vld [tilespmem:$0x70];
	v23 =	vcvt.s32.f32 v7;
	v7 =	vshll.u32 v54, $0x3;
	v37 =	vand.u32 $0x7F, v54  }
0x216: {  	v24 =	vand.u32 $0x400, v48;
	v62 =	vand.u32 $0x400, v59;
	v7 =	vand.u32 $0x400, v7  }
0x217: {  	v40 =	vld [tilespmem:$0x140];
	v0 =	vadd.f32 v9, v0;
	v57 =	vor.u32 v24, v34;
	v24 =	vcvt.s32.f32 v60  }
0x218: {  	v59 =	vld [tilespmem:$0x2C0];
	v9 =	vor.u32 v62, v61;
	v55 =	vmul.f32 v23, v55;
	v7 =	vor.u32 v7, v37  }
0x219: {  	v62 =	vld [tilespmem:$0x150];
	v10 =	vor.u32 v3, v57;
	v9 =	vor.u32 v14, v9;
	v57 =	vor.u32 v15, v7  }
0x21a: {  	v14 =	vld [tilespmem:$0x2D0];
	v0 =	vadd.f32 v56, v0;
	v56 =	vmul.f32 v23, v58;
	v58 =	vshll.u32 v63, $0x3  }
0x21b: {  	v7 =	vcvt.s32.f32 v52;
	v52 =	vld [tilespmem:$0x2E0];
	v35 =	vand.u32 $0x7F, v63;
	v42 =	vand.u32 $0x400, v58  }
0x21c: {  	v54 =	vmul.f32 v24, v51;
	v51 =	vld [tilespmem:$0x160];
	v35 =	vor.u32 v42, v35  }
0x21d: {  	v60 =	vsub.f32 v55, v56;
	v55 =	vld [tilespmem:$0x170];
	v35 =	vor.u32 v16, v35  }
0x21e: {  	v56 =	vld [tilespmem:$0x2F0]  }
0x21f: {  	v53 =	vmul.f32 v24, v50;
	v10 =	vld.idx.msk [tilespmem:v10+s8+$0x0], $0xffff  }
0x220: {  	v9 =	vld.idx.msk [tilespmem:v9+s8+$0x0], $0xffff  }
0x221: {  	v61 =	vmul.f32 v7, v47;
	v34 =	vsub.f32 v53, v54;
	v47 =	vld.idx.msk [tilespmem:v57+s8+$0x0], $0xffff  }
0x222: {  	v63 =	vmul.f32 v7, v45;
	v0 =	vadd.f32 v36, v0;
	v35 =	vld.idx.msk [tilespmem:v35+s8+$0x0], $0xffff;
	_ =	swait.ge [sflag:s31], $0x4000  }
0x223: {  	v42 =	vcvt.s32.f32 v46;
	v34 =	vand.u32 $0x7FFFFFFF, v34;
	v3 =	vld [tilespmem:$0x1FF50]  }
0x224: {  	v27 =	vcvt.s32.f32 v27;
	v37 =	vsub.f32 v61, v63;
	v0 =	vadd.f32 v34, v0  }
0x225: {  	v46 =	vand.u32 $0x7FFFFFFF, v60;
	v49 =	vmul.f32 v42, v43;
	v50 =	vmul.f32 v42, v44  }
0x226: {  	v29 =	vcvt.s32.f32 v29;
	v25 =	vmul.f32 v27, v25;
	v0 =	vadd.f32 v46, v0  }
0x227: {  	v27 =	vmul.f32 v27, v28;
	v37 =	vand.u32 $0x7FFFFFFF, v37;
	v53 =	vsub.f32 v49, v50  }
0x228: {  	v26 =	vmul.f32 v29, v26;
	v29 =	vmul.f32 v29, v30;
	v0 =	vadd.f32 v37, v0  }
0x229: {  	v25 =	vsub.f32 v25, v27;
	v54 =	vcvt.s32.f32 v31;
	v34 =	vand.u32 $0x7FFFFFFF, v53;
	[sflag:s31] =	ssyncset.done $0x0  }
0x22a: {  	v26 =	vsub.f32 v26, v29;
	v57 =	vcvt.s32.f32 v32;
	v0 =	vadd.f32 v34, v0;
	[sflag:s31] =	ssyncadd.s32 $0xFFFFC000  }
0x22b: {  	v25 =	vand.u32 $0x7FFFFFFF, v25;
	v1 =	vmul.f32 v54, v1;
	v27 =	vmul.f32 v54, v33;
	v32 =	vld.idx.msk [tilespmem:v3+s13+$0x0], $0xffff  }
0x22c: {  	v2 =	vmul.f32 v57, v2;
	v8 =	vmul.f32 v57, v8;
	v0 =	vadd.f32 v25, v0;
	v3 =	vld [tilespmem:$0x1FF60]  }
0x22d: {  	v26 =	vand.u32 $0x7FFFFFFF, v26;
	v58 =	vcvt.s32.f32 v40;
	v1 =	vsub.f32 v1, v27  }
0x22e: {  	v2 =	vsub.f32 v2, v8;
	v8 =	vcvt.s32.f32 v62;
	v18 =	vld.idx.msk [tilespmem:v18+s13+$0x0], $0xffff;
	v0 =	vadd.f32 v26, v0  }
0x22f: {  	v1 =	vand.u32 $0x7FFFFFFF, v1;
	v10 =	vmul.f32 v58, v10;
	v60 =	vld.idx.msk [tilespmem:v13+s13+$0x0], $0xffff;
	v25 =	vmul.f32 v58, v59  }
0x230: {  	v62 =	vcvt.s32.f32 v51;
	v9 =	vmul.f32 v8, v9;
	v63 =	vld [tilespmem:$0x390];
	v0 =	vadd.f32 v1, v0  }
0x231: {  	v8 =	vmul.f32 v8, v14;
	v2 =	vand.u32 $0x7FFFFFFF, v2;
	v34 =	vld [tilespmem:$0x3A0];
	v61 =	vsub.f32 v10, v25  }
0x232: {  	v36 =	vcvt.s32.f32 v55;
	v33 =	vmul.f32 v62, v47;
	v59 =	vld [tilespmem:$0x380];
	v0 =	vadd.f32 v2, v0  }
0x233: {  	v8 =	vsub.f32 v9, v8;
	v39 =	vld [tilespmem:$0x3B0];
	v10 =	vmul.f32 v62, v52;
	v1 =	vand.u32 $0x7FFFFFFF, v61  }
0x234: {  	v9 =	vmul.f32 v36, v56;
	v40 =	vmul.f32 v36, v35;
	v0 =	vadd.f32 v1, v0;
	v37 =	vld.idx.msk [tilespmem:v3+s13+$0x0], $0xffff;
	_ =	swait.ge [sflag:s7], $0x4000  }
0x235: {  	v8 =	vand.u32 $0x7FFFFFFF, v8;
	v38 =	vsub.f32 v33, v10;
	v3 =	vld [tilespmem:$0x1FF70]  }
0x236: {  	v9 =	vsub.f32 v40, v9;
	v0 =	vadd.f32 v8, v0  }
0x237: {  	v41 =	vmul.f32 v20, v59;
	v1 =	vand.u32 $0x7FFFFFFF, v38;
	v8 =	vmul.f32 v20, v18;
	[sflag:s7] =	ssyncset.done $0x0  }
0x238: {  	v44 =	vmul.f32 v19, v60;
	v0 =	vadd.f32 v1, v0;
	[sflag:s7] =	ssyncadd.s32 $0xFFFFC000  }
0x239: {  	v45 =	vmul.f32 v19, v63;
	v9 =	vand.u32 $0x7FFFFFFF, v9;
	v43 =	vsub.f32 v8, v41;
	v8 =	vld.idx.msk [tilespmem:v17+s21+$0x0], $0xffff  }
0x23a: {  	v48 =	vmul.f32 v21, v34;
	v47 =	vmul.f32 v21, v32;
	v0 =	vadd.f32 v9, v0;
	v46 =	vld [tilespmem:$0x3C0]  }
0x23b: {  	v10 =	vsub.f32 v44, v45;
	v1 =	vand.u32 $0x7FFFFFFF, v43;
	v50 =	vld [tilespmem:$0x3D0]  }
0x23c: {  	v51 =	vsub.f32 v47, v48;
	v0 =	vadd.f32 v1, v0;
	v11 =	vld.idx.msk [tilespmem:v11+s21+$0x0], $0xffff  }
0x23d: {  	v2 =	vmul.f32 v22, v39;
	v52 =	vand.u32 $0x7FFFFFFF, v10;
	v53 =	vmul.f32 v22, v37;
	v49 =	vld.idx.msk [tilespmem:v3+s21+$0x0], $0xffff  }
0x23e: {  	v1 =	vand.u32 $0x7FFFFFFF, v51;
	v54 =	vld [tilespmem:$0x3E0];
	v0 =	vadd.f32 v52, v0  }
0x23f: {  	v2 =	vsub.f32 v53, v2;
	v8 =	vmul.f32 v24, v8;
	v55 =	vmul.f32 v24, v46  }
0x240: {  	v12 =	vld.idx.msk [tilespmem:v12+s21+$0x0], $0xffff;
	v0 =	vadd.f32 v1, v0  }
0x241: {  	v58 =	vld [tilespmem:$0x3F0];
	v2 =	vand.u32 $0x7FFFFFFF, v2;
	v8 =	vsub.f32 v8, v55  }
0x242: {  	v57 =	vmul.f32 v23, v50;
	v0 =	vadd.f32 v2, v0;
	v56 =	vmul.f32 v23, v49  }
0x243: {  	v59 =	vand.u32 $0x7FFFFFFF, v8;
	v8 =	vmul.f32 v7, v11;
	v7 =	vmul.f32 v7, v54  }
0x244: {  	v1 =	vsub.f32 v56, v57  }
0x245: {  	v0 =	vadd.f32 v59, v0;
	v60 =	vsub.f32 v8, v7  }
0x246: {  	v7 =	vmul.f32 v42, v12;
	v8 =	vmul.f32 v42, v58;
	v1 =	vand.u32 $0x7FFFFFFF, v1  }
0x247: {  	v0 =	vadd.f32 v1, v0  }
0x248: {  	v61 =	vand.u32 $0x7FFFFFFF, v60;
	v62 =	vsub.f32 v7, v8  }
0x249: {  	v0 =	vadd.f32 v61, v0  }
0x24a: {  	v63 =	vand.u32 $0x7FFFFFFF, v62  }
0x24b: {  	v0 =	vadd.f32 v63, v0;
	_ =	sdelay $0x1  }
0x24c: {  	s18 =	simm.s32 $0x18800;
	[tilespmem:$0x18800] =	vst v0  }
0x24d: {  	[hbm4b:s6+s2] =	stream.linear.scatter [tilespmem:s18], [sflag:$0x7], $0x80, $0x38;
	[tilespmem:$0x19100] =	vst v63  }
.Ltmp2:
0x24e: {  	_ =	swait.ge [sflag:s10], $0x80;
	(pc) =	sbr.rel @p0 .LBB2_3-.Ltmp2, $3  }
0x24f: {  	[sflag:s10] =	ssyncset.done $0x0  }
0x250: {  	[sflag:s10] =	ssyncadd.s32 $0xFFFFFF80  }
0x251: {  	[bflag:$0x0] =	sbarrier.arrive $0xFFFF;
	_ =	sdelay $0x1  }
0x252: {  	s17 =	rddreg [dreg:$0x6];
	s3 =	simm.s32 $0x18880  }
0x253: {  	[tilespmem:s3], [sflag:$0x7] =	stream.linear.gather [hbm4b:s17+s2], $0x800, $0x38;
	[tilespmem:$0x19100] =	vst v63  }
0x254: {  	_ =	swait.ge [sflag:s10], $0x800  }
0x255: {  	[sflag:s10] =	ssyncset.done $0x0  }
0x256: {  	[sflag:s10] =	ssyncadd.s32 $0xFFFFF800  }
0x257: {  	v0 =	vld [tilespmem:$0x18880]  }
0x258: {  	v1 =	vld [tilespmem:$0x18900];
	_ =	sdelay $0x1  }
0x259: {  	v2 =	vld [tilespmem:$0x18980];
	_ =	sdelay $0x1  }
0x25a: {  	v7 =	vld [tilespmem:$0x18A00]  }
0x25b: {  	v0 =	vadd.f32 v1, v0  }
0x25c: {  	v55 =	vld [tilespmem:$0x18A80]  }
0x25d: {  	v0 =	vadd.f32 v2, v0  }
0x25e: {  	v56 =	vld [tilespmem:$0x18B00]  }
0x25f: {  	v0 =	vadd.f32 v7, v0  }
0x260: {  	v7 =	vld [tilespmem:$0x18B80]  }
0x261: {  	v0 =	vadd.f32 v55, v0  }
0x262: {  	v57 =	vld [tilespmem:$0x18C00]  }
0x263: {  	v0 =	vadd.f32 v56, v0  }
0x264: {  	v58 =	vld [tilespmem:$0x18C80]  }
0x265: {  	v0 =	vadd.f32 v7, v0  }
0x266: {  	v7 =	vld [tilespmem:$0x18D00]  }
0x267: {  	v0 =	vadd.f32 v57, v0  }
0x268: {  	v59 =	vld [tilespmem:$0x18D80]  }
0x269: {  	v0 =	vadd.f32 v58, v0  }
0x26a: {  	v60 =	vld [tilespmem:$0x18E00]  }
0x26b: {  	v0 =	vadd.f32 v7, v0  }
0x26c: {  	v7 =	vld [tilespmem:$0x18E80]  }
0x26d: {  	v0 =	vadd.f32 v59, v0  }
0x26e: {  	v61 =	vld [tilespmem:$0x18F00]  }
0x26f: {  	v0 =	vadd.f32 v60, v0  }
0x270: {  	v62 =	vld [tilespmem:$0x18F80]  }
0x271: {  	v0 =	vadd.f32 v7, v0  }
0x272: {  	v7 =	vld [tilespmem:$0x19000]  }
0x273: {  	v0 =	vadd.f32 v61, v0;
	_ =	sdelay $0x1  }
0x274: {  	v0 =	vadd.f32 v62, v0;
	_ =	sdelay $0x1  }
0x275: {  	v0 =	vadd.f32 v7, v0;
	_ =	sdelay $0x1  }
0x276: {  	(v2sf) =	vpush v0, $0x0  }
0x277: {  	(v2sf) =	vpush v0, $0x1;
	_ =	sdelay $0x1  }
0x278: {  	(v2sf) =	vpush v0, $0x2;
	_ =	sdelay $0x1  }
0x279: {  	(v2sf) =	vpush v0, $0x3;
	_ =	sdelay $0x1  }
0x27a: {  	(v2sf) =	vpush v0, $0x4;
	_ =	sdelay $0x1  }
0x27b: {  	(v2sf) =	vpush v0, $0x5;
	_ =	sdelay $0x1  }
0x27c: {  	(v2sf) =	vpush v0, $0x6;
	_ =	sdelay $0x1  }
0x27d: {  	(v2sf) =	vpush v0, $0x7;
	_ =	sdelay $0x1  }
0x27e: {  	s5 =	spop (v2sf);
	(v2sf) =	vpush v0, $0x8  }
0x27f: {  	s3 =	spop (v2sf)  }
0x280: {  	s18 =	smov.u32 s6;
	(v2sf) =	vpush v0, $0x9;
	s6 =	sadd.f32 s3, s5  }
0x281: {  	s5 =	spop (v2sf)  }
0x282: {  	(v2sf) =	vpush v0, $0xA;
	s6 =	sadd.f32 s6, s5  }
0x283: {  	s3 =	spop (v2sf)  }
0x284: {  	(v2sf) =	vpush v0, $0xB;
	s6 =	sadd.f32 s6, s3  }
0x285: {  	s5 =	spop (v2sf)  }
0x286: {  	(v2sf) =	vpush v0, $0xC;
	s6 =	sadd.f32 s6, s5  }
0x287: {  	s3 =	spop (v2sf)  }
0x288: {  	(v2sf) =	vpush v0, $0xD;
	s6 =	sadd.f32 s6, s3  }
0x289: {  	s5 =	spop (v2sf)  }
0x28a: {  	(v2sf) =	vpush v0, $0xE;
	s6 =	sadd.f32 s6, s5  }
0x28b: {  	s3 =	spop (v2sf)  }
0x28c: {  	(v2sf) =	vpush v0, $0xF;
	s6 =	sadd.f32 s6, s3  }
0x28d: {  	s5 =	spop (v2sf)  }
0x28e: {  	s6 =	sadd.f32 s6, s5  }
0x28f: {  	s3 =	spop (v2sf)  }
0x290: {  	s6 =	sadd.f32 s6, s3  }
0x291: {  	s5 =	spop (v2sf)  }
0x292: {  	s6 =	sadd.f32 s6, s5  }
0x293: {  	s3 =	spop (v2sf)  }
0x294: {  	s6 =	sadd.f32 s6, s3  }
0x295: {  	s5 =	spop (v2sf)  }
0x296: {  	s6 =	sadd.f32 s6, s5  }
0x297: {  	s3 =	spop (v2sf)  }
0x298: {  	s6 =	sadd.f32 s6, s3  }
0x299: {  	s5 =	spop (v2sf)  }
0x29a: {  	s6 =	sadd.f32 s6, s5  }
0x29b: {  	s3 =	spop (v2sf)  }
0x29c: {  	s6 =	sadd.f32 s6, s3;
	_ =	sdelay $0x1  }
0x29d: {  	s6 =	smul.f32 $6.103515630e-05, s6;
	_ =	sdelay $0x1  }
0x29e: {  	s17 =	smov.u32 s16;
	s5 =	rddreg [dreg:$0x7];
	v63 =	vmov s6  }
.Ltmp3:
0x29f: {  	s6 =	smov.u32 s18;
	s18 =	simm.s32 $0x19080;
	[tilespmem:$0x19080] =	vst v63;
	(pc) =	sbr.rel .LBB2_3-.Ltmp3, $4  }
0x2a0: {  	[hbm4b:s5+s2] =	stream.linear.scatter [tilespmem:s18], [sflag:$0x7], $0x80, $0x38;
	[tilespmem:$0x19100] =	vst v63  }
0x2a1: {  	s16 =	smov.u32 s15;
	s15 =	smov.u32 s14;
	_ =	swait.ge [sflag:s10], $0x80  }
0x2a2: {  	s14 =	smov.u32 s15;
	[sflag:s10] =	ssyncset.done $0x0  }
0x2a3: {  	s15 =	smov.u32 s16;
	s16 =	smov.u32 s17;
	[sflag:s10] =	ssyncadd.s32 $0xFFFFFF80  }
.LBB2_4:
0x2a4: {  	_ =	sfence.sel $0x180000  }
0x2a5: {  	[bflag:$0x0] =	sbarrier.arrive $0xFFFF  }
0x2a6: {  	_ =	strace $0x90000047  }
0x2a7: {  	[bflag:$0x2] =	sbarrier.arrive $0xFFFF  }
0x2a8: {  	s0 =	rddreg [dreg:$0x5]  }
0x2a9: {  	s0 =	sadd.s32 @!p0 $0x100000, s0  }
0x2aa: {  	[sflag:s0] =	ssyncadd.tile.s32 @!p0 $0x1;
	_ =	shalt  }
.Lfunc_end2:
_tile_overlayer_lowered:
.L_overlay_start_2:
0x2ab: {  	(tag) =	ssettag $0x2  }
0x2ac: {  	s0 =	rddreg [dreg:$0x0];
	s2 =	stileid.u32  }
0x2ad: {  	s1 =	rddreg [dreg:$0x1];
	p0 =	sne.s32 s2, $0x0  }
0x2ae: {  	s3 =	rddreg [dreg:$0x2];
	[bflag:$0x3] =	sbarrier.arrive $0xFFFF;
	s2 =	simm.s32 @!p0 $0x1C07  }
0x2af: {  	[timem:s3], [sflag:s2] =	dma.local @!p0 [hbm:s0], s1  }
0x2b0: {  	s0 =	simm.s32 @!p0 $0x7  }
0x2b1: {  	_ =	swait.ge @!p0 [sflag:s0], s1  }
0x2b2: {  	s1 =	ssub.s32 @!p0 $0x0, s1;
	[sflag:s0] =	ssyncset.done @!p0 $0x0  }
0x2b3: {  	[sflag:s0] =	ssyncadd.s32 @!p0 s1  }
0x2b4: {  	[bflag:$0x3] =	sbarrier.arrive $0xFFFF  }
0x2b5: {  	_ =	shalt  }

</sc_bundles>
